<compile_context>
chip_gen: v7x
topology: tpu7x:2x2x1
jax: 0.10.2.dev20260603
libtpu: 0.0.44.dev20260713+nightly
codegen_flags: <defaults>
</compile_context>

<pallas_src>
import functools

import jax
import jax.numpy as jnp
from jax import lax
from jax.experimental import pallas as pl
from jax.experimental.pallas import tpu as pltpu
from jax.experimental.pallas import tpu_sc as plsc

T = 2048; D = 2048; NH = 16; DH = 128; QS = 512; E = 8; TOPK = 2
F = 1024; SF = 1024; EPS = 1e-05
BT = 256
NT = T // BT
NPAD = 6144
NTM = NPAD // BT
TRASH = NPAD

_f32 = jnp.float32
_CP = pltpu.CompilerParams(vmem_limit_bytes=112 * 1024 * 1024)


def _dot(a, b):
    return lax.dot_general(a, b, (((1,), (0,)), ((), ())),
                           preferred_element_type=_f32)



def _prologue_body(hid, res_in, wqkv, wq, cq, sq, ck, sk,
                   q_out, k_out, v_out, res_out):
    res = hid[...] + res_in[...]
    res_out[...] = res
    h = res * lax.rsqrt(jnp.mean(res * res, axis=1, keepdims=True) + EPS)
    qkv = _dot(h, wqkv[...])
    q = qkv[:, :QS]
    k = qkv[:, QS:QS + DH]
    v = qkv[:, QS + DH:]
    qn = q * lax.rsqrt(jnp.mean(q * q, axis=1, keepdims=True) + EPS)
    qp = _dot(qn, wq[...])
    parts = []
    for h_i in range(NH):
        base = h_i * DH
        parts.append(qp[:, base + DH // 2:base + DH])
        parts.append(qp[:, base:base + DH // 2])
    qswap = jnp.concatenate(parts, axis=1)
    q_out[...] = qp * cq[...] + qswap * sq[...]
    kswap = jnp.concatenate([k[:, DH // 2:], k[:, :DH // 2]], axis=1)
    k_out[...] = k * ck[...] + kswap * sk[...]
    v_out[...] = v


def _prologue(hid, resid, wqkv_f, wq_f, cq, sq, ck, sk):
    return pl.pallas_call(
        _prologue_body,
        grid=(NT,),
        in_specs=[
            pl.BlockSpec((BT, D), lambda i: (i, 0)),
            pl.BlockSpec((BT, D), lambda i: (i, 0)),
            pl.BlockSpec((D, QS + 2 * DH), lambda i: (0, 0)),
            pl.BlockSpec((QS, NH * DH), lambda i: (0, 0)),
            pl.BlockSpec((BT, NH * DH), lambda i: (i, 0)),
            pl.BlockSpec((BT, NH * DH), lambda i: (i, 0)),
            pl.BlockSpec((BT, DH), lambda i: (i, 0)),
            pl.BlockSpec((BT, DH), lambda i: (i, 0)),
        ],
        out_specs=[
            pl.BlockSpec((BT, NH * DH), lambda i: (i, 0)),
            pl.BlockSpec((BT, DH), lambda i: (i, 0)),
            pl.BlockSpec((BT, DH), lambda i: (i, 0)),
            pl.BlockSpec((BT, D), lambda i: (i, 0)),
        ],
        out_shape=[
            jax.ShapeDtypeStruct((T, NH * DH), _f32),
            jax.ShapeDtypeStruct((T, DH), _f32),
            jax.ShapeDtypeStruct((T, DH), _f32),
            jax.ShapeDtypeStruct((T, D), _f32),
        ],
    )(hid, resid, wqkv_f, wq_f, cq, sq, ck, sk)



def _attn_body(q_ref, k_ref, v_ref, o_ref):
    i = pl.program_id(0)
    row = i * BT + lax.broadcasted_iota(jnp.int32, (BT, T), 0)
    col = lax.broadcasted_iota(jnp.int32, (BT, T), 1)
    neg = jnp.float32(-1e30)
    k = k_ref[...]
    v = v_ref[...]
    outs = []
    for h_i in range(NH):
        qh = q_ref[:, h_i * DH:(h_i + 1) * DH]
        s = lax.dot_general(qh, k, (((1,), (1,)), ((), ())),
                            preferred_element_type=_f32) * (DH ** -0.5)
        s = jnp.where(col <= row, s, neg)
        m = jnp.max(s, axis=1, keepdims=True)
        p = jnp.exp(s - m)
        l = jnp.sum(p, axis=1, keepdims=True)
        outs.append(_dot(p / l, v))
    o_ref[...] = jnp.concatenate(outs, axis=1)


def _attention(q, k, v):
    return pl.pallas_call(
        _attn_body,
        grid=(NT,),
        in_specs=[
            pl.BlockSpec((BT, NH * DH), lambda i: (i, 0)),
            pl.BlockSpec((T, DH), lambda i: (0, 0)),
            pl.BlockSpec((T, DH), lambda i: (0, 0)),
        ],
        out_specs=pl.BlockSpec((BT, NH * DH), lambda i: (i, 0)),
        out_shape=jax.ShapeDtypeStruct((T, NH * DH), _f32),
    )(q, k, v)



def _post_body(ao, res, wo, wlnp, wsgu, wsd, wg,
               res2_out, h2_out, share_out, pv_out, pi_out):
    attn = _dot(ao[...], wo[...])
    res2 = attn + res[...]
    res2_out[...] = res2
    h2 = res2 * lax.rsqrt(jnp.mean(res2 * res2, axis=1, keepdims=True) + EPS)
    h2 = h2 * wlnp[...]
    h2_out[...] = h2
    sgu = _dot(h2, wsgu[...])
    g1 = sgu[:, :SF]
    g2 = sgu[:, SF:]
    act = g1 * jax.nn.sigmoid(g1) * g2
    share_out[...] = _dot(act, wsd[...])
    logits = _dot(h2, wg[...])
    lane = lax.broadcasted_iota(jnp.int32, (BT, 128), 1)
    logits = jnp.where(lane < E, logits, jnp.float32(-1e30))
    m = jnp.max(logits, axis=1, keepdims=True)
    ex = jnp.exp(logits - m)
    probs = ex / jnp.sum(ex, axis=1, keepdims=True)
    m1 = jnp.max(probs, axis=1, keepdims=True)
    i1 = jnp.min(jnp.where(probs == m1, lane, 128), axis=1, keepdims=True)
    p2 = jnp.where(lane == i1, jnp.float32(-1.0), probs)
    m2 = jnp.max(p2, axis=1, keepdims=True)
    i2 = jnp.min(jnp.where(p2 == m2, lane, 128), axis=1, keepdims=True)
    wsum = m1 + m2
    w1 = m1 / wsum
    w2 = m2 / wsum
    pv_out[...] = jnp.where(lane == 0, w1, jnp.where(lane == 1, w2, 0.0))
    pi_out[...] = jnp.where(lane == 0, i1, jnp.where(lane == 1, i2, 0))


def _post(ao, res, w_o, wlnp2d, w_share_gu, w_share_down, wg_pad):
    return pl.pallas_call(
        _post_body,
        grid=(NT,),
        in_specs=[
            pl.BlockSpec((BT, NH * DH), lambda i: (i, 0)),
            pl.BlockSpec((BT, D), lambda i: (i, 0)),
            pl.BlockSpec((NH * DH, D), lambda i: (0, 0)),
            pl.BlockSpec((1, D), lambda i: (0, 0)),
            pl.BlockSpec((D, 2 * SF), lambda i: (0, 0)),
            pl.BlockSpec((SF, D), lambda i: (0, 0)),
            pl.BlockSpec((D, 128), lambda i: (0, 0)),
        ],
        out_specs=[
            pl.BlockSpec((BT, D), lambda i: (i, 0)),
            pl.BlockSpec((BT, D), lambda i: (i, 0)),
            pl.BlockSpec((BT, D), lambda i: (i, 0)),
            pl.BlockSpec((BT, 128), lambda i: (i, 0)),
            pl.BlockSpec((BT, 128), lambda i: (i, 0)),
        ],
        out_shape=[
            jax.ShapeDtypeStruct((T, D), _f32),
            jax.ShapeDtypeStruct((T, D), _f32),
            jax.ShapeDtypeStruct((T, D), _f32),
            jax.ShapeDtypeStruct((T, 128), _f32),
            jax.ShapeDtypeStruct((T, 128), jnp.int32),
        ],
        compiler_params=_CP,
    )(ao, res, w_o, wlnp2d, w_share_gu, w_share_down, wg_pad)



def _moe_body(meta_ref, xg, ws, wgu, wdn, h2g, p0g, p1g, eo):
    del h2g, p0g, p1g
    i = pl.program_id(0)

    @pl.when(meta_ref[1, i] > 0)
    def _():
        g = _dot(xg[...], wgu[0])
        g1 = g[:, :F]
        g2 = g[:, F:]
        act = g1 * jax.nn.sigmoid(g1) * g2
        act = act * ws[:, :1]
        eo[...] = _dot(act, wdn[0])


def _moe(meta, xg, ws2d, w_gu, w_down, h2, pos0_2d, pos1_2d):
    grid_spec = pltpu.PrefetchScalarGridSpec(
        num_scalar_prefetch=1,
        grid=(NTM,),
        in_specs=[
            pl.BlockSpec((BT, D), lambda i, m: (i, 0)),
            pl.BlockSpec((BT, 128), lambda i, m: (i, 0)),
            pl.BlockSpec((1, D, 2 * F), lambda i, m: (m[0, i], 0, 0)),
            pl.BlockSpec((1, F, D), lambda i, m: (m[0, i], 0, 0)),
            pl.BlockSpec((8, 128), lambda i, m: (0, 0)),
            pl.BlockSpec((8, _CH2), lambda i, m: (0, 0)),
            pl.BlockSpec((8, _CH2), lambda i, m: (0, 0)),
        ],
        out_specs=pl.BlockSpec((BT, D), lambda i, m: (i, 0)),
    )
    return pl.pallas_call(
        _moe_body,
        grid_spec=grid_spec,
        out_shape=jax.ShapeDtypeStruct((NPAD, D), _f32),
        compiler_params=_CP,
    )(meta, xg, ws2d, w_gu, w_down, h2, pos0_2d, pos1_2d)



_NC = 2
_NS = 16
_NW = _NC * _NS
_ROWS_W = NPAD // _NW
_CH = 24
_NCH = _ROWS_W // _CH


def _sc_mesh():
    return plsc.VectorSubcoreMesh(core_axis_name="c", subcore_axis_name="s")


def _sc_scratch():
    return [
        pltpu.VMEM((_NCH, _CH), jnp.int32),
        pltpu.VMEM((2, _CH, D), _f32),
        pltpu.SemaphoreType.DMA,
        pltpu.SemaphoreType.DMA,
        pltpu.SemaphoreType.DMA,
        pltpu.SemaphoreType.DMA,
    ]


def _sc_pipeline(nch, read_chunk, write_chunk, rows_v, gsems, wsems):
    gat = [None] * nch
    wrt = [None] * nch
    gat[0] = read_chunk(0, rows_v.at[0], gsems[0])
    for c in range(nch):
        if c + 1 < nch:
            if c - 1 >= 0:
                for d in wrt[c - 1]:
                    d.wait()
            gat[c + 1] = read_chunk(c + 1, rows_v.at[(c + 1) % 2],
                                    gsems[(c + 1) % 2])
        gat[c].wait()
        wrt[c] = write_chunk(c, rows_v.at[c % 2], wsems[c % 2])
    for c in (nch - 2, nch - 1):
        for d in wrt[c]:
            d.wait()


_TPW = T // _NW
_CH2 = 16
_NCH2 = _TPW // _CH2


def _dispatch_body(h2_hbm, pos0_hbm, pos1_hbm, out_hbm,
                   idx0_v, idx1_v, rows_v, s0, s1, s2, s3):
    wid = lax.axis_index("s") * _NC + lax.axis_index("c")
    base = wid * _TPW
    pltpu.sync_copy(pos0_hbm.at[pl.ds(wid * _NCH2, _NCH2)], idx0_v)
    pltpu.sync_copy(pos1_hbm.at[pl.ds(wid * _NCH2, _NCH2)], idx1_v)

    def read_chunk(c, buf, sem):
        return pltpu.async_copy(
            h2_hbm.at[pl.ds(base + c * _CH2, _CH2)], buf, sem)

    def write_chunk(c, buf, sem):
        return [pltpu.async_copy(buf, out_hbm.at[idx0_v.at[c]], sem),
                pltpu.async_copy(buf, out_hbm.at[idx1_v.at[c]], sem)]

    _sc_pipeline(_NCH2, read_chunk, write_chunk, rows_v, (s0, s1), (s2, s3))


def _dispatch(h2, pos0_2d, pos1_2d):
    return pl.kernel(
        _dispatch_body,
        out_type=jax.ShapeDtypeStruct((NPAD, D), _f32),
        mesh=_sc_mesh(),
        scratch_types=[
            pltpu.VMEM((_NCH2, _CH2), jnp.int32),
            pltpu.VMEM((_NCH2, _CH2), jnp.int32),
            pltpu.VMEM((2, _CH2, D), _f32),
            pltpu.SemaphoreType.DMA,
            pltpu.SemaphoreType.DMA,
            pltpu.SemaphoreType.DMA,
            pltpu.SemaphoreType.DMA,
        ],
    )(h2, pos0_2d, pos1_2d)


def _combine_body(eo_hbm, tgt_hbm, out_hbm, idx_v, rows_v, s0, s1, s2, s3):
    wid = lax.axis_index("s") * _NC + lax.axis_index("c")
    base = wid * _ROWS_W
    pltpu.sync_copy(tgt_hbm.at[pl.ds(wid * _NCH, _NCH)], idx_v)

    def read_chunk(c, buf, sem):
        return pltpu.async_copy(
            eo_hbm.at[pl.ds(base + c * _CH, _CH)], buf, sem)

    def write_chunk(c, buf, sem):
        return [pltpu.async_copy(buf, out_hbm.at[idx_v.at[c]], sem)]

    _sc_pipeline(_NCH, read_chunk, write_chunk, rows_v, (s0, s1), (s2, s3))


def _combine(eo, tgt2d):
    return pl.kernel(
        _combine_body,
        out_type=jax.ShapeDtypeStruct((2 * T + TRASH, D), _f32),
        mesh=_sc_mesh(),
        scratch_types=_sc_scratch(),
    )(eo, tgt2d)



def _final_body(share, b0, b1, eog, tgtg, out):
    del eog, tgtg
    out[...] = share[...] + b0[...] + b1[...]


def _final(share, buf, eo, tgt2d):
    return pl.pallas_call(
        _final_body,
        grid=(NT,),
        in_specs=[
            pl.BlockSpec((BT, D), lambda i: (i, 0)),
            pl.BlockSpec((BT, D), lambda i: (i, 0)),
            pl.BlockSpec((BT, D), lambda i: (i + NT, 0)),
            pl.BlockSpec((8, 128), lambda i: (0, 0)),
            pl.BlockSpec((8, _CH), lambda i: (0, 0)),
        ],
        out_specs=pl.BlockSpec((BT, D), lambda i: (i, 0)),
        out_shape=jax.ShapeDtypeStruct((T, D), _f32),
    )(share, buf, buf, eo, tgt2d)



def kernel(positions, hidden_states, residual, w_ln_in, w_qkv, w_inter,
           w_q, w_o, w_ln_post, w_gate, w_gu_experts, w_down_experts,
           w_share_gu, w_share_down):
    wqkv_f = w_ln_in[:, None] * w_qkv
    wq_f = w_inter[:, None] * w_q
    wlnp2d = w_ln_post.reshape(1, D)
    wg_pad = jnp.zeros((D, 128), _f32).at[:, :E].set(w_gate)
    inv = 1.0 / (10000.0 ** (jnp.arange(0, DH, 2, dtype=_f32) / DH))
    f = positions.astype(_f32)[:, None] * inv[None, :]
    cos = jnp.cos(f)
    sin = jnp.sin(f)
    ck = jnp.concatenate([cos, cos], axis=1)
    sk = jnp.concatenate([-sin, sin], axis=1)
    cq = jnp.tile(ck, (1, NH))
    sq = jnp.tile(sk, (1, NH))

    q, k, v, res = _prologue(hidden_states, residual, wqkv_f, wq_f,
                             cq, sq, ck, sk)
    ao = _attention(q, k, v)
    res2, h2, share, pv, pi = _post(ao, res, w_o, wlnp2d,
                                    w_share_gu, w_share_down, wg_pad)

    i32 = jnp.int32
    e_flat = jnp.stack([pi[:, 0], pi[:, 1]], axis=1).reshape(-1)
    w_flat = jnp.stack([pv[:, 0], pv[:, 1]], axis=1).reshape(-1)
    tok = jnp.arange(T, dtype=i32)
    tgt_tok = jnp.stack([tok, tok + T], axis=1).reshape(-1)
    oh = (e_flat[:, None] == jnp.arange(E, dtype=i32)[None, :]).astype(i32)
    counts = jnp.sum(oh, axis=0)
    rank = jnp.sum((jnp.cumsum(oh, axis=0) - oh) * oh, axis=1)
    cap = ((counts + BT - 1) // BT) * BT
    cum = jnp.cumsum(cap)
    off = cum - cap
    pos = off[e_flat] + rank
    ws = jnp.zeros((NPAD,), _f32).at[pos].set(w_flat)
    tgt = (2 * T + jnp.arange(NPAD, dtype=i32)).at[pos].set(tgt_tok)
    tile_base = jnp.arange(NTM, dtype=i32) * BT
    eid = jnp.minimum(
        jnp.sum(tile_base[:, None] >= cum[None, :], axis=1), E - 1)
    live = (tile_base < cum[E - 1]).astype(i32)
    meta = jnp.stack([eid.astype(i32), live], axis=0)

    pos2 = pos.reshape(T, 2)
    pos0_2d = pos2[:, 0].reshape(T // _CH2, _CH2)
    pos1_2d = pos2[:, 1].reshape(T // _CH2, _CH2)
    xg = _dispatch(h2, pos0_2d, pos1_2d)
    ws2d = jnp.broadcast_to(ws[:, None], (NPAD, 128))
    eo = _moe(meta, xg, ws2d, w_gu_experts, w_down_experts,
              h2, pos0_2d, pos1_2d)
    tgt2d = tgt.reshape(NPAD // _CH, _CH)
    buf = _combine(eo, tgt2d)
    out = _final(share, buf, eo, tgt2d)
    return out, res2

# --- scband reference (transcript-rebuilt; emitter-appended) ---
"""Pipeline reference for scband-step3-text-decoder-layer-953482740197 (READ-ONLY COPY).

The authoritative reference and input builder live on the scoring server;
editing this copy changes nothing except your own understanding.
"""

import jax, jax.numpy as jnp
import numpy as np

T = 2048; D = 2048; NH = 16; DH = 128; QS = 512; E = 8; TOPK = 2; F = 1024; SF = 1024; EPS = 1e-05

def rmsnorm(x, w, eps=EPS):
    v = jnp.mean(x * x, axis=-1, keepdims=True)
    return (x * jax.lax.rsqrt(v + eps)) * w

def rope_cos_sin(positions, dh, theta=10000.0):
    inv = 1.0 / (theta ** (jnp.arange(0, dh, 2, dtype=jnp.float32) / dh))
    f = positions.astype(jnp.float32)[:, None] * inv[None, :]
    return jnp.cos(f), jnp.sin(f)

def apply_rope(x, cos, sin):
    half = x.shape[-1] // 2
    x1 = x[..., :half]; x2 = x[..., half:]
    return jnp.concatenate([x1 * cos - x2 * sin, x2 * cos + x1 * sin], axis=-1)

def setup_inputs(seed: int = 0):
    key = jax.random.key(seed)
    ks = jax.random.split(key, 16)
    s = 0.02
    return {
        "positions": jnp.arange(T, dtype=jnp.int32),
        "hidden_states": jax.random.normal(ks[0], (T, D), jnp.float32),
        "residual": jax.random.normal(ks[1], (T, D), jnp.float32),
        "w_ln_in": jnp.ones((D,), jnp.float32),
        "w_qkv": jax.random.normal(ks[2], (D, QS + 2 * DH), jnp.float32) * s,
        "w_inter": jnp.ones((QS,), jnp.float32),
        "w_q": jax.random.normal(ks[3], (QS, NH * DH), jnp.float32) * s,
        "w_o": jax.random.normal(ks[4], (NH * DH, D), jnp.float32) * s,
        "w_ln_post": jnp.ones((D,), jnp.float32),
        "w_gate": jax.random.normal(ks[5], (D, E), jnp.float32) * s,
        "w_gu_experts": jax.random.normal(ks[6], (E, D, 2 * F), jnp.float32) * s,
        "w_down_experts": jax.random.normal(ks[7], (E, F, D), jnp.float32) * s,
        "w_share_gu": jax.random.normal(ks[8], (D, 2 * SF), jnp.float32) * s,
        "w_share_down": jax.random.normal(ks[9], (SF, D), jnp.float32) * s,
    }

def _forward(positions, hidden_states, residual, w_ln_in, w_qkv, w_inter, w_q, w_o, w_ln_post, w_gate, w_gu_experts, w_down_experts, w_share_gu, w_share_down):
    # input_layernorm with fused residual add (vLLM RMSNorm semantics)
    res = hidden_states + residual
    h = rmsnorm(res, w_ln_in)
    # Step3TextAttention: MQA, num_kv_heads=1, shared-q projection + inter RMSNorm + wq expand
    qkv = h @ w_qkv
    q = qkv[:, :QS]; k = qkv[:, QS:QS + DH]; v = qkv[:, QS + DH:]
    q = rmsnorm(q, w_inter)
    q = (q @ w_q).reshape(T, NH, DH)
    cos, sin = rope_cos_sin(positions, DH)
    q = apply_rope(q, cos[:, None, :], sin[:, None, :])
    k = apply_rope(k, cos, sin)
    scores = jnp.einsum('thd,sd->ths', q, k) * (DH ** -0.5)
    ti = jnp.arange(T)
    mask = ti[:, None] >= ti[None, :]
    scores = jnp.where(mask[:, None, :], scores, -1e30)
    att = jax.nn.softmax(scores, axis=-1)
    ao = jnp.einsum('ths,sd->thd', att, v).reshape(T, NH * DH)
    attn_out = ao @ w_o
    # post_attention_layernorm with fused residual add
    res2 = attn_out + res
    h2 = rmsnorm(res2, w_ln_post)
    # share expert (Step3TextMLP: SiluAndMul)
    sgu = h2 @ w_share_gu
    share_out = (jax.nn.silu(sgu[:, :SF]) * sgu[:, SF:]) @ w_share_down
    # FusedMoEBlock: gate -> softmax -> top-k -> renormalize -> expert MLPs -> weighted combine
    logits = h2 @ w_gate
    probs = jax.nn.softmax(logits, axis=-1)
    vals, idx = jax.lax.top_k(probs, TOPK)
    w = vals / jnp.sum(vals, axis=-1, keepdims=True)
    combine = jnp.zeros((T, E), probs.dtype).at[jnp.arange(T)[:, None], idx].add(w)
    gu = jnp.einsum('td,edf->etf', h2, w_gu_experts)
    act = jax.nn.silu(gu[..., :F]) * gu[..., F:]
    eo = jnp.einsum('etf,efd->etd', act, w_down_experts)
    moe_out = jnp.einsum('te,etd->td', combine, eo)
    return share_out + moe_out, res2

def reference(positions, hidden_states, residual, w_ln_in, w_qkv, w_inter, w_q, w_o, w_ln_post, w_gate, w_gu_experts, w_down_experts, w_share_gu, w_share_down):
    return _forward(positions, hidden_states, residual, w_ln_in, w_qkv, w_inter, w_q, w_o, w_ln_post, w_gate, w_gu_experts, w_down_experts, w_share_gu, w_share_down)

if __name__ == "__main__":
    import jax
    _d = setup_inputs()
    print(jax.jit(kernel)(*tuple(_d.values())))

</pallas_src>

<mosaic_0001>
#map = affine_map<(d0, d1) -> (0, 0)>
module attributes {stable_mosaic.version = 14 : i64} {
  func.func @_dispatch_body(%arg0: i32, %arg1: i32, %arg2: memref<2048x2048xf32, #tpu.memory_space<hbm>>, %arg3: memref<128x16xi32, #tpu.memory_space<hbm>>, %arg4: memref<128x16xi32, #tpu.memory_space<hbm>>, %arg5: memref<6144x2048xf32, #tpu.memory_space<hbm>>, %arg6: memref<4x16xi32, #tpu.memory_space<vmem>>, %arg7: memref<4x16xi32, #tpu.memory_space<vmem>>, %arg8: memref<2x16x2048xf32, #tpu.memory_space<vmem>>, %arg9: memref<!tpu.dma_semaphore, #tpu.memory_space<semaphore_mem>>, %arg10: memref<!tpu.dma_semaphore, #tpu.memory_space<semaphore_mem>>, %arg11: memref<!tpu.dma_semaphore, #tpu.memory_space<semaphore_mem>>, %arg12: memref<!tpu.dma_semaphore, #tpu.memory_space<semaphore_mem>>) attributes {dimension_semantics = [#tpu.dimension_semantics<core_parallel>, #tpu.dimension_semantics<subcore_parallel>], iteration_bounds = array<i64: 2, 16>, scalar_prefetch = 0 : i64, scratch_operands = 7 : i64, tpu.core_type = #tpu.core_type<sc_vector_subcore>, window_params = [{transform_indices = #map}, {transform_indices = #map}, {transform_indices = #map}, {transform_indices = #map}]} {
    %mul3A = arith.constant 2 : i32
    %mul3A_0 = arith.muli %arg1, %mul3A : i32
    %add3A = arith.addi %mul3A_0, %arg0 : i32
    %mul3A_1 = arith.constant 64 : i32
    %mul3A_2 = arith.muli %add3A, %mul3A_1 : i32
    %mul3A_3 = arith.constant 4 : i32
    %mul3A_4 = arith.muli %add3A, %mul3A_3 : i32
    "tpu.region"() ({
      %run_scoped3A = tpu.sem_alloc : memref<!tpu.dma_semaphore, #tpu.memory_space<semaphore_mem>>
      %dma_start3A_309 = arith.constant 0 : i32
      %dma_start3A_310 = tpu.memref_slice %arg3[%mul3A_4, %dma_start3A_309] : memref<128x16xi32, #tpu.memory_space<hbm>> -> memref<4x16xi32, #tpu.memory_space<hbm>>
      %dma_start3A_311 = arith.constant 0 : i32
      %dma_start3A_312 = tpu.memref_slice %arg3[%mul3A_4, %dma_start3A_311] : memref<128x16xi32, #tpu.memory_space<hbm>> -> memref<4x16xi32, #tpu.memory_space<hbm>>
      tpu.enqueue_dma source(%dma_start3A_312 : memref<4x16xi32, #tpu.memory_space<hbm>>) target(%arg6 : memref<4x16xi32, #tpu.memory_space<vmem>>) target_semaphore(%run_scoped3A : memref<!tpu.dma_semaphore, #tpu.memory_space<semaphore_mem>>)
      %dma_wait3A_313 = arith.constant 0 : i32
      %dma_wait3A_314 = tpu.memref_slice %arg3[%mul3A_4, %dma_wait3A_313] : memref<128x16xi32, #tpu.memory_space<hbm>> -> memref<4x16xi32, #tpu.memory_space<hbm>>
      %dma_wait3A_315 = arith.constant 0 : i32
      %dma_wait3A_316 = tpu.memref_slice %arg3[%mul3A_4, %dma_wait3A_315] : memref<128x16xi32, #tpu.memory_space<hbm>> -> memref<4x16xi32, #tpu.memory_space<hbm>>
      tpu.wait_dma2 semaphore(%run_scoped3A : memref<!tpu.dma_semaphore, #tpu.memory_space<semaphore_mem>>) src(%dma_wait3A_316 : memref<4x16xi32, #tpu.memory_space<hbm>>) dst(%arg6 : memref<4x16xi32, #tpu.memory_space<vmem>>)
      tpu.yield
    }) : () -> ()
    %mul3A_5 = arith.constant 4 : i32
    %mul3A_6 = arith.muli %add3A, %mul3A_5 : i32
    "tpu.region"() ({
      %run_scoped3A = tpu.sem_alloc : memref<!tpu.dma_semaphore, #tpu.memory_space<semaphore_mem>>
      %dma_start3A_309 = arith.constant 0 : i32
      %dma_start3A_310 = tpu.memref_slice %arg4[%mul3A_6, %dma_start3A_309] : memref<128x16xi32, #tpu.memory_space<hbm>> -> memref<4x16xi32, #tpu.memory_space<hbm>>
      %dma_start3A_311 = arith.constant 0 : i32
      %dma_start3A_312 = tpu.memref_slice %arg4[%mul3A_6, %dma_start3A_311] : memref<128x16xi32, #tpu.memory_space<hbm>> -> memref<4x16xi32, #tpu.memory_space<hbm>>
      tpu.enqueue_dma source(%dma_start3A_312 : memref<4x16xi32, #tpu.memory_space<hbm>>) target(%arg7 : memref<4x16xi32, #tpu.memory_space<vmem>>) target_semaphore(%run_scoped3A : memref<!tpu.dma_semaphore, #tpu.memory_space<semaphore_mem>>)
      %dma_wait3A_313 = arith.constant 0 : i32
      %dma_wait3A_314 = tpu.memref_slice %arg4[%mul3A_6, %dma_wait3A_313] : memref<128x16xi32, #tpu.memory_space<hbm>> -> memref<4x16xi32, #tpu.memory_space<hbm>>
      %dma_wait3A_315 = arith.constant 0 : i32
      %dma_wait3A_316 = tpu.memref_slice %arg4[%mul3A_6, %dma_wait3A_315] : memref<128x16xi32, #tpu.memory_space<hbm>> -> memref<4x16xi32, #tpu.memory_space<hbm>>
      tpu.wait_dma2 semaphore(%run_scoped3A : memref<!tpu.dma_semaphore, #tpu.memory_space<semaphore_mem>>) src(%dma_wait3A_316 : memref<4x16xi32, #tpu.memory_space<hbm>>) dst(%arg7 : memref<4x16xi32, #tpu.memory_space<vmem>>)
      tpu.yield
    }) : () -> ()
    %add3A_7 = arith.constant 0 : i32
    %add3A_8 = arith.addi %mul3A_2, %add3A_7 : i32
    %dma_start3A = arith.constant 0 : i32
    %dma_start3A_9 = arith.constant 0 : i32
    %dma_start3A_10 = arith.constant 0 : i32
    %dma_start3A_11 = tpu.memref_slice %arg8[%dma_start3A, %dma_start3A_9, %dma_start3A_10] : memref<2x16x2048xf32, #tpu.memory_space<vmem>> -> memref<1x16x2048xf32, #tpu.memory_space<vmem>>
    %dma_start3A_12 = tpu.memref_squeeze %dma_start3A_11 : memref<1x16x2048xf32, #tpu.memory_space<vmem>> -> memref<16x2048xf32, #tpu.memory_space<vmem>>
    %dma_start3A_13 = arith.constant 0 : i32
    %dma_start3A_14 = tpu.memref_slice %arg2[%add3A_8, %dma_start3A_13] : memref<2048x2048xf32, #tpu.memory_space<hbm>> -> memref<16x2048xf32, #tpu.memory_space<hbm>>
    %dma_start3A_15 = arith.constant 0 : i32
    %dma_start3A_16 = arith.constant 0 : i32
    %dma_start3A_17 = tpu.memref_slice %arg8[%dma_start3A, %dma_start3A_15, %dma_start3A_16] : memref<2x16x2048xf32, #tpu.memory_space<vmem>> -> memref<1x16x2048xf32, #tpu.memory_space<vmem>>
    %dma_start3A_18 = tpu.memref_squeeze %dma_start3A_17 : memref<1x16x2048xf32, #tpu.memory_space<vmem>> -> memref<16x2048xf32, #tpu.memory_space<vmem>>
    %dma_start3A_19 = arith.constant 0 : i32
    %dma_start3A_20 = tpu.memref_slice %arg2[%add3A_8, %dma_start3A_19] : memref<2048x2048xf32, #tpu.memory_space<hbm>> -> memref<16x2048xf32, #tpu.memory_space<hbm>>
    tpu.enqueue_dma source(%dma_start3A_20 : memref<16x2048xf32, #tpu.memory_space<hbm>>) target(%dma_start3A_18 : memref<16x2048xf32, #tpu.memory_space<vmem>>) target_semaphore(%arg9 : memref<!tpu.dma_semaphore, #tpu.memory_space<semaphore_mem>>)
    %add3A_21 = arith.constant 16 : i32
    %add3A_22 = arith.addi %mul3A_2, %add3A_21 : i32
    %dma_start3A_23 = arith.constant 1 : i32
    %dma_start3A_24 = arith.constant 0 : i32
    %dma_start3A_25 = arith.constant 0 : i32
    %dma_start3A_26 = tpu.memref_slice %arg8[%dma_start3A_23, %dma_start3A_24, %dma_start3A_25] : memref<2x16x2048xf32, #tpu.memory_space<vmem>> -> memref<1x16x2048xf32, #tpu.memory_space<vmem>>
    %dma_start3A_27 = tpu.memref_squeeze %dma_start3A_26 : memref<1x16x2048xf32, #tpu.memory_space<vmem>> -> memref<16x2048xf32, #tpu.memory_space<vmem>>
    %dma_start3A_28 = arith.constant 0 : i32
    %dma_start3A_29 = tpu.memref_slice %arg2[%add3A_22, %dma_start3A_28] : memref<2048x2048xf32, #tpu.memory_space<hbm>> -> memref<16x2048xf32, #tpu.memory_space<hbm>>
    %dma_start3A_30 = arith.constant 0 : i32
    %dma_start3A_31 = arith.constant 0 : i32
    %dma_start3A_32 = tpu.memref_slice %arg8[%dma_start3A_23, %dma_start3A_30, %dma_start3A_31] : memref<2x16x2048xf32, #tpu.memory_space<vmem>> -> memref<1x16x2048xf32, #tpu.memory_space<vmem>>
    %dma_start3A_33 = tpu.memref_squeeze %dma_start3A_32 : memref<1x16x2048xf32, #tpu.memory_space<vmem>> -> memref<16x2048xf32, #tpu.memory_space<vmem>>
    %dma_start3A_34 = arith.constant 0 : i32
    %dma_start3A_35 = tpu.memref_slice %arg2[%add3A_22, %dma_start3A_34] : memref<2048x2048xf32, #tpu.memory_space<hbm>> -> memref<16x2048xf32, #tpu.memory_space<hbm>>
    tpu.enqueue_dma source(%dma_start3A_35 : memref<16x2048xf32, #tpu.memory_space<hbm>>) target(%dma_start3A_33 : memref<16x2048xf32, #tpu.memory_space<vmem>>) target_semaphore(%arg10 : memref<!tpu.dma_semaphore, #tpu.memory_space<semaphore_mem>>)
    %dma_wait3A = arith.constant 0 : i32
    %dma_wait3A_36 = arith.constant 0 : i32
    %dma_wait3A_37 = arith.constant 0 : i32
    %dma_wait3A_38 = tpu.memref_slice %arg8[%dma_wait3A, %dma_wait3A_36, %dma_wait3A_37] : memref<2x16x2048xf32, #tpu.memory_space<vmem>> -> memref<1x16x2048xf32, #tpu.memory_space<vmem>>
    %dma_wait3A_39 = tpu.memref_squeeze %dma_wait3A_38 : memref<1x16x2048xf32, #tpu.memory_space<vmem>> -> memref<16x2048xf32, #tpu.memory_space<vmem>>
    %dma_wait3A_40 = arith.constant 0 : i32
    %dma_wait3A_41 = tpu.memref_slice %arg2[%add3A_8, %dma_wait3A_40] : memref<2048x2048xf32, #tpu.memory_space<hbm>> -> memref<16x2048xf32, #tpu.memory_space<hbm>>
    %dma_wait3A_42 = arith.constant 0 : i32
    %dma_wait3A_43 = arith.constant 0 : i32
    %dma_wait3A_44 = tpu.memref_slice %arg8[%dma_wait3A, %dma_wait3A_42, %dma_wait3A_43] : memref<2x16x2048xf32, #tpu.memory_space<vmem>> -> memref<1x16x2048xf32, #tpu.memory_space<vmem>>
    %dma_wait3A_45 = tpu.memref_squeeze %dma_wait3A_44 : memref<1x16x2048xf32, #tpu.memory_space<vmem>> -> memref<16x2048xf32, #tpu.memory_space<vmem>>
    %dma_wait3A_46 = arith.constant 0 : i32
    %dma_wait3A_47 = tpu.memref_slice %arg2[%add3A_8, %dma_wait3A_46] : memref<2048x2048xf32, #tpu.memory_space<hbm>> -> memref<16x2048xf32, #tpu.memory_space<hbm>>
    tpu.wait_dma2 semaphore(%arg9 : memref<!tpu.dma_semaphore, #tpu.memory_space<semaphore_mem>>) src(%dma_wait3A_47 : memref<16x2048xf32, #tpu.memory_space<hbm>>) dst(%dma_wait3A_45 : memref<16x2048xf32, #tpu.memory_space<vmem>>)
    %dma_start3A_48 = arith.constant 0 : i32
    %dma_start3A_49 = arith.constant 0 : i32
    %dma_start3A_50 = arith.constant 0 : i32
    %dma_start3A_51 = arith.constant 0 : i32
    %dma_start3A_52 = tpu.memref_slice %arg8[%dma_start3A_48, %dma_start3A_50, %dma_start3A_51] : memref<2x16x2048xf32, #tpu.memory_space<vmem>> -> memref<1x16x2048xf32, #tpu.memory_space<vmem>>
    %dma_start3A_53 = tpu.memref_squeeze %dma_start3A_52 : memref<1x16x2048xf32, #tpu.memory_space<vmem>> -> memref<16x2048xf32, #tpu.memory_space<vmem>>
    %dma_start3A_54 = arith.constant 0 : i32
    %dma_start3A_55 = tpu.memref_slice %arg6[%dma_start3A_49, %dma_start3A_54] : memref<4x16xi32, #tpu.memory_space<vmem>> -> memref<1x16xi32, #tpu.memory_space<vmem>>
    %dma_start3A_56 = tpu.memref_squeeze %dma_start3A_55 : memref<1x16xi32, #tpu.memory_space<vmem>> -> memref<16xi32, #tpu.memory_space<vmem>>
    %dma_start3A_57 = arith.constant 0 : i32
    %dma_start3A_58 = arith.constant 0 : i32
    %dma_start3A_59 = tpu.memref_slice %arg5[%dma_start3A_57, %dma_start3A_58] : memref<6144x2048xf32, #tpu.memory_space<hbm>> -> memref<6144x2048xf32, #tpu.memory_space<hbm>>
    tpu.enqueue_indirect_dma source(%dma_start3A_53 : memref<16x2048xf32, #tpu.memory_space<vmem>>) target(%dma_start3A_59 : memref<6144x2048xf32, #tpu.memory_space<hbm>>) offsets(%dma_start3A_56 : memref<16xi32, #tpu.memory_space<vmem>>) semaphore(%arg11 : memref<!tpu.dma_semaphore, #tpu.memory_space<semaphore_mem>>)
    %dma_start3A_60 = arith.constant 0 : i32
    %dma_start3A_61 = arith.constant 0 : i32
    %dma_start3A_62 = arith.constant 0 : i32
    %dma_start3A_63 = arith.constant 0 : i32
    %dma_start3A_64 = tpu.memref_slice %arg8[%dma_start3A_60, %dma_start3A_62, %dma_start3A_63] : memref<2x16x2048xf32, #tpu.memory_space<vmem>> -> memref<1x16x2048xf32, #tpu.memory_space<vmem>>
    %dma_start3A_65 = tpu.memref_squeeze %dma_start3A_64 : memref<1x16x2048xf32, #tpu.memory_space<vmem>> -> memref<16x2048xf32, #tpu.memory_space<vmem>>
    %dma_start3A_66 = arith.constant 0 : i32
    %dma_start3A_67 = tpu.memref_slice %arg7[%dma_start3A_61, %dma_start3A_66] : memref<4x16xi32, #tpu.memory_space<vmem>> -> memref<1x16xi32, #tpu.memory_space<vmem>>
    %dma_start3A_68 = tpu.memref_squeeze %dma_start3A_67 : memref<1x16xi32, #tpu.memory_space<vmem>> -> memref<16xi32, #tpu.memory_space<vmem>>
    %dma_start3A_69 = arith.constant 0 : i32
    %dma_start3A_70 = arith.constant 0 : i32
    %dma_start3A_71 = tpu.memref_slice %arg5[%dma_start3A_69, %dma_start3A_70] : memref<6144x2048xf32, #tpu.memory_space<hbm>> -> memref<6144x2048xf32, #tpu.memory_space<hbm>>
    tpu.enqueue_indirect_dma source(%dma_start3A_65 : memref<16x2048xf32, #tpu.memory_space<vmem>>) target(%dma_start3A_71 : memref<6144x2048xf32, #tpu.memory_space<hbm>>) offsets(%dma_start3A_68 : memref<16xi32, #tpu.memory_space<vmem>>) semaphore(%arg11 : memref<!tpu.dma_semaphore, #tpu.memory_space<semaphore_mem>>)
    %dma_wait3A_72 = arith.constant 0 : i32
    %dma_wait3A_73 = arith.constant 0 : i32
    %dma_wait3A_74 = arith.constant 0 : i32
    %dma_wait3A_75 = arith.constant 0 : i32
    %dma_wait3A_76 = tpu.memref_slice %arg8[%dma_wait3A_72, %dma_wait3A_74, %dma_wait3A_75] : memref<2x16x2048xf32, #tpu.memory_space<vmem>> -> memref<1x16x2048xf32, #tpu.memory_space<vmem>>
    %dma_wait3A_77 = tpu.memref_squeeze %dma_wait3A_76 : memref<1x16x2048xf32, #tpu.memory_space<vmem>> -> memref<16x2048xf32, #tpu.memory_space<vmem>>
    %dma_wait3A_78 = arith.constant 0 : i32
    %dma_wait3A_79 = tpu.memref_slice %arg6[%dma_wait3A_73, %dma_wait3A_78] : memref<4x16xi32, #tpu.memory_space<vmem>> -> memref<1x16xi32, #tpu.memory_space<vmem>>
    %dma_wait3A_80 = tpu.memref_squeeze %dma_wait3A_79 : memref<1x16xi32, #tpu.memory_space<vmem>> -> memref<16xi32, #tpu.memory_space<vmem>>
    %dma_wait3A_81 = arith.constant 0 : i32
    %dma_wait3A_82 = arith.constant 0 : i32
    %dma_wait3A_83 = tpu.memref_slice %arg5[%dma_wait3A_81, %dma_wait3A_82] : memref<6144x2048xf32, #tpu.memory_space<hbm>> -> memref<6144x2048xf32, #tpu.memory_space<hbm>>
    tpu.wait_indirect_dma semaphore(%arg11 : memref<!tpu.dma_semaphore, #tpu.memory_space<semaphore_mem>>) src(%dma_wait3A_77 : memref<16x2048xf32, #tpu.memory_space<vmem>>) dst(%dma_wait3A_83 : memref<6144x2048xf32, #tpu.memory_space<hbm>>)
    %dma_wait3A_84 = arith.constant 0 : i32
    %dma_wait3A_85 = arith.constant 0 : i32
    %dma_wait3A_86 = arith.constant 0 : i32
    %dma_wait3A_87 = arith.constant 0 : i32
    %dma_wait3A_88 = tpu.memref_slice %arg8[%dma_wait3A_84, %dma_wait3A_86, %dma_wait3A_87] : memref<2x16x2048xf32, #tpu.memory_space<vmem>> -> memref<1x16x2048xf32, #tpu.memory_space<vmem>>
    %dma_wait3A_89 = tpu.memref_squeeze %dma_wait3A_88 : memref<1x16x2048xf32, #tpu.memory_space<vmem>> -> memref<16x2048xf32, #tpu.memory_space<vmem>>
    %dma_wait3A_90 = arith.constant 0 : i32
    %dma_wait3A_91 = tpu.memref_slice %arg7[%dma_wait3A_85, %dma_wait3A_90] : memref<4x16xi32, #tpu.memory_space<vmem>> -> memref<1x16xi32, #tpu.memory_space<vmem>>
    %dma_wait3A_92 = tpu.memref_squeeze %dma_wait3A_91 : memref<1x16xi32, #tpu.memory_space<vmem>> -> memref<16xi32, #tpu.memory_space<vmem>>
    %dma_wait3A_93 = arith.constant 0 : i32
    %dma_wait3A_94 = arith.constant 0 : i32
    %dma_wait3A_95 = tpu.memref_slice %arg5[%dma_wait3A_93, %dma_wait3A_94] : memref<6144x2048xf32, #tpu.memory_space<hbm>> -> memref<6144x2048xf32, #tpu.memory_space<hbm>>
    tpu.wait_indirect_dma semaphore(%arg11 : memref<!tpu.dma_semaphore, #tpu.memory_space<semaphore_mem>>) src(%dma_wait3A_89 : memref<16x2048xf32, #tpu.memory_space<vmem>>) dst(%dma_wait3A_95 : memref<6144x2048xf32, #tpu.memory_space<hbm>>)
    %add3A_96 = arith.constant 32 : i32
    %add3A_97 = arith.addi %mul3A_2, %add3A_96 : i32
    %dma_start3A_98 = arith.constant 0 : i32
    %dma_start3A_99 = arith.constant 0 : i32
    %dma_start3A_100 = arith.constant 0 : i32
    %dma_start3A_101 = tpu.memref_slice %arg8[%dma_start3A_98, %dma_start3A_99, %dma_start3A_100] : memref<2x16x2048xf32, #tpu.memory_space<vmem>> -> memref<1x16x2048xf32, #tpu.memory_space<vmem>>
    %dma_start3A_102 = tpu.memref_squeeze %dma_start3A_101 : memref<1x16x2048xf32, #tpu.memory_space<vmem>> -> memref<16x2048xf32, #tpu.memory_space<vmem>>
    %dma_start3A_103 = arith.constant 0 : i32
    %dma_start3A_104 = tpu.memref_slice %arg2[%add3A_97, %dma_start3A_103] : memref<2048x2048xf32, #tpu.memory_space<hbm>> -> memref<16x2048xf32, #tpu.memory_space<hbm>>
    %dma_start3A_105 = arith.constant 0 : i32
    %dma_start3A_106 = arith.constant 0 : i32
    %dma_start3A_107 = tpu.memref_slice %arg8[%dma_start3A_98, %dma_start3A_105, %dma_start3A_106] : memref<2x16x2048xf32, #tpu.memory_space<vmem>> -> memref<1x16x2048xf32, #tpu.memory_space<vmem>>
    %dma_start3A_108 = tpu.memref_squeeze %dma_start3A_107 : memref<1x16x2048xf32, #tpu.memory_space<vmem>> -> memref<16x2048xf32, #tpu.memory_space<vmem>>
    %dma_start3A_109 = arith.constant 0 : i32
    %dma_start3A_110 = tpu.memref_slice %arg2[%add3A_97, %dma_start3A_109] : memref<2048x2048xf32, #tpu.memory_space<hbm>> -> memref<16x2048xf32, #tpu.memory_space<hbm>>
    tpu.enqueue_dma source(%dma_start3A_110 : memref<16x2048xf32, #tpu.memory_space<hbm>>) target(%dma_start3A_108 : memref<16x2048xf32, #tpu.memory_space<vmem>>) target_semaphore(%arg9 : memref<!tpu.dma_semaphore, #tpu.memory_space<semaphore_mem>>)
    %dma_wait3A_111 = arith.constant 1 : i32
    %dma_wait3A_112 = arith.constant 0 : i32
    %dma_wait3A_113 = arith.constant 0 : i32
    %dma_wait3A_114 = tpu.memref_slice %arg8[%dma_wait3A_111, %dma_wait3A_112, %dma_wait3A_113] : memref<2x16x2048xf32, #tpu.memory_space<vmem>> -> memref<1x16x2048xf32, #tpu.memory_space<vmem>>
    %dma_wait3A_115 = tpu.memref_squeeze %dma_wait3A_114 : memref<1x16x2048xf32, #tpu.memory_space<vmem>> -> memref<16x2048xf32, #tpu.memory_space<vmem>>
    %dma_wait3A_116 = arith.constant 0 : i32
    %dma_wait3A_117 = tpu.memref_slice %arg2[%add3A_22, %dma_wait3A_116] : memref<2048x2048xf32, #tpu.memory_space<hbm>> -> memref<16x2048xf32, #tpu.memory_space<hbm>>
    %dma_wait3A_118 = arith.constant 0 : i32
    %dma_wait3A_119 = arith.constant 0 : i32
    %dma_wait3A_120 = tpu.memref_slice %arg8[%dma_wait3A_111, %dma_wait3A_118, %dma_wait3A_119] : memref<2x16x2048xf32, #tpu.memory_space<vmem>> -> memref<1x16x2048xf32, #tpu.memory_space<vmem>>
    %dma_wait3A_121 = tpu.memref_squeeze %dma_wait3A_120 : memref<1x16x2048xf32, #tpu.memory_space<vmem>> -> memref<16x2048xf32, #tpu.memory_space<vmem>>
    %dma_wait3A_122 = arith.constant 0 : i32
    %dma_wait3A_123 = tpu.memref_slice %arg2[%add3A_22, %dma_wait3A_122] : memref<2048x2048xf32, #tpu.memory_space<hbm>> -> memref<16x2048xf32, #tpu.memory_space<hbm>>
    tpu.wait_dma2 semaphore(%arg10 : memref<!tpu.dma_semaphore, #tpu.memory_space<semaphore_mem>>) src(%dma_wait3A_123 : memref<16x2048xf32, #tpu.memory_space<hbm>>) dst(%dma_wait3A_121 : memref<16x2048xf32, #tpu.memory_space<vmem>>)
    %dma_start3A_124 = arith.constant 1 : i32
    %dma_start3A_125 = arith.constant 1 : i32
    %dma_start3A_126 = arith.constant 0 : i32
    %dma_start3A_127 = arith.constant 0 : i32
    %dma_start3A_128 = tpu.memref_slice %arg8[%dma_start3A_124, %dma_start3A_126, %dma_start3A_127] : memref<2x16x2048xf32, #tpu.memory_space<vmem>> -> memref<1x16x2048xf32, #tpu.memory_space<vmem>>
    %dma_start3A_129 = tpu.memref_squeeze %dma_start3A_128 : memref<1x16x2048xf32, #tpu.memory_space<vmem>> -> memref<16x2048xf32, #tpu.memory_space<vmem>>
    %dma_start3A_130 = arith.constant 0 : i32
    %dma_start3A_131 = tpu.memref_slice %arg6[%dma_start3A_125, %dma_start3A_130] : memref<4x16xi32, #tpu.memory_space<vmem>> -> memref<1x16xi32, #tpu.memory_space<vmem>>
    %dma_start3A_132 = tpu.memref_squeeze %dma_start3A_131 : memref<1x16xi32, #tpu.memory_space<vmem>> -> memref<16xi32, #tpu.memory_space<vmem>>
    %dma_start3A_133 = arith.constant 0 : i32
    %dma_start3A_134 = arith.constant 0 : i32
    %dma_start3A_135 = tpu.memref_slice %arg5[%dma_start3A_133, %dma_start3A_134] : memref<6144x2048xf32, #tpu.memory_space<hbm>> -> memref<6144x2048xf32, #tpu.memory_space<hbm>>
    tpu.enqueue_indirect_dma source(%dma_start3A_129 : memref<16x2048xf32, #tpu.memory_space<vmem>>) target(%dma_start3A_135 : memref<6144x2048xf32, #tpu.memory_space<hbm>>) offsets(%dma_start3A_132 : memref<16xi32, #tpu.memory_space<vmem>>) semaphore(%arg12 : memref<!tpu.dma_semaphore, #tpu.memory_space<semaphore_mem>>)
    %dma_start3A_136 = arith.constant 1 : i32
    %dma_start3A_137 = arith.constant 1 : i32
    %dma_start3A_138 = arith.constant 0 : i32
    %dma_start3A_139 = arith.constant 0 : i32
    %dma_start3A_140 = tpu.memref_slice %arg8[%dma_start3A_136, %dma_start3A_138, %dma_start3A_139] : memref<2x16x2048xf32, #tpu.memory_space<vmem>> -> memref<1x16x2048xf32, #tpu.memory_space<vmem>>
    %dma_start3A_141 = tpu.memref_squeeze %dma_start3A_140 : memref<1x16x2048xf32, #tpu.memory_space<vmem>> -> memref<16x2048xf32, #tpu.memory_space<vmem>>
    %dma_start3A_142 = arith.constant 0 : i32
    %dma_start3A_143 = tpu.memref_slice %arg7[%dma_start3A_137, %dma_start3A_142] : memref<4x16xi32, #tpu.memory_space<vmem>> -> memref<1x16xi32, #tpu.memory_space<vmem>>
    %dma_start3A_144 = tpu.memref_squeeze %dma_start3A_143 : memref<1x16xi32, #tpu.memory_space<vmem>> -> memref<16xi32, #tpu.memory_space<vmem>>
    %dma_start3A_145 = arith.constant 0 : i32
    %dma_start3A_146 = arith.constant 0 : i32
    %dma_start3A_147 = tpu.memref_slice %arg5[%dma_start3A_145, %dma_start3A_146] : memref<6144x2048xf32, #tpu.memory_space<hbm>> -> memref<6144x2048xf32, #tpu.memory_space<hbm>>
    tpu.enqueue_indirect_dma source(%dma_start3A_141 : memref<16x2048xf32, #tpu.memory_space<vmem>>) target(%dma_start3A_147 : memref<6144x2048xf32, #tpu.memory_space<hbm>>) offsets(%dma_start3A_144 : memref<16xi32, #tpu.memory_space<vmem>>) semaphore(%arg12 : memref<!tpu.dma_semaphore, #tpu.memory_space<semaphore_mem>>)
    %dma_wait3A_148 = arith.constant 1 : i32
    %dma_wait3A_149 = arith.constant 1 : i32
    %dma_wait3A_150 = arith.constant 0 : i32
    %dma_wait3A_151 = arith.constant 0 : i32
    %dma_wait3A_152 = tpu.memref_slice %arg8[%dma_wait3A_148, %dma_wait3A_150, %dma_wait3A_151] : memref<2x16x2048xf32, #tpu.memory_space<vmem>> -> memref<1x16x2048xf32, #tpu.memory_space<vmem>>
    %dma_wait3A_153 = tpu.memref_squeeze %dma_wait3A_152 : memref<1x16x2048xf32, #tpu.memory_space<vmem>> -> memref<16x2048xf32, #tpu.memory_space<vmem>>
    %dma_wait3A_154 = arith.constant 0 : i32
    %dma_wait3A_155 = tpu.memref_slice %arg6[%dma_wait3A_149, %dma_wait3A_154] : memref<4x16xi32, #tpu.memory_space<vmem>> -> memref<1x16xi32, #tpu.memory_space<vmem>>
    %dma_wait3A_156 = tpu.memref_squeeze %dma_wait3A_155 : memref<1x16xi32, #tpu.memory_space<vmem>> -> memref<16xi32, #tpu.memory_space<vmem>>
    %dma_wait3A_157 = arith.constant 0 : i32
    %dma_wait3A_158 = arith.constant 0 : i32
    %dma_wait3A_159 = tpu.memref_slice %arg5[%dma_wait3A_157, %dma_wait3A_158] : memref<6144x2048xf32, #tpu.memory_space<hbm>> -> memref<6144x2048xf32, #tpu.memory_space<hbm>>
    tpu.wait_indirect_dma semaphore(%arg12 : memref<!tpu.dma_semaphore, #tpu.memory_space<semaphore_mem>>) src(%dma_wait3A_153 : memref<16x2048xf32, #tpu.memory_space<vmem>>) dst(%dma_wait3A_159 : memref<6144x2048xf32, #tpu.memory_space<hbm>>)
    %dma_wait3A_160 = arith.constant 1 : i32
    %dma_wait3A_161 = arith.constant 1 : i32
    %dma_wait3A_162 = arith.constant 0 : i32
    %dma_wait3A_163 = arith.constant 0 : i32
    %dma_wait3A_164 = tpu.memref_slice %arg8[%dma_wait3A_160, %dma_wait3A_162, %dma_wait3A_163] : memref<2x16x2048xf32, #tpu.memory_space<vmem>> -> memref<1x16x2048xf32, #tpu.memory_space<vmem>>
    %dma_wait3A_165 = tpu.memref_squeeze %dma_wait3A_164 : memref<1x16x2048xf32, #tpu.memory_space<vmem>> -> memref<16x2048xf32, #tpu.memory_space<vmem>>
    %dma_wait3A_166 = arith.constant 0 : i32
    %dma_wait3A_167 = tpu.memref_slice %arg7[%dma_wait3A_161, %dma_wait3A_166] : memref<4x16xi32, #tpu.memory_space<vmem>> -> memref<1x16xi32, #tpu.memory_space<vmem>>
    %dma_wait3A_168 = tpu.memref_squeeze %dma_wait3A_167 : memref<1x16xi32, #tpu.memory_space<vmem>> -> memref<16xi32, #tpu.memory_space<vmem>>
    %dma_wait3A_169 = arith.constant 0 : i32
    %dma_wait3A_170 = arith.constant 0 : i32
    %dma_wait3A_171 = tpu.memref_slice %arg5[%dma_wait3A_169, %dma_wait3A_170] : memref<6144x2048xf32, #tpu.memory_space<hbm>> -> memref<6144x2048xf32, #tpu.memory_space<hbm>>
    tpu.wait_indirect_dma semaphore(%arg12 : memref<!tpu.dma_semaphore, #tpu.memory_space<semaphore_mem>>) src(%dma_wait3A_165 : memref<16x2048xf32, #tpu.memory_space<vmem>>) dst(%dma_wait3A_171 : memref<6144x2048xf32, #tpu.memory_space<hbm>>)
    %add3A_172 = arith.constant 48 : i32
    %add3A_173 = arith.addi %mul3A_2, %add3A_172 : i32
    %dma_start3A_174 = arith.constant 1 : i32
    %dma_start3A_175 = arith.constant 0 : i32
    %dma_start3A_176 = arith.constant 0 : i32
    %dma_start3A_177 = tpu.memref_slice %arg8[%dma_start3A_174, %dma_start3A_175, %dma_start3A_176] : memref<2x16x2048xf32, #tpu.memory_space<vmem>> -> memref<1x16x2048xf32, #tpu.memory_space<vmem>>
    %dma_start3A_178 = tpu.memref_squeeze %dma_start3A_177 : memref<1x16x2048xf32, #tpu.memory_space<vmem>> -> memref<16x2048xf32, #tpu.memory_space<vmem>>
    %dma_start3A_179 = arith.constant 0 : i32
    %dma_start3A_180 = tpu.memref_slice %arg2[%add3A_173, %dma_start3A_179] : memref<2048x2048xf32, #tpu.memory_space<hbm>> -> memref<16x2048xf32, #tpu.memory_space<hbm>>
    %dma_start3A_181 = arith.constant 0 : i32
    %dma_start3A_182 = arith.constant 0 : i32
    %dma_start3A_183 = tpu.memref_slice %arg8[%dma_start3A_174, %dma_start3A_181, %dma_start3A_182] : memref<2x16x2048xf32, #tpu.memory_space<vmem>> -> memref<1x16x2048xf32, #tpu.memory_space<vmem>>
    %dma_start3A_184 = tpu.memref_squeeze %dma_start3A_183 : memref<1x16x2048xf32, #tpu.memory_space<vmem>> -> memref<16x2048xf32, #tpu.memory_space<vmem>>
    %dma_start3A_185 = arith.constant 0 : i32
    %dma_start3A_186 = tpu.memref_slice %arg2[%add3A_173, %dma_start3A_185] : memref<2048x2048xf32, #tpu.memory_space<hbm>> -> memref<16x2048xf32, #tpu.memory_space<hbm>>
    tpu.enqueue_dma source(%dma_start3A_186 : memref<16x2048xf32, #tpu.memory_space<hbm>>) target(%dma_start3A_184 : memref<16x2048xf32, #tpu.memory_space<vmem>>) target_semaphore(%arg10 : memref<!tpu.dma_semaphore, #tpu.memory_space<semaphore_mem>>)
    %dma_wait3A_187 = arith.constant 0 : i32
    %dma_wait3A_188 = arith.constant 0 : i32
    %dma_wait3A_189 = arith.constant 0 : i32
    %dma_wait3A_190 = tpu.memref_slice %arg8[%dma_wait3A_187, %dma_wait3A_188, %dma_wait3A_189] : memref<2x16x2048xf32, #tpu.memory_space<vmem>> -> memref<1x16x2048xf32, #tpu.memory_space<vmem>>
    %dma_wait3A_191 = tpu.memref_squeeze %dma_wait3A_190 : memref<1x16x2048xf32, #tpu.memory_space<vmem>> -> memref<16x2048xf32, #tpu.memory_space<vmem>>
    %dma_wait3A_192 = arith.constant 0 : i32
    %dma_wait3A_193 = tpu.memref_slice %arg2[%add3A_97, %dma_wait3A_192] : memref<2048x2048xf32, #tpu.memory_space<hbm>> -> memref<16x2048xf32, #tpu.memory_space<hbm>>
    %dma_wait3A_194 = arith.constant 0 : i32
    %dma_wait3A_195 = arith.constant 0 : i32
    %dma_wait3A_196 = tpu.memref_slice %arg8[%dma_wait3A_187, %dma_wait3A_194, %dma_wait3A_195] : memref<2x16x2048xf32, #tpu.memory_space<vmem>> -> memref<1x16x2048xf32, #tpu.memory_space<vmem>>
    %dma_wait3A_197 = tpu.memref_squeeze %dma_wait3A_196 : memref<1x16x2048xf32, #tpu.memory_space<vmem>> -> memref<16x2048xf32, #tpu.memory_space<vmem>>
    %dma_wait3A_198 = arith.constant 0 : i32
    %dma_wait3A_199 = tpu.memref_slice %arg2[%add3A_97, %dma_wait3A_198] : memref<2048x2048xf32, #tpu.memory_space<hbm>> -> memref<16x2048xf32, #tpu.memory_space<hbm>>
    tpu.wait_dma2 semaphore(%arg9 : memref<!tpu.dma_semaphore, #tpu.memory_space<semaphore_mem>>) src(%dma_wait3A_199 : memref<16x2048xf32, #tpu.memory_space<hbm>>) dst(%dma_wait3A_197 : memref<16x2048xf32, #tpu.memory_space<vmem>>)
    %dma_start3A_200 = arith.constant 0 : i32
    %dma_start3A_201 = arith.constant 2 : i32
    %dma_start3A_202 = arith.constant 0 : i32
    %dma_start3A_203 = arith.constant 0 : i32
    %dma_start3A_204 = tpu.memref_slice %arg8[%dma_start3A_200, %dma_start3A_202, %dma_start3A_203] : memref<2x16x2048xf32, #tpu.memory_space<vmem>> -> memref<1x16x2048xf32, #tpu.memory_space<vmem>>
    %dma_start3A_205 = tpu.memref_squeeze %dma_start3A_204 : memref<1x16x2048xf32, #tpu.memory_space<vmem>> -> memref<16x2048xf32, #tpu.memory_space<vmem>>
    %dma_start3A_206 = arith.constant 0 : i32
    %dma_start3A_207 = tpu.memref_slice %arg6[%dma_start3A_201, %dma_start3A_206] : memref<4x16xi32, #tpu.memory_space<vmem>> -> memref<1x16xi32, #tpu.memory_space<vmem>>
    %dma_start3A_208 = tpu.memref_squeeze %dma_start3A_207 : memref<1x16xi32, #tpu.memory_space<vmem>> -> memref<16xi32, #tpu.memory_space<vmem>>
    %dma_start3A_209 = arith.constant 0 : i32
    %dma_start3A_210 = arith.constant 0 : i32
    %dma_start3A_211 = tpu.memref_slice %arg5[%dma_start3A_209, %dma_start3A_210] : memref<6144x2048xf32, #tpu.memory_space<hbm>> -> memref<6144x2048xf32, #tpu.memory_space<hbm>>
    tpu.enqueue_indirect_dma source(%dma_start3A_205 : memref<16x2048xf32, #tpu.memory_space<vmem>>) target(%dma_start3A_211 : memref<6144x2048xf32, #tpu.memory_space<hbm>>) offsets(%dma_start3A_208 : memref<16xi32, #tpu.memory_space<vmem>>) semaphore(%arg11 : memref<!tpu.dma_semaphore, #tpu.memory_space<semaphore_mem>>)
    %dma_start3A_212 = arith.constant 0 : i32
    %dma_start3A_213 = arith.constant 2 : i32
    %dma_start3A_214 = arith.constant 0 : i32
    %dma_start3A_215 = arith.constant 0 : i32
    %dma_start3A_216 = tpu.memref_slice %arg8[%dma_start3A_212, %dma_start3A_214, %dma_start3A_215] : memref<2x16x2048xf32, #tpu.memory_space<vmem>> -> memref<1x16x2048xf32, #tpu.memory_space<vmem>>
    %dma_start3A_217 = tpu.memref_squeeze %dma_start3A_216 : memref<1x16x2048xf32, #tpu.memory_space<vmem>> -> memref<16x2048xf32, #tpu.memory_space<vmem>>
    %dma_start3A_218 = arith.constant 0 : i32
    %dma_start3A_219 = tpu.memref_slice %arg7[%dma_start3A_213, %dma_start3A_218] : memref<4x16xi32, #tpu.memory_space<vmem>> -> memref<1x16xi32, #tpu.memory_space<vmem>>
    %dma_start3A_220 = tpu.memref_squeeze %dma_start3A_219 : memref<1x16xi32, #tpu.memory_space<vmem>> -> memref<16xi32, #tpu.memory_space<vmem>>
    %dma_start3A_221 = arith.constant 0 : i32
    %dma_start3A_222 = arith.constant 0 : i32
    %dma_start3A_223 = tpu.memref_slice %arg5[%dma_start3A_221, %dma_start3A_222] : memref<6144x2048xf32, #tpu.memory_space<hbm>> -> memref<6144x2048xf32, #tpu.memory_space<hbm>>
    tpu.enqueue_indirect_dma source(%dma_start3A_217 : memref<16x2048xf32, #tpu.memory_space<vmem>>) target(%dma_start3A_223 : memref<6144x2048xf32, #tpu.memory_space<hbm>>) offsets(%dma_start3A_220 : memref<16xi32, #tpu.memory_space<vmem>>) semaphore(%arg11 : memref<!tpu.dma_semaphore, #tpu.memory_space<semaphore_mem>>)
    %dma_wait3A_224 = arith.constant 1 : i32
    %dma_wait3A_225 = arith.constant 0 : i32
    %dma_wait3A_226 = arith.constant 0 : i32
    %dma_wait3A_227 = tpu.memref_slice %arg8[%dma_wait3A_224, %dma_wait3A_225, %dma_wait3A_226] : memref<2x16x2048xf32, #tpu.memory_space<vmem>> -> memref<1x16x2048xf32, #tpu.memory_space<vmem>>
    %dma_wait3A_228 = tpu.memref_squeeze %dma_wait3A_227 : memref<1x16x2048xf32, #tpu.memory_space<vmem>> -> memref<16x2048xf32, #tpu.memory_space<vmem>>
    %dma_wait3A_229 = arith.constant 0 : i32
    %dma_wait3A_230 = tpu.memref_slice %arg2[%add3A_173, %dma_wait3A_229] : memref<2048x2048xf32, #tpu.memory_space<hbm>> -> memref<16x2048xf32, #tpu.memory_space<hbm>>
    %dma_wait3A_231 = arith.constant 0 : i32
    %dma_wait3A_232 = arith.constant 0 : i32
    %dma_wait3A_233 = tpu.memref_slice %arg8[%dma_wait3A_224, %dma_wait3A_231, %dma_wait3A_232] : memref<2x16x2048xf32, #tpu.memory_space<vmem>> -> memref<1x16x2048xf32, #tpu.memory_space<vmem>>
    %dma_wait3A_234 = tpu.memref_squeeze %dma_wait3A_233 : memref<1x16x2048xf32, #tpu.memory_space<vmem>> -> memref<16x2048xf32, #tpu.memory_space<vmem>>
    %dma_wait3A_235 = arith.constant 0 : i32
    %dma_wait3A_236 = tpu.memref_slice %arg2[%add3A_173, %dma_wait3A_235] : memref<2048x2048xf32, #tpu.memory_space<hbm>> -> memref<16x2048xf32, #tpu.memory_space<hbm>>
    tpu.wait_dma2 semaphore(%arg10 : memref<!tpu.dma_semaphore, #tpu.memory_space<semaphore_mem>>) src(%dma_wait3A_236 : memref<16x2048xf32, #tpu.memory_space<hbm>>) dst(%dma_wait3A_234 : memref<16x2048xf32, #tpu.memory_space<vmem>>)
    %dma_start3A_237 = arith.constant 1 : i32
    %dma_start3A_238 = arith.constant 3 : i32
    %dma_start3A_239 = arith.constant 0 : i32
    %dma_start3A_240 = arith.constant 0 : i32
    %dma_start3A_241 = tpu.memref_slice %arg8[%dma_start3A_237, %dma_start3A_239, %dma_start3A_240] : memref<2x16x2048xf32, #tpu.memory_space<vmem>> -> memref<1x16x2048xf32, #tpu.memory_space<vmem>>
    %dma_start3A_242 = tpu.memref_squeeze %dma_start3A_241 : memref<1x16x2048xf32, #tpu.memory_space<vmem>> -> memref<16x2048xf32, #tpu.memory_space<vmem>>
    %dma_start3A_243 = arith.constant 0 : i32
    %dma_start3A_244 = tpu.memref_slice %arg6[%dma_start3A_238, %dma_start3A_243] : memref<4x16xi32, #tpu.memory_space<vmem>> -> memref<1x16xi32, #tpu.memory_space<vmem>>
    %dma_start3A_245 = tpu.memref_squeeze %dma_start3A_244 : memref<1x16xi32, #tpu.memory_space<vmem>> -> memref<16xi32, #tpu.memory_space<vmem>>
    %dma_start3A_246 = arith.constant 0 : i32
    %dma_start3A_247 = arith.constant 0 : i32
    %dma_start3A_248 = tpu.memref_slice %arg5[%dma_start3A_246, %dma_start3A_247] : memref<6144x2048xf32, #tpu.memory_space<hbm>> -> memref<6144x2048xf32, #tpu.memory_space<hbm>>
    tpu.enqueue_indirect_dma source(%dma_start3A_242 : memref<16x2048xf32, #tpu.memory_space<vmem>>) target(%dma_start3A_248 : memref<6144x2048xf32, #tpu.memory_space<hbm>>) offsets(%dma_start3A_245 : memref<16xi32, #tpu.memory_space<vmem>>) semaphore(%arg12 : memref<!tpu.dma_semaphore, #tpu.memory_space<semaphore_mem>>)
    %dma_start3A_249 = arith.constant 1 : i32
    %dma_start3A_250 = arith.constant 3 : i32
    %dma_start3A_251 = arith.constant 0 : i32
    %dma_start3A_252 = arith.constant 0 : i32
    %dma_start3A_253 = tpu.memref_slice %arg8[%dma_start3A_249, %dma_start3A_251, %dma_start3A_252] : memref<2x16x2048xf32, #tpu.memory_space<vmem>> -> memref<1x16x2048xf32, #tpu.memory_space<vmem>>
    %dma_start3A_254 = tpu.memref_squeeze %dma_start3A_253 : memref<1x16x2048xf32, #tpu.memory_space<vmem>> -> memref<16x2048xf32, #tpu.memory_space<vmem>>
    %dma_start3A_255 = arith.constant 0 : i32
    %dma_start3A_256 = tpu.memref_slice %arg7[%dma_start3A_250, %dma_start3A_255] : memref<4x16xi32, #tpu.memory_space<vmem>> -> memref<1x16xi32, #tpu.memory_space<vmem>>
    %dma_start3A_257 = tpu.memref_squeeze %dma_start3A_256 : memref<1x16xi32, #tpu.memory_space<vmem>> -> memref<16xi32, #tpu.memory_space<vmem>>
    %dma_start3A_258 = arith.constant 0 : i32
    %dma_start3A_259 = arith.constant 0 : i32
    %dma_start3A_260 = tpu.memref_slice %arg5[%dma_start3A_258, %dma_start3A_259] : memref<6144x2048xf32, #tpu.memory_space<hbm>> -> memref<6144x2048xf32, #tpu.memory_space<hbm>>
    tpu.enqueue_indirect_dma source(%dma_start3A_254 : memref<16x2048xf32, #tpu.memory_space<vmem>>) target(%dma_start3A_260 : memref<6144x2048xf32, #tpu.memory_space<hbm>>) offsets(%dma_start3A_257 : memref<16xi32, #tpu.memory_space<vmem>>) semaphore(%arg12 : memref<!tpu.dma_semaphore, #tpu.memory_space<semaphore_mem>>)
    %dma_wait3A_261 = arith.constant 0 : i32
    %dma_wait3A_262 = arith.constant 2 : i32
    %dma_wait3A_263 = arith.constant 0 : i32
    %dma_wait3A_264 = arith.constant 0 : i32
    %dma_wait3A_265 = tpu.memref_slice %arg8[%dma_wait3A_261, %dma_wait3A_263, %dma_wait3A_264] : memref<2x16x2048xf32, #tpu.memory_space<vmem>> -> memref<1x16x2048xf32, #tpu.memory_space<vmem>>
    %dma_wait3A_266 = tpu.memref_squeeze %dma_wait3A_265 : memref<1x16x2048xf32, #tpu.memory_space<vmem>> -> memref<16x2048xf32, #tpu.memory_space<vmem>>
    %dma_wait3A_267 = arith.constant 0 : i32
    %dma_wait3A_268 = tpu.memref_slice %arg6[%dma_wait3A_262, %dma_wait3A_267] : memref<4x16xi32, #tpu.memory_space<vmem>> -> memref<1x16xi32, #tpu.memory_space<vmem>>
    %dma_wait3A_269 = tpu.memref_squeeze %dma_wait3A_268 : memref<1x16xi32, #tpu.memory_space<vmem>> -> memref<16xi32, #tpu.memory_space<vmem>>
    %dma_wait3A_270 = arith.constant 0 : i32
    %dma_wait3A_271 = arith.constant 0 : i32
    %dma_wait3A_272 = tpu.memref_slice %arg5[%dma_wait3A_270, %dma_wait3A_271] : memref<6144x2048xf32, #tpu.memory_space<hbm>> -> memref<6144x2048xf32, #tpu.memory_space<hbm>>
    tpu.wait_indirect_dma semaphore(%arg11 : memref<!tpu.dma_semaphore, #tpu.memory_space<semaphore_mem>>) src(%dma_wait3A_266 : memref<16x2048xf32, #tpu.memory_space<vmem>>) dst(%dma_wait3A_272 : memref<6144x2048xf32, #tpu.memory_space<hbm>>)
    %dma_wait3A_273 = arith.constant 0 : i32
    %dma_wait3A_274 = arith.constant 2 : i32
    %dma_wait3A_275 = arith.constant 0 : i32
    %dma_wait3A_276 = arith.constant 0 : i32
    %dma_wait3A_277 = tpu.memref_slice %arg8[%dma_wait3A_273, %dma_wait3A_275, %dma_wait3A_276] : memref<2x16x2048xf32, #tpu.memory_space<vmem>> -> memref<1x16x2048xf32, #tpu.memory_space<vmem>>
    %dma_wait3A_278 = tpu.memref_squeeze %dma_wait3A_277 : memref<1x16x2048xf32, #tpu.memory_space<vmem>> -> memref<16x2048xf32, #tpu.memory_space<vmem>>
    %dma_wait3A_279 = arith.constant 0 : i32
    %dma_wait3A_280 = tpu.memref_slice %arg7[%dma_wait3A_274, %dma_wait3A_279] : memref<4x16xi32, #tpu.memory_space<vmem>> -> memref<1x16xi32, #tpu.memory_space<vmem>>
    %dma_wait3A_281 = tpu.memref_squeeze %dma_wait3A_280 : memref<1x16xi32, #tpu.memory_space<vmem>> -> memref<16xi32, #tpu.memory_space<vmem>>
    %dma_wait3A_282 = arith.constant 0 : i32
    %dma_wait3A_283 = arith.constant 0 : i32
    %dma_wait3A_284 = tpu.memref_slice %arg5[%dma_wait3A_282, %dma_wait3A_283] : memref<6144x2048xf32, #tpu.memory_space<hbm>> -> memref<6144x2048xf32, #tpu.memory_space<hbm>>
    tpu.wait_indirect_dma semaphore(%arg11 : memref<!tpu.dma_semaphore, #tpu.memory_space<semaphore_mem>>) src(%dma_wait3A_278 : memref<16x2048xf32, #tpu.memory_space<vmem>>) dst(%dma_wait3A_284 : memref<6144x2048xf32, #tpu.memory_space<hbm>>)
    %dma_wait3A_285 = arith.constant 1 : i32
    %dma_wait3A_286 = arith.constant 3 : i32
    %dma_wait3A_287 = arith.constant 0 : i32
    %dma_wait3A_288 = arith.constant 0 : i32
    %dma_wait3A_289 = tpu.memref_slice %arg8[%dma_wait3A_285, %dma_wait3A_287, %dma_wait3A_288] : memref<2x16x2048xf32, #tpu.memory_space<vmem>> -> memref<1x16x2048xf32, #tpu.memory_space<vmem>>
    %dma_wait3A_290 = tpu.memref_squeeze %dma_wait3A_289 : memref<1x16x2048xf32, #tpu.memory_space<vmem>> -> memref<16x2048xf32, #tpu.memory_space<vmem>>
    %dma_wait3A_291 = arith.constant 0 : i32
    %dma_wait3A_292 = tpu.memref_slice %arg6[%dma_wait3A_286, %dma_wait3A_291] : memref<4x16xi32, #tpu.memory_space<vmem>> -> memref<1x16xi32, #tpu.memory_space<vmem>>
    %dma_wait3A_293 = tpu.memref_squeeze %dma_wait3A_292 : memref<1x16xi32, #tpu.memory_space<vmem>> -> memref<16xi32, #tpu.memory_space<vmem>>
    %dma_wait3A_294 = arith.constant 0 : i32
    %dma_wait3A_295 = arith.constant 0 : i32
    %dma_wait3A_296 = tpu.memref_slice %arg5[%dma_wait3A_294, %dma_wait3A_295] : memref<6144x2048xf32, #tpu.memory_space<hbm>> -> memref<6144x2048xf32, #tpu.memory_space<hbm>>
    tpu.wait_indirect_dma semaphore(%arg12 : memref<!tpu.dma_semaphore, #tpu.memory_space<semaphore_mem>>) src(%dma_wait3A_290 : memref<16x2048xf32, #tpu.memory_space<vmem>>) dst(%dma_wait3A_296 : memref<6144x2048xf32, #tpu.memory_space<hbm>>)
    %dma_wait3A_297 = arith.constant 1 : i32
    %dma_wait3A_298 = arith.constant 3 : i32
    %dma_wait3A_299 = arith.constant 0 : i32
    %dma_wait3A_300 = arith.constant 0 : i32
    %dma_wait3A_301 = tpu.memref_slice %arg8[%dma_wait3A_297, %dma_wait3A_299, %dma_wait3A_300] : memref<2x16x2048xf32, #tpu.memory_space<vmem>> -> memref<1x16x2048xf32, #tpu.memory_space<vmem>>
    %dma_wait3A_302 = tpu.memref_squeeze %dma_wait3A_301 : memref<1x16x2048xf32, #tpu.memory_space<vmem>> -> memref<16x2048xf32, #tpu.memory_space<vmem>>
    %dma_wait3A_303 = arith.constant 0 : i32
    %dma_wait3A_304 = tpu.memref_slice %arg7[%dma_wait3A_298, %dma_wait3A_303] : memref<4x16xi32, #tpu.memory_space<vmem>> -> memref<1x16xi32, #tpu.memory_space<vmem>>
    %dma_wait3A_305 = tpu.memref_squeeze %dma_wait3A_304 : memref<1x16xi32, #tpu.memory_space<vmem>> -> memref<16xi32, #tpu.memory_space<vmem>>
    %dma_wait3A_306 = arith.constant 0 : i32
    %dma_wait3A_307 = arith.constant 0 : i32
    %dma_wait3A_308 = tpu.memref_slice %arg5[%dma_wait3A_306, %dma_wait3A_307] : memref<6144x2048xf32, #tpu.memory_space<hbm>> -> memref<6144x2048xf32, #tpu.memory_space<hbm>>
    tpu.wait_indirect_dma semaphore(%arg12 : memref<!tpu.dma_semaphore, #tpu.memory_space<semaphore_mem>>) src(%dma_wait3A_302 : memref<16x2048xf32, #tpu.memory_space<vmem>>) dst(%dma_wait3A_308 : memref<6144x2048xf32, #tpu.memory_space<hbm>>)
    return
  }
}

#map = affine_map<(d0, d1) -> (0, 0)>
module attributes {stable_mosaic.version = 14 : i64} {
  func.func @_combine_body(%arg0: i32, %arg1: i32, %arg2: memref<6144x2048xf32, #tpu.memory_space<hbm>>, %arg3: memref<256x24xi32, #tpu.memory_space<hbm>>, %arg4: memref<10240x2048xf32, #tpu.memory_space<hbm>>, %arg5: memref<8x24xi32, #tpu.memory_space<vmem>>, %arg6: memref<2x24x2048xf32, #tpu.memory_space<vmem>>, %arg7: memref<!tpu.dma_semaphore, #tpu.memory_space<semaphore_mem>>, %arg8: memref<!tpu.dma_semaphore, #tpu.memory_space<semaphore_mem>>, %arg9: memref<!tpu.dma_semaphore, #tpu.memory_space<semaphore_mem>>, %arg10: memref<!tpu.dma_semaphore, #tpu.memory_space<semaphore_mem>>) attributes {dimension_semantics = [#tpu.dimension_semantics<core_parallel>, #tpu.dimension_semantics<subcore_parallel>], iteration_bounds = array<i64: 2, 16>, scalar_prefetch = 0 : i64, scratch_operands = 6 : i64, tpu.core_type = #tpu.core_type<sc_vector_subcore>, window_params = [{transform_indices = #map}, {transform_indices = #map}, {transform_indices = #map}]} {
    %mul3A = arith.constant 2 : i32
    %mul3A_0 = arith.muli %arg1, %mul3A : i32
    %add3A = arith.addi %mul3A_0, %arg0 : i32
    %mul3A_1 = arith.constant 192 : i32
    %mul3A_2 = arith.muli %add3A, %mul3A_1 : i32
    %mul3A_3 = arith.constant 8 : i32
    %mul3A_4 = arith.muli %add3A, %mul3A_3 : i32
    "tpu.region"() ({
      %run_scoped3A = tpu.sem_alloc : memref<!tpu.dma_semaphore, #tpu.memory_space<semaphore_mem>>
      %dma_start3A_419 = arith.constant 0 : i32
      %dma_start3A_420 = tpu.memref_slice %arg3[%mul3A_4, %dma_start3A_419] : memref<256x24xi32, #tpu.memory_space<hbm>> -> memref<8x24xi32, #tpu.memory_space<hbm>>
      %dma_start3A_421 = arith.constant 0 : i32
      %dma_start3A_422 = tpu.memref_slice %arg3[%mul3A_4, %dma_start3A_421] : memref<256x24xi32, #tpu.memory_space<hbm>> -> memref<8x24xi32, #tpu.memory_space<hbm>>
      tpu.enqueue_dma source(%dma_start3A_422 : memref<8x24xi32, #tpu.memory_space<hbm>>) target(%arg5 : memref<8x24xi32, #tpu.memory_space<vmem>>) target_semaphore(%run_scoped3A : memref<!tpu.dma_semaphore, #tpu.memory_space<semaphore_mem>>)
      %dma_wait3A_423 = arith.constant 0 : i32
      %dma_wait3A_424 = tpu.memref_slice %arg3[%mul3A_4, %dma_wait3A_423] : memref<256x24xi32, #tpu.memory_space<hbm>> -> memref<8x24xi32, #tpu.memory_space<hbm>>
      %dma_wait3A_425 = arith.constant 0 : i32
      %dma_wait3A_426 = tpu.memref_slice %arg3[%mul3A_4, %dma_wait3A_425] : memref<256x24xi32, #tpu.memory_space<hbm>> -> memref<8x24xi32, #tpu.memory_space<hbm>>
      tpu.wait_dma2 semaphore(%run_scoped3A : memref<!tpu.dma_semaphore, #tpu.memory_space<semaphore_mem>>) src(%dma_wait3A_426 : memref<8x24xi32, #tpu.memory_space<hbm>>) dst(%arg5 : memref<8x24xi32, #tpu.memory_space<vmem>>)
      tpu.yield
    }) : () -> ()
    %add3A_5 = arith.constant 0 : i32
    %add3A_6 = arith.addi %mul3A_2, %add3A_5 : i32
    %dma_start3A = arith.constant 0 : i32
    %dma_start3A_7 = arith.constant 0 : i32
    %dma_start3A_8 = arith.constant 0 : i32
    %dma_start3A_9 = tpu.memref_slice %arg6[%dma_start3A, %dma_start3A_7, %dma_start3A_8] : memref<2x24x2048xf32, #tpu.memory_space<vmem>> -> memref<1x24x2048xf32, #tpu.memory_space<vmem>>
    %dma_start3A_10 = tpu.memref_squeeze %dma_start3A_9 : memref<1x24x2048xf32, #tpu.memory_space<vmem>> -> memref<24x2048xf32, #tpu.memory_space<vmem>>
    %dma_start3A_11 = arith.constant 0 : i32
    %dma_start3A_12 = tpu.memref_slice %arg2[%add3A_6, %dma_start3A_11] : memref<6144x2048xf32, #tpu.memory_space<hbm>> -> memref<24x2048xf32, #tpu.memory_space<hbm>>
    %dma_start3A_13 = arith.constant 0 : i32
    %dma_start3A_14 = arith.constant 0 : i32
    %dma_start3A_15 = tpu.memref_slice %arg6[%dma_start3A, %dma_start3A_13, %dma_start3A_14] : memref<2x24x2048xf32, #tpu.memory_space<vmem>> -> memref<1x24x2048xf32, #tpu.memory_space<vmem>>
    %dma_start3A_16 = tpu.memref_squeeze %dma_start3A_15 : memref<1x24x2048xf32, #tpu.memory_space<vmem>> -> memref<24x2048xf32, #tpu.memory_space<vmem>>
    %dma_start3A_17 = arith.constant 0 : i32
    %dma_start3A_18 = tpu.memref_slice %arg2[%add3A_6, %dma_start3A_17] : memref<6144x2048xf32, #tpu.memory_space<hbm>> -> memref<24x2048xf32, #tpu.memory_space<hbm>>
    tpu.enqueue_dma source(%dma_start3A_18 : memref<24x2048xf32, #tpu.memory_space<hbm>>) target(%dma_start3A_16 : memref<24x2048xf32, #tpu.memory_space<vmem>>) target_semaphore(%arg7 : memref<!tpu.dma_semaphore, #tpu.memory_space<semaphore_mem>>)
    %add3A_19 = arith.constant 24 : i32
    %add3A_20 = arith.addi %mul3A_2, %add3A_19 : i32
    %dma_start3A_21 = arith.constant 1 : i32
    %dma_start3A_22 = arith.constant 0 : i32
    %dma_start3A_23 = arith.constant 0 : i32
    %dma_start3A_24 = tpu.memref_slice %arg6[%dma_start3A_21, %dma_start3A_22, %dma_start3A_23] : memref<2x24x2048xf32, #tpu.memory_space<vmem>> -> memref<1x24x2048xf32, #tpu.memory_space<vmem>>
    %dma_start3A_25 = tpu.memref_squeeze %dma_start3A_24 : memref<1x24x2048xf32, #tpu.memory_space<vmem>> -> memref<24x2048xf32, #tpu.memory_space<vmem>>
    %dma_start3A_26 = arith.constant 0 : i32
    %dma_start3A_27 = tpu.memref_slice %arg2[%add3A_20, %dma_start3A_26] : memref<6144x2048xf32, #tpu.memory_space<hbm>> -> memref<24x2048xf32, #tpu.memory_space<hbm>>
    %dma_start3A_28 = arith.constant 0 : i32
    %dma_start3A_29 = arith.constant 0 : i32
    %dma_start3A_30 = tpu.memref_slice %arg6[%dma_start3A_21, %dma_start3A_28, %dma_start3A_29] : memref<2x24x2048xf32, #tpu.memory_space<vmem>> -> memref<1x24x2048xf32, #tpu.memory_space<vmem>>
    %dma_start3A_31 = tpu.memref_squeeze %dma_start3A_30 : memref<1x24x2048xf32, #tpu.memory_space<vmem>> -> memref<24x2048xf32, #tpu.memory_space<vmem>>
    %dma_start3A_32 = arith.constant 0 : i32
    %dma_start3A_33 = tpu.memref_slice %arg2[%add3A_20, %dma_start3A_32] : memref<6144x2048xf32, #tpu.memory_space<hbm>> -> memref<24x2048xf32, #tpu.memory_space<hbm>>
    tpu.enqueue_dma source(%dma_start3A_33 : memref<24x2048xf32, #tpu.memory_space<hbm>>) target(%dma_start3A_31 : memref<24x2048xf32, #tpu.memory_space<vmem>>) target_semaphore(%arg8 : memref<!tpu.dma_semaphore, #tpu.memory_space<semaphore_mem>>)
    %dma_wait3A = arith.constant 0 : i32
    %dma_wait3A_34 = arith.constant 0 : i32
    %dma_wait3A_35 = arith.constant 0 : i32
    %dma_wait3A_36 = tpu.memref_slice %arg6[%dma_wait3A, %dma_wait3A_34, %dma_wait3A_35] : memref<2x24x2048xf32, #tpu.memory_space<vmem>> -> memref<1x24x2048xf32, #tpu.memory_space<vmem>>
    %dma_wait3A_37 = tpu.memref_squeeze %dma_wait3A_36 : memref<1x24x2048xf32, #tpu.memory_space<vmem>> -> memref<24x2048xf32, #tpu.memory_space<vmem>>
    %dma_wait3A_38 = arith.constant 0 : i32
    %dma_wait3A_39 = tpu.memref_slice %arg2[%add3A_6, %dma_wait3A_38] : memref<6144x2048xf32, #tpu.memory_space<hbm>> -> memref<24x2048xf32, #tpu.memory_space<hbm>>
    %dma_wait3A_40 = arith.constant 0 : i32
    %dma_wait3A_41 = arith.constant 0 : i32
    %dma_wait3A_42 = tpu.memref_slice %arg6[%dma_wait3A, %dma_wait3A_40, %dma_wait3A_41] : memref<2x24x2048xf32, #tpu.memory_space<vmem>> -> memref<1x24x2048xf32, #tpu.memory_space<vmem>>
    %dma_wait3A_43 = tpu.memref_squeeze %dma_wait3A_42 : memref<1x24x2048xf32, #tpu.memory_space<vmem>> -> memref<24x2048xf32, #tpu.memory_space<vmem>>
    %dma_wait3A_44 = arith.constant 0 : i32
    %dma_wait3A_45 = tpu.memref_slice %arg2[%add3A_6, %dma_wait3A_44] : memref<6144x2048xf32, #tpu.memory_space<hbm>> -> memref<24x2048xf32, #tpu.memory_space<hbm>>
    tpu.wait_dma2 semaphore(%arg7 : memref<!tpu.dma_semaphore, #tpu.memory_space<semaphore_mem>>) src(%dma_wait3A_45 : memref<24x2048xf32, #tpu.memory_space<hbm>>) dst(%dma_wait3A_43 : memref<24x2048xf32, #tpu.memory_space<vmem>>)
    %dma_start3A_46 = arith.constant 0 : i32
    %dma_start3A_47 = arith.constant 0 : i32
    %dma_start3A_48 = arith.constant 0 : i32
    %dma_start3A_49 = arith.constant 0 : i32
    %dma_start3A_50 = tpu.memref_slice %arg6[%dma_start3A_46, %dma_start3A_48, %dma_start3A_49] : memref<2x24x2048xf32, #tpu.memory_space<vmem>> -> memref<1x24x2048xf32, #tpu.memory_space<vmem>>
    %dma_start3A_51 = tpu.memref_squeeze %dma_start3A_50 : memref<1x24x2048xf32, #tpu.memory_space<vmem>> -> memref<24x2048xf32, #tpu.memory_space<vmem>>
    %dma_start3A_52 = arith.constant 0 : i32
    %dma_start3A_53 = tpu.memref_slice %arg5[%dma_start3A_47, %dma_start3A_52] : memref<8x24xi32, #tpu.memory_space<vmem>> -> memref<1x24xi32, #tpu.memory_space<vmem>>
    %dma_start3A_54 = tpu.memref_squeeze %dma_start3A_53 : memref<1x24xi32, #tpu.memory_space<vmem>> -> memref<24xi32, #tpu.memory_space<vmem>>
    %dma_start3A_55 = arith.constant 0 : i32
    %dma_start3A_56 = arith.constant 0 : i32
    %dma_start3A_57 = tpu.memref_slice %arg4[%dma_start3A_55, %dma_start3A_56] : memref<10240x2048xf32, #tpu.memory_space<hbm>> -> memref<10240x2048xf32, #tpu.memory_space<hbm>>
    tpu.enqueue_indirect_dma source(%dma_start3A_51 : memref<24x2048xf32, #tpu.memory_space<vmem>>) target(%dma_start3A_57 : memref<10240x2048xf32, #tpu.memory_space<hbm>>) offsets(%dma_start3A_54 : memref<24xi32, #tpu.memory_space<vmem>>) semaphore(%arg9 : memref<!tpu.dma_semaphore, #tpu.memory_space<semaphore_mem>>)
    %dma_wait3A_58 = arith.constant 0 : i32
    %dma_wait3A_59 = arith.constant 0 : i32
    %dma_wait3A_60 = arith.constant 0 : i32
    %dma_wait3A_61 = arith.constant 0 : i32
    %dma_wait3A_62 = tpu.memref_slice %arg6[%dma_wait3A_58, %dma_wait3A_60, %dma_wait3A_61] : memref<2x24x2048xf32, #tpu.memory_space<vmem>> -> memref<1x24x2048xf32, #tpu.memory_space<vmem>>
    %dma_wait3A_63 = tpu.memref_squeeze %dma_wait3A_62 : memref<1x24x2048xf32, #tpu.memory_space<vmem>> -> memref<24x2048xf32, #tpu.memory_space<vmem>>
    %dma_wait3A_64 = arith.constant 0 : i32
    %dma_wait3A_65 = tpu.memref_slice %arg5[%dma_wait3A_59, %dma_wait3A_64] : memref<8x24xi32, #tpu.memory_space<vmem>> -> memref<1x24xi32, #tpu.memory_space<vmem>>
    %dma_wait3A_66 = tpu.memref_squeeze %dma_wait3A_65 : memref<1x24xi32, #tpu.memory_space<vmem>> -> memref<24xi32, #tpu.memory_space<vmem>>
    %dma_wait3A_67 = arith.constant 0 : i32
    %dma_wait3A_68 = arith.constant 0 : i32
    %dma_wait3A_69 = tpu.memref_slice %arg4[%dma_wait3A_67, %dma_wait3A_68] : memref<10240x2048xf32, #tpu.memory_space<hbm>> -> memref<10240x2048xf32, #tpu.memory_space<hbm>>
    tpu.wait_indirect_dma semaphore(%arg9 : memref<!tpu.dma_semaphore, #tpu.memory_space<semaphore_mem>>) src(%dma_wait3A_63 : memref<24x2048xf32, #tpu.memory_space<vmem>>) dst(%dma_wait3A_69 : memref<10240x2048xf32, #tpu.memory_space<hbm>>)
    %add3A_70 = arith.constant 48 : i32
    %add3A_71 = arith.addi %mul3A_2, %add3A_70 : i32
    %dma_start3A_72 = arith.constant 0 : i32
    %dma_start3A_73 = arith.constant 0 : i32
    %dma_start3A_74 = arith.constant 0 : i32
    %dma_start3A_75 = tpu.memref_slice %arg6[%dma_start3A_72, %dma_start3A_73, %dma_start3A_74] : memref<2x24x2048xf32, #tpu.memory_space<vmem>> -> memref<1x24x2048xf32, #tpu.memory_space<vmem>>
    %dma_start3A_76 = tpu.memref_squeeze %dma_start3A_75 : memref<1x24x2048xf32, #tpu.memory_space<vmem>> -> memref<24x2048xf32, #tpu.memory_space<vmem>>
    %dma_start3A_77 = arith.constant 0 : i32
    %dma_start3A_78 = tpu.memref_slice %arg2[%add3A_71, %dma_start3A_77] : memref<6144x2048xf32, #tpu.memory_space<hbm>> -> memref<24x2048xf32, #tpu.memory_space<hbm>>
    %dma_start3A_79 = arith.constant 0 : i32
    %dma_start3A_80 = arith.constant 0 : i32
    %dma_start3A_81 = tpu.memref_slice %arg6[%dma_start3A_72, %dma_start3A_79, %dma_start3A_80] : memref<2x24x2048xf32, #tpu.memory_space<vmem>> -> memref<1x24x2048xf32, #tpu.memory_space<vmem>>
    %dma_start3A_82 = tpu.memref_squeeze %dma_start3A_81 : memref<1x24x2048xf32, #tpu.memory_space<vmem>> -> memref<24x2048xf32, #tpu.memory_space<vmem>>
    %dma_start3A_83 = arith.constant 0 : i32
    %dma_start3A_84 = tpu.memref_slice %arg2[%add3A_71, %dma_start3A_83] : memref<6144x2048xf32, #tpu.memory_space<hbm>> -> memref<24x2048xf32, #tpu.memory_space<hbm>>
    tpu.enqueue_dma source(%dma_start3A_84 : memref<24x2048xf32, #tpu.memory_space<hbm>>) target(%dma_start3A_82 : memref<24x2048xf32, #tpu.memory_space<vmem>>) target_semaphore(%arg7 : memref<!tpu.dma_semaphore, #tpu.memory_space<semaphore_mem>>)
    %dma_wait3A_85 = arith.constant 1 : i32
    %dma_wait3A_86 = arith.constant 0 : i32
    %dma_wait3A_87 = arith.constant 0 : i32
    %dma_wait3A_88 = tpu.memref_slice %arg6[%dma_wait3A_85, %dma_wait3A_86, %dma_wait3A_87] : memref<2x24x2048xf32, #tpu.memory_space<vmem>> -> memref<1x24x2048xf32, #tpu.memory_space<vmem>>
    %dma_wait3A_89 = tpu.memref_squeeze %dma_wait3A_88 : memref<1x24x2048xf32, #tpu.memory_space<vmem>> -> memref<24x2048xf32, #tpu.memory_space<vmem>>
    %dma_wait3A_90 = arith.constant 0 : i32
    %dma_wait3A_91 = tpu.memref_slice %arg2[%add3A_20, %dma_wait3A_90] : memref<6144x2048xf32, #tpu.memory_space<hbm>> -> memref<24x2048xf32, #tpu.memory_space<hbm>>
    %dma_wait3A_92 = arith.constant 0 : i32
    %dma_wait3A_93 = arith.constant 0 : i32
    %dma_wait3A_94 = tpu.memref_slice %arg6[%dma_wait3A_85, %dma_wait3A_92, %dma_wait3A_93] : memref<2x24x2048xf32, #tpu.memory_space<vmem>> -> memref<1x24x2048xf32, #tpu.memory_space<vmem>>
    %dma_wait3A_95 = tpu.memref_squeeze %dma_wait3A_94 : memref<1x24x2048xf32, #tpu.memory_space<vmem>> -> memref<24x2048xf32, #tpu.memory_space<vmem>>
    %dma_wait3A_96 = arith.constant 0 : i32
    %dma_wait3A_97 = tpu.memref_slice %arg2[%add3A_20, %dma_wait3A_96] : memref<6144x2048xf32, #tpu.memory_space<hbm>> -> memref<24x2048xf32, #tpu.memory_space<hbm>>
    tpu.wait_dma2 semaphore(%arg8 : memref<!tpu.dma_semaphore, #tpu.memory_space<semaphore_mem>>) src(%dma_wait3A_97 : memref<24x2048xf32, #tpu.memory_space<hbm>>) dst(%dma_wait3A_95 : memref<24x2048xf32, #tpu.memory_space<vmem>>)
    %dma_start3A_98 = arith.constant 1 : i32
    %dma_start3A_99 = arith.constant 1 : i32
    %dma_start3A_100 = arith.constant 0 : i32
    %dma_start3A_101 = arith.constant 0 : i32
    %dma_start3A_102 = tpu.memref_slice %arg6[%dma_start3A_98, %dma_start3A_100, %dma_start3A_101] : memref<2x24x2048xf32, #tpu.memory_space<vmem>> -> memref<1x24x2048xf32, #tpu.memory_space<vmem>>
    %dma_start3A_103 = tpu.memref_squeeze %dma_start3A_102 : memref<1x24x2048xf32, #tpu.memory_space<vmem>> -> memref<24x2048xf32, #tpu.memory_space<vmem>>
    %dma_start3A_104 = arith.constant 0 : i32
    %dma_start3A_105 = tpu.memref_slice %arg5[%dma_start3A_99, %dma_start3A_104] : memref<8x24xi32, #tpu.memory_space<vmem>> -> memref<1x24xi32, #tpu.memory_space<vmem>>
    %dma_start3A_106 = tpu.memref_squeeze %dma_start3A_105 : memref<1x24xi32, #tpu.memory_space<vmem>> -> memref<24xi32, #tpu.memory_space<vmem>>
    %dma_start3A_107 = arith.constant 0 : i32
    %dma_start3A_108 = arith.constant 0 : i32
    %dma_start3A_109 = tpu.memref_slice %arg4[%dma_start3A_107, %dma_start3A_108] : memref<10240x2048xf32, #tpu.memory_space<hbm>> -> memref<10240x2048xf32, #tpu.memory_space<hbm>>
    tpu.enqueue_indirect_dma source(%dma_start3A_103 : memref<24x2048xf32, #tpu.memory_space<vmem>>) target(%dma_start3A_109 : memref<10240x2048xf32, #tpu.memory_space<hbm>>) offsets(%dma_start3A_106 : memref<24xi32, #tpu.memory_space<vmem>>) semaphore(%arg10 : memref<!tpu.dma_semaphore, #tpu.memory_space<semaphore_mem>>)
    %dma_wait3A_110 = arith.constant 1 : i32
    %dma_wait3A_111 = arith.constant 1 : i32
    %dma_wait3A_112 = arith.constant 0 : i32
    %dma_wait3A_113 = arith.constant 0 : i32
    %dma_wait3A_114 = tpu.memref_slice %arg6[%dma_wait3A_110, %dma_wait3A_112, %dma_wait3A_113] : memref<2x24x2048xf32, #tpu.memory_space<vmem>> -> memref<1x24x2048xf32, #tpu.memory_space<vmem>>
    %dma_wait3A_115 = tpu.memref_squeeze %dma_wait3A_114 : memref<1x24x2048xf32, #tpu.memory_space<vmem>> -> memref<24x2048xf32, #tpu.memory_space<vmem>>
    %dma_wait3A_116 = arith.constant 0 : i32
    %dma_wait3A_117 = tpu.memref_slice %arg5[%dma_wait3A_111, %dma_wait3A_116] : memref<8x24xi32, #tpu.memory_space<vmem>> -> memref<1x24xi32, #tpu.memory_space<vmem>>
    %dma_wait3A_118 = tpu.memref_squeeze %dma_wait3A_117 : memref<1x24xi32, #tpu.memory_space<vmem>> -> memref<24xi32, #tpu.memory_space<vmem>>
    %dma_wait3A_119 = arith.constant 0 : i32
    %dma_wait3A_120 = arith.constant 0 : i32
    %dma_wait3A_121 = tpu.memref_slice %arg4[%dma_wait3A_119, %dma_wait3A_120] : memref<10240x2048xf32, #tpu.memory_space<hbm>> -> memref<10240x2048xf32, #tpu.memory_space<hbm>>
    tpu.wait_indirect_dma semaphore(%arg10 : memref<!tpu.dma_semaphore, #tpu.memory_space<semaphore_mem>>) src(%dma_wait3A_115 : memref<24x2048xf32, #tpu.memory_space<vmem>>) dst(%dma_wait3A_121 : memref<10240x2048xf32, #tpu.memory_space<hbm>>)
    %add3A_122 = arith.constant 72 : i32
    %add3A_123 = arith.addi %mul3A_2, %add3A_122 : i32
    %dma_start3A_124 = arith.constant 1 : i32
    %dma_start3A_125 = arith.constant 0 : i32
    %dma_start3A_126 = arith.constant 0 : i32
    %dma_start3A_127 = tpu.memref_slice %arg6[%dma_start3A_124, %dma_start3A_125, %dma_start3A_126] : memref<2x24x2048xf32, #tpu.memory_space<vmem>> -> memref<1x24x2048xf32, #tpu.memory_space<vmem>>
    %dma_start3A_128 = tpu.memref_squeeze %dma_start3A_127 : memref<1x24x2048xf32, #tpu.memory_space<vmem>> -> memref<24x2048xf32, #tpu.memory_space<vmem>>
    %dma_start3A_129 = arith.constant 0 : i32
    %dma_start3A_130 = tpu.memref_slice %arg2[%add3A_123, %dma_start3A_129] : memref<6144x2048xf32, #tpu.memory_space<hbm>> -> memref<24x2048xf32, #tpu.memory_space<hbm>>
    %dma_start3A_131 = arith.constant 0 : i32
    %dma_start3A_132 = arith.constant 0 : i32
    %dma_start3A_133 = tpu.memref_slice %arg6[%dma_start3A_124, %dma_start3A_131, %dma_start3A_132] : memref<2x24x2048xf32, #tpu.memory_space<vmem>> -> memref<1x24x2048xf32, #tpu.memory_space<vmem>>
    %dma_start3A_134 = tpu.memref_squeeze %dma_start3A_133 : memref<1x24x2048xf32, #tpu.memory_space<vmem>> -> memref<24x2048xf32, #tpu.memory_space<vmem>>
    %dma_start3A_135 = arith.constant 0 : i32
    %dma_start3A_136 = tpu.memref_slice %arg2[%add3A_123, %dma_start3A_135] : memref<6144x2048xf32, #tpu.memory_space<hbm>> -> memref<24x2048xf32, #tpu.memory_space<hbm>>
    tpu.enqueue_dma source(%dma_start3A_136 : memref<24x2048xf32, #tpu.memory_space<hbm>>) target(%dma_start3A_134 : memref<24x2048xf32, #tpu.memory_space<vmem>>) target_semaphore(%arg8 : memref<!tpu.dma_semaphore, #tpu.memory_space<semaphore_mem>>)
    %dma_wait3A_137 = arith.constant 0 : i32
    %dma_wait3A_138 = arith.constant 0 : i32
    %dma_wait3A_139 = arith.constant 0 : i32
    %dma_wait3A_140 = tpu.memref_slice %arg6[%dma_wait3A_137, %dma_wait3A_138, %dma_wait3A_139] : memref<2x24x2048xf32, #tpu.memory_space<vmem>> -> memref<1x24x2048xf32, #tpu.memory_space<vmem>>
    %dma_wait3A_141 = tpu.memref_squeeze %dma_wait3A_140 : memref<1x24x2048xf32, #tpu.memory_space<vmem>> -> memref<24x2048xf32, #tpu.memory_space<vmem>>
    %dma_wait3A_142 = arith.constant 0 : i32
    %dma_wait3A_143 = tpu.memref_slice %arg2[%add3A_71, %dma_wait3A_142] : memref<6144x2048xf32, #tpu.memory_space<hbm>> -> memref<24x2048xf32, #tpu.memory_space<hbm>>
    %dma_wait3A_144 = arith.constant 0 : i32
    %dma_wait3A_145 = arith.constant 0 : i32
    %dma_wait3A_146 = tpu.memref_slice %arg6[%dma_wait3A_137, %dma_wait3A_144, %dma_wait3A_145] : memref<2x24x2048xf32, #tpu.memory_space<vmem>> -> memref<1x24x2048xf32, #tpu.memory_space<vmem>>
    %dma_wait3A_147 = tpu.memref_squeeze %dma_wait3A_146 : memref<1x24x2048xf32, #tpu.memory_space<vmem>> -> memref<24x2048xf32, #tpu.memory_space<vmem>>
    %dma_wait3A_148 = arith.constant 0 : i32
    %dma_wait3A_149 = tpu.memref_slice %arg2[%add3A_71, %dma_wait3A_148] : memref<6144x2048xf32, #tpu.memory_space<hbm>> -> memref<24x2048xf32, #tpu.memory_space<hbm>>
    tpu.wait_dma2 semaphore(%arg7 : memref<!tpu.dma_semaphore, #tpu.memory_space<semaphore_mem>>) src(%dma_wait3A_149 : memref<24x2048xf32, #tpu.memory_space<hbm>>) dst(%dma_wait3A_147 : memref<24x2048xf32, #tpu.memory_space<vmem>>)
    %dma_start3A_150 = arith.constant 0 : i32
    %dma_start3A_151 = arith.constant 2 : i32
    %dma_start3A_152 = arith.constant 0 : i32
    %dma_start3A_153 = arith.constant 0 : i32
    %dma_start3A_154 = tpu.memref_slice %arg6[%dma_start3A_150, %dma_start3A_152, %dma_start3A_153] : memref<2x24x2048xf32, #tpu.memory_space<vmem>> -> memref<1x24x2048xf32, #tpu.memory_space<vmem>>
    %dma_start3A_155 = tpu.memref_squeeze %dma_start3A_154 : memref<1x24x2048xf32, #tpu.memory_space<vmem>> -> memref<24x2048xf32, #tpu.memory_space<vmem>>
    %dma_start3A_156 = arith.constant 0 : i32
    %dma_start3A_157 = tpu.memref_slice %arg5[%dma_start3A_151, %dma_start3A_156] : memref<8x24xi32, #tpu.memory_space<vmem>> -> memref<1x24xi32, #tpu.memory_space<vmem>>
    %dma_start3A_158 = tpu.memref_squeeze %dma_start3A_157 : memref<1x24xi32, #tpu.memory_space<vmem>> -> memref<24xi32, #tpu.memory_space<vmem>>
    %dma_start3A_159 = arith.constant 0 : i32
    %dma_start3A_160 = arith.constant 0 : i32
    %dma_start3A_161 = tpu.memref_slice %arg4[%dma_start3A_159, %dma_start3A_160] : memref<10240x2048xf32, #tpu.memory_space<hbm>> -> memref<10240x2048xf32, #tpu.memory_space<hbm>>
    tpu.enqueue_indirect_dma source(%dma_start3A_155 : memref<24x2048xf32, #tpu.memory_space<vmem>>) target(%dma_start3A_161 : memref<10240x2048xf32, #tpu.memory_space<hbm>>) offsets(%dma_start3A_158 : memref<24xi32, #tpu.memory_space<vmem>>) semaphore(%arg9 : memref<!tpu.dma_semaphore, #tpu.memory_space<semaphore_mem>>)
    %dma_wait3A_162 = arith.constant 0 : i32
    %dma_wait3A_163 = arith.constant 2 : i32
    %dma_wait3A_164 = arith.constant 0 : i32
    %dma_wait3A_165 = arith.constant 0 : i32
    %dma_wait3A_166 = tpu.memref_slice %arg6[%dma_wait3A_162, %dma_wait3A_164, %dma_wait3A_165] : memref<2x24x2048xf32, #tpu.memory_space<vmem>> -> memref<1x24x2048xf32, #tpu.memory_space<vmem>>
    %dma_wait3A_167 = tpu.memref_squeeze %dma_wait3A_166 : memref<1x24x2048xf32, #tpu.memory_space<vmem>> -> memref<24x2048xf32, #tpu.memory_space<vmem>>
    %dma_wait3A_168 = arith.constant 0 : i32
    %dma_wait3A_169 = tpu.memref_slice %arg5[%dma_wait3A_163, %dma_wait3A_168] : memref<8x24xi32, #tpu.memory_space<vmem>> -> memref<1x24xi32, #tpu.memory_space<vmem>>
    %dma_wait3A_170 = tpu.memref_squeeze %dma_wait3A_169 : memref<1x24xi32, #tpu.memory_space<vmem>> -> memref<24xi32, #tpu.memory_space<vmem>>
    %dma_wait3A_171 = arith.constant 0 : i32
    %dma_wait3A_172 = arith.constant 0 : i32
    %dma_wait3A_173 = tpu.memref_slice %arg4[%dma_wait3A_171, %dma_wait3A_172] : memref<10240x2048xf32, #tpu.memory_space<hbm>> -> memref<10240x2048xf32, #tpu.memory_space<hbm>>
    tpu.wait_indirect_dma semaphore(%arg9 : memref<!tpu.dma_semaphore, #tpu.memory_space<semaphore_mem>>) src(%dma_wait3A_167 : memref<24x2048xf32, #tpu.memory_space<vmem>>) dst(%dma_wait3A_173 : memref<10240x2048xf32, #tpu.memory_space<hbm>>)
    %add3A_174 = arith.constant 96 : i32
    %add3A_175 = arith.addi %mul3A_2, %add3A_174 : i32
    %dma_start3A_176 = arith.constant 0 : i32
    %dma_start3A_177 = arith.constant 0 : i32
    %dma_start3A_178 = arith.constant 0 : i32
    %dma_start3A_179 = tpu.memref_slice %arg6[%dma_start3A_176, %dma_start3A_177, %dma_start3A_178] : memref<2x24x2048xf32, #tpu.memory_space<vmem>> -> memref<1x24x2048xf32, #tpu.memory_space<vmem>>
    %dma_start3A_180 = tpu.memref_squeeze %dma_start3A_179 : memref<1x24x2048xf32, #tpu.memory_space<vmem>> -> memref<24x2048xf32, #tpu.memory_space<vmem>>
    %dma_start3A_181 = arith.constant 0 : i32
    %dma_start3A_182 = tpu.memref_slice %arg2[%add3A_175, %dma_start3A_181] : memref<6144x2048xf32, #tpu.memory_space<hbm>> -> memref<24x2048xf32, #tpu.memory_space<hbm>>
    %dma_start3A_183 = arith.constant 0 : i32
    %dma_start3A_184 = arith.constant 0 : i32
    %dma_start3A_185 = tpu.memref_slice %arg6[%dma_start3A_176, %dma_start3A_183, %dma_start3A_184] : memref<2x24x2048xf32, #tpu.memory_space<vmem>> -> memref<1x24x2048xf32, #tpu.memory_space<vmem>>
    %dma_start3A_186 = tpu.memref_squeeze %dma_start3A_185 : memref<1x24x2048xf32, #tpu.memory_space<vmem>> -> memref<24x2048xf32, #tpu.memory_space<vmem>>
    %dma_start3A_187 = arith.constant 0 : i32
    %dma_start3A_188 = tpu.memref_slice %arg2[%add3A_175, %dma_start3A_187] : memref<6144x2048xf32, #tpu.memory_space<hbm>> -> memref<24x2048xf32, #tpu.memory_space<hbm>>
    tpu.enqueue_dma source(%dma_start3A_188 : memref<24x2048xf32, #tpu.memory_space<hbm>>) target(%dma_start3A_186 : memref<24x2048xf32, #tpu.memory_space<vmem>>) target_semaphore(%arg7 : memref<!tpu.dma_semaphore, #tpu.memory_space<semaphore_mem>>)
    %dma_wait3A_189 = arith.constant 1 : i32
    %dma_wait3A_190 = arith.constant 0 : i32
    %dma_wait3A_191 = arith.constant 0 : i32
    %dma_wait3A_192 = tpu.memref_slice %arg6[%dma_wait3A_189, %dma_wait3A_190, %dma_wait3A_191] : memref<2x24x2048xf32, #tpu.memory_space<vmem>> -> memref<1x24x2048xf32, #tpu.memory_space<vmem>>
    %dma_wait3A_193 = tpu.memref_squeeze %dma_wait3A_192 : memref<1x24x2048xf32, #tpu.memory_space<vmem>> -> memref<24x2048xf32, #tpu.memory_space<vmem>>
    %dma_wait3A_194 = arith.constant 0 : i32
    %dma_wait3A_195 = tpu.memref_slice %arg2[%add3A_123, %dma_wait3A_194] : memref<6144x2048xf32, #tpu.memory_space<hbm>> -> memref<24x2048xf32, #tpu.memory_space<hbm>>
    %dma_wait3A_196 = arith.constant 0 : i32
    %dma_wait3A_197 = arith.constant 0 : i32
    %dma_wait3A_198 = tpu.memref_slice %arg6[%dma_wait3A_189, %dma_wait3A_196, %dma_wait3A_197] : memref<2x24x2048xf32, #tpu.memory_space<vmem>> -> memref<1x24x2048xf32, #tpu.memory_space<vmem>>
    %dma_wait3A_199 = tpu.memref_squeeze %dma_wait3A_198 : memref<1x24x2048xf32, #tpu.memory_space<vmem>> -> memref<24x2048xf32, #tpu.memory_space<vmem>>
    %dma_wait3A_200 = arith.constant 0 : i32
    %dma_wait3A_201 = tpu.memref_slice %arg2[%add3A_123, %dma_wait3A_200] : memref<6144x2048xf32, #tpu.memory_space<hbm>> -> memref<24x2048xf32, #tpu.memory_space<hbm>>
    tpu.wait_dma2 semaphore(%arg8 : memref<!tpu.dma_semaphore, #tpu.memory_space<semaphore_mem>>) src(%dma_wait3A_201 : memref<24x2048xf32, #tpu.memory_space<hbm>>) dst(%dma_wait3A_199 : memref<24x2048xf32, #tpu.memory_space<vmem>>)
    %dma_start3A_202 = arith.constant 1 : i32
    %dma_start3A_203 = arith.constant 3 : i32
    %dma_start3A_204 = arith.constant 0 : i32
    %dma_start3A_205 = arith.constant 0 : i32
    %dma_start3A_206 = tpu.memref_slice %arg6[%dma_start3A_202, %dma_start3A_204, %dma_start3A_205] : memref<2x24x2048xf32, #tpu.memory_space<vmem>> -> memref<1x24x2048xf32, #tpu.memory_space<vmem>>
    %dma_start3A_207 = tpu.memref_squeeze %dma_start3A_206 : memref<1x24x2048xf32, #tpu.memory_space<vmem>> -> memref<24x2048xf32, #tpu.memory_space<vmem>>
    %dma_start3A_208 = arith.constant 0 : i32
    %dma_start3A_209 = tpu.memref_slice %arg5[%dma_start3A_203, %dma_start3A_208] : memref<8x24xi32, #tpu.memory_space<vmem>> -> memref<1x24xi32, #tpu.memory_space<vmem>>
    %dma_start3A_210 = tpu.memref_squeeze %dma_start3A_209 : memref<1x24xi32, #tpu.memory_space<vmem>> -> memref<24xi32, #tpu.memory_space<vmem>>
    %dma_start3A_211 = arith.constant 0 : i32
    %dma_start3A_212 = arith.constant 0 : i32
    %dma_start3A_213 = tpu.memref_slice %arg4[%dma_start3A_211, %dma_start3A_212] : memref<10240x2048xf32, #tpu.memory_space<hbm>> -> memref<10240x2048xf32, #tpu.memory_space<hbm>>
    tpu.enqueue_indirect_dma source(%dma_start3A_207 : memref<24x2048xf32, #tpu.memory_space<vmem>>) target(%dma_start3A_213 : memref<10240x2048xf32, #tpu.memory_space<hbm>>) offsets(%dma_start3A_210 : memref<24xi32, #tpu.memory_space<vmem>>) semaphore(%arg10 : memref<!tpu.dma_semaphore, #tpu.memory_space<semaphore_mem>>)
    %dma_wait3A_214 = arith.constant 1 : i32
    %dma_wait3A_215 = arith.constant 3 : i32
    %dma_wait3A_216 = arith.constant 0 : i32
    %dma_wait3A_217 = arith.constant 0 : i32
    %dma_wait3A_218 = tpu.memref_slice %arg6[%dma_wait3A_214, %dma_wait3A_216, %dma_wait3A_217] : memref<2x24x2048xf32, #tpu.memory_space<vmem>> -> memref<1x24x2048xf32, #tpu.memory_space<vmem>>
    %dma_wait3A_219 = tpu.memref_squeeze %dma_wait3A_218 : memref<1x24x2048xf32, #tpu.memory_space<vmem>> -> memref<24x2048xf32, #tpu.memory_space<vmem>>
    %dma_wait3A_220 = arith.constant 0 : i32
    %dma_wait3A_221 = tpu.memref_slice %arg5[%dma_wait3A_215, %dma_wait3A_220] : memref<8x24xi32, #tpu.memory_space<vmem>> -> memref<1x24xi32, #tpu.memory_space<vmem>>
    %dma_wait3A_222 = tpu.memref_squeeze %dma_wait3A_221 : memref<1x24xi32, #tpu.memory_space<vmem>> -> memref<24xi32, #tpu.memory_space<vmem>>
    %dma_wait3A_223 = arith.constant 0 : i32
    %dma_wait3A_224 = arith.constant 0 : i32
    %dma_wait3A_225 = tpu.memref_slice %arg4[%dma_wait3A_223, %dma_wait3A_224] : memref<10240x2048xf32, #tpu.memory_space<hbm>> -> memref<10240x2048xf32, #tpu.memory_space<hbm>>
    tpu.wait_indirect_dma semaphore(%arg10 : memref<!tpu.dma_semaphore, #tpu.memory_space<semaphore_mem>>) src(%dma_wait3A_219 : memref<24x2048xf32, #tpu.memory_space<vmem>>) dst(%dma_wait3A_225 : memref<10240x2048xf32, #tpu.memory_space<hbm>>)
    %add3A_226 = arith.constant 120 : i32
    %add3A_227 = arith.addi %mul3A_2, %add3A_226 : i32
    %dma_start3A_228 = arith.constant 1 : i32
    %dma_start3A_229 = arith.constant 0 : i32
    %dma_start3A_230 = arith.constant 0 : i32
    %dma_start3A_231 = tpu.memref_slice %arg6[%dma_start3A_228, %dma_start3A_229, %dma_start3A_230] : memref<2x24x2048xf32, #tpu.memory_space<vmem>> -> memref<1x24x2048xf32, #tpu.memory_space<vmem>>
    %dma_start3A_232 = tpu.memref_squeeze %dma_start3A_231 : memref<1x24x2048xf32, #tpu.memory_space<vmem>> -> memref<24x2048xf32, #tpu.memory_space<vmem>>
    %dma_start3A_233 = arith.constant 0 : i32
    %dma_start3A_234 = tpu.memref_slice %arg2[%add3A_227, %dma_start3A_233] : memref<6144x2048xf32, #tpu.memory_space<hbm>> -> memref<24x2048xf32, #tpu.memory_space<hbm>>
    %dma_start3A_235 = arith.constant 0 : i32
    %dma_start3A_236 = arith.constant 0 : i32
    %dma_start3A_237 = tpu.memref_slice %arg6[%dma_start3A_228, %dma_start3A_235, %dma_start3A_236] : memref<2x24x2048xf32, #tpu.memory_space<vmem>> -> memref<1x24x2048xf32, #tpu.memory_space<vmem>>
    %dma_start3A_238 = tpu.memref_squeeze %dma_start3A_237 : memref<1x24x2048xf32, #tpu.memory_space<vmem>> -> memref<24x2048xf32, #tpu.memory_space<vmem>>
    %dma_start3A_239 = arith.constant 0 : i32
    %dma_start3A_240 = tpu.memref_slice %arg2[%add3A_227, %dma_start3A_239] : memref<6144x2048xf32, #tpu.memory_space<hbm>> -> memref<24x2048xf32, #tpu.memory_space<hbm>>
    tpu.enqueue_dma source(%dma_start3A_240 : memref<24x2048xf32, #tpu.memory_space<hbm>>) target(%dma_start3A_238 : memref<24x2048xf32, #tpu.memory_space<vmem>>) target_semaphore(%arg8 : memref<!tpu.dma_semaphore, #tpu.memory_space<semaphore_mem>>)
    %dma_wait3A_241 = arith.constant 0 : i32
    %dma_wait3A_242 = arith.constant 0 : i32
    %dma_wait3A_243 = arith.constant 0 : i32
    %dma_wait3A_244 = tpu.memref_slice %arg6[%dma_wait3A_241, %dma_wait3A_242, %dma_wait3A_243] : memref<2x24x2048xf32, #tpu.memory_space<vmem>> -> memref<1x24x2048xf32, #tpu.memory_space<vmem>>
    %dma_wait3A_245 = tpu.memref_squeeze %dma_wait3A_244 : memref<1x24x2048xf32, #tpu.memory_space<vmem>> -> memref<24x2048xf32, #tpu.memory_space<vmem>>
    %dma_wait3A_246 = arith.constant 0 : i32
    %dma_wait3A_247 = tpu.memref_slice %arg2[%add3A_175, %dma_wait3A_246] : memref<6144x2048xf32, #tpu.memory_space<hbm>> -> memref<24x2048xf32, #tpu.memory_space<hbm>>
    %dma_wait3A_248 = arith.constant 0 : i32
    %dma_wait3A_249 = arith.constant 0 : i32
    %dma_wait3A_250 = tpu.memref_slice %arg6[%dma_wait3A_241, %dma_wait3A_248, %dma_wait3A_249] : memref<2x24x2048xf32, #tpu.memory_space<vmem>> -> memref<1x24x2048xf32, #tpu.memory_space<vmem>>
    %dma_wait3A_251 = tpu.memref_squeeze %dma_wait3A_250 : memref<1x24x2048xf32, #tpu.memory_space<vmem>> -> memref<24x2048xf32, #tpu.memory_space<vmem>>
    %dma_wait3A_252 = arith.constant 0 : i32
    %dma_wait3A_253 = tpu.memref_slice %arg2[%add3A_175, %dma_wait3A_252] : memref<6144x2048xf32, #tpu.memory_space<hbm>> -> memref<24x2048xf32, #tpu.memory_space<hbm>>
    tpu.wait_dma2 semaphore(%arg7 : memref<!tpu.dma_semaphore, #tpu.memory_space<semaphore_mem>>) src(%dma_wait3A_253 : memref<24x2048xf32, #tpu.memory_space<hbm>>) dst(%dma_wait3A_251 : memref<24x2048xf32, #tpu.memory_space<vmem>>)
    %dma_start3A_254 = arith.constant 0 : i32
    %dma_start3A_255 = arith.constant 4 : i32
    %dma_start3A_256 = arith.constant 0 : i32
    %dma_start3A_257 = arith.constant 0 : i32
    %dma_start3A_258 = tpu.memref_slice %arg6[%dma_start3A_254, %dma_start3A_256, %dma_start3A_257] : memref<2x24x2048xf32, #tpu.memory_space<vmem>> -> memref<1x24x2048xf32, #tpu.memory_space<vmem>>
    %dma_start3A_259 = tpu.memref_squeeze %dma_start3A_258 : memref<1x24x2048xf32, #tpu.memory_space<vmem>> -> memref<24x2048xf32, #tpu.memory_space<vmem>>
    %dma_start3A_260 = arith.constant 0 : i32
    %dma_start3A_261 = tpu.memref_slice %arg5[%dma_start3A_255, %dma_start3A_260] : memref<8x24xi32, #tpu.memory_space<vmem>> -> memref<1x24xi32, #tpu.memory_space<vmem>>
    %dma_start3A_262 = tpu.memref_squeeze %dma_start3A_261 : memref<1x24xi32, #tpu.memory_space<vmem>> -> memref<24xi32, #tpu.memory_space<vmem>>
    %dma_start3A_263 = arith.constant 0 : i32
    %dma_start3A_264 = arith.constant 0 : i32
    %dma_start3A_265 = tpu.memref_slice %arg4[%dma_start3A_263, %dma_start3A_264] : memref<10240x2048xf32, #tpu.memory_space<hbm>> -> memref<10240x2048xf32, #tpu.memory_space<hbm>>
    tpu.enqueue_indirect_dma source(%dma_start3A_259 : memref<24x2048xf32, #tpu.memory_space<vmem>>) target(%dma_start3A_265 : memref<10240x2048xf32, #tpu.memory_space<hbm>>) offsets(%dma_start3A_262 : memref<24xi32, #tpu.memory_space<vmem>>) semaphore(%arg9 : memref<!tpu.dma_semaphore, #tpu.memory_space<semaphore_mem>>)
    %dma_wait3A_266 = arith.constant 0 : i32
    %dma_wait3A_267 = arith.constant 4 : i32
    %dma_wait3A_268 = arith.constant 0 : i32
    %dma_wait3A_269 = arith.constant 0 : i32
    %dma_wait3A_270 = tpu.memref_slice %arg6[%dma_wait3A_266, %dma_wait3A_268, %dma_wait3A_269] : memref<2x24x2048xf32, #tpu.memory_space<vmem>> -> memref<1x24x2048xf32, #tpu.memory_space<vmem>>
    %dma_wait3A_271 = tpu.memref_squeeze %dma_wait3A_270 : memref<1x24x2048xf32, #tpu.memory_space<vmem>> -> memref<24x2048xf32, #tpu.memory_space<vmem>>
    %dma_wait3A_272 = arith.constant 0 : i32
    %dma_wait3A_273 = tpu.memref_slice %arg5[%dma_wait3A_267, %dma_wait3A_272] : memref<8x24xi32, #tpu.memory_space<vmem>> -> memref<1x24xi32, #tpu.memory_space<vmem>>
    %dma_wait3A_274 = tpu.memref_squeeze %dma_wait3A_273 : memref<1x24xi32, #tpu.memory_space<vmem>> -> memref<24xi32, #tpu.memory_space<vmem>>
    %dma_wait3A_275 = arith.constant 0 : i32
    %dma_wait3A_276 = arith.constant 0 : i32
    %dma_wait3A_277 = tpu.memref_slice %arg4[%dma_wait3A_275, %dma_wait3A_276] : memref<10240x2048xf32, #tpu.memory_space<hbm>> -> memref<10240x2048xf32, #tpu.memory_space<hbm>>
    tpu.wait_indirect_dma semaphore(%arg9 : memref<!tpu.dma_semaphore, #tpu.memory_space<semaphore_mem>>) src(%dma_wait3A_271 : memref<24x2048xf32, #tpu.memory_space<vmem>>) dst(%dma_wait3A_277 : memref<10240x2048xf32, #tpu.memory_space<hbm>>)
    %add3A_278 = arith.constant 144 : i32
    %add3A_279 = arith.addi %mul3A_2, %add3A_278 : i32
    %dma_start3A_280 = arith.constant 0 : i32
    %dma_start3A_281 = arith.constant 0 : i32
    %dma_start3A_282 = arith.constant 0 : i32
    %dma_start3A_283 = tpu.memref_slice %arg6[%dma_start3A_280, %dma_start3A_281, %dma_start3A_282] : memref<2x24x2048xf32, #tpu.memory_space<vmem>> -> memref<1x24x2048xf32, #tpu.memory_space<vmem>>
    %dma_start3A_284 = tpu.memref_squeeze %dma_start3A_283 : memref<1x24x2048xf32, #tpu.memory_space<vmem>> -> memref<24x2048xf32, #tpu.memory_space<vmem>>
    %dma_start3A_285 = arith.constant 0 : i32
    %dma_start3A_286 = tpu.memref_slice %arg2[%add3A_279, %dma_start3A_285] : memref<6144x2048xf32, #tpu.memory_space<hbm>> -> memref<24x2048xf32, #tpu.memory_space<hbm>>
    %dma_start3A_287 = arith.constant 0 : i32
    %dma_start3A_288 = arith.constant 0 : i32
    %dma_start3A_289 = tpu.memref_slice %arg6[%dma_start3A_280, %dma_start3A_287, %dma_start3A_288] : memref<2x24x2048xf32, #tpu.memory_space<vmem>> -> memref<1x24x2048xf32, #tpu.memory_space<vmem>>
    %dma_start3A_290 = tpu.memref_squeeze %dma_start3A_289 : memref<1x24x2048xf32, #tpu.memory_space<vmem>> -> memref<24x2048xf32, #tpu.memory_space<vmem>>
    %dma_start3A_291 = arith.constant 0 : i32
    %dma_start3A_292 = tpu.memref_slice %arg2[%add3A_279, %dma_start3A_291] : memref<6144x2048xf32, #tpu.memory_space<hbm>> -> memref<24x2048xf32, #tpu.memory_space<hbm>>
    tpu.enqueue_dma source(%dma_start3A_292 : memref<24x2048xf32, #tpu.memory_space<hbm>>) target(%dma_start3A_290 : memref<24x2048xf32, #tpu.memory_space<vmem>>) target_semaphore(%arg7 : memref<!tpu.dma_semaphore, #tpu.memory_space<semaphore_mem>>)
    %dma_wait3A_293 = arith.constant 1 : i32
    %dma_wait3A_294 = arith.constant 0 : i32
    %dma_wait3A_295 = arith.constant 0 : i32
    %dma_wait3A_296 = tpu.memref_slice %arg6[%dma_wait3A_293, %dma_wait3A_294, %dma_wait3A_295] : memref<2x24x2048xf32, #tpu.memory_space<vmem>> -> memref<1x24x2048xf32, #tpu.memory_space<vmem>>
    %dma_wait3A_297 = tpu.memref_squeeze %dma_wait3A_296 : memref<1x24x2048xf32, #tpu.memory_space<vmem>> -> memref<24x2048xf32, #tpu.memory_space<vmem>>
    %dma_wait3A_298 = arith.constant 0 : i32
    %dma_wait3A_299 = tpu.memref_slice %arg2[%add3A_227, %dma_wait3A_298] : memref<6144x2048xf32, #tpu.memory_space<hbm>> -> memref<24x2048xf32, #tpu.memory_space<hbm>>
    %dma_wait3A_300 = arith.constant 0 : i32
    %dma_wait3A_301 = arith.constant 0 : i32
    %dma_wait3A_302 = tpu.memref_slice %arg6[%dma_wait3A_293, %dma_wait3A_300, %dma_wait3A_301] : memref<2x24x2048xf32, #tpu.memory_space<vmem>> -> memref<1x24x2048xf32, #tpu.memory_space<vmem>>
    %dma_wait3A_303 = tpu.memref_squeeze %dma_wait3A_302 : memref<1x24x2048xf32, #tpu.memory_space<vmem>> -> memref<24x2048xf32, #tpu.memory_space<vmem>>
    %dma_wait3A_304 = arith.constant 0 : i32
    %dma_wait3A_305 = tpu.memref_slice %arg2[%add3A_227, %dma_wait3A_304] : memref<6144x2048xf32, #tpu.memory_space<hbm>> -> memref<24x2048xf32, #tpu.memory_space<hbm>>
    tpu.wait_dma2 semaphore(%arg8 : memref<!tpu.dma_semaphore, #tpu.memory_space<semaphore_mem>>) src(%dma_wait3A_305 : memref<24x2048xf32, #tpu.memory_space<hbm>>) dst(%dma_wait3A_303 : memref<24x2048xf32, #tpu.memory_space<vmem>>)
    %dma_start3A_306 = arith.constant 1 : i32
    %dma_start3A_307 = arith.constant 5 : i32
    %dma_start3A_308 = arith.constant 0 : i32
    %dma_start3A_309 = arith.constant 0 : i32
    %dma_start3A_310 = tpu.memref_slice %arg6[%dma_start3A_306, %dma_start3A_308, %dma_start3A_309] : memref<2x24x2048xf32, #tpu.memory_space<vmem>> -> memref<1x24x2048xf32, #tpu.memory_space<vmem>>
    %dma_start3A_311 = tpu.memref_squeeze %dma_start3A_310 : memref<1x24x2048xf32, #tpu.memory_space<vmem>> -> memref<24x2048xf32, #tpu.memory_space<vmem>>
    %dma_start3A_312 = arith.constant 0 : i32
    %dma_start3A_313 = tpu.memref_slice %arg5[%dma_start3A_307, %dma_start3A_312] : memref<8x24xi32, #tpu.memory_space<vmem>> -> memref<1x24xi32, #tpu.memory_space<vmem>>
    %dma_start3A_314 = tpu.memref_squeeze %dma_start3A_313 : memref<1x24xi32, #tpu.memory_space<vmem>> -> memref<24xi32, #tpu.memory_space<vmem>>
    %dma_start3A_315 = arith.constant 0 : i32
    %dma_start3A_316 = arith.constant 0 : i32
    %dma_start3A_317 = tpu.memref_slice %arg4[%dma_start3A_315, %dma_start3A_316] : memref<10240x2048xf32, #tpu.memory_space<hbm>> -> memref<10240x2048xf32, #tpu.memory_space<hbm>>
    tpu.enqueue_indirect_dma source(%dma_start3A_311 : memref<24x2048xf32, #tpu.memory_space<vmem>>) target(%dma_start3A_317 : memref<10240x2048xf32, #tpu.memory_space<hbm>>) offsets(%dma_start3A_314 : memref<24xi32, #tpu.memory_space<vmem>>) semaphore(%arg10 : memref<!tpu.dma_semaphore, #tpu.memory_space<semaphore_mem>>)
    %dma_wait3A_318 = arith.constant 1 : i32
    %dma_wait3A_319 = arith.constant 5 : i32
    %dma_wait3A_320 = arith.constant 0 : i32
    %dma_wait3A_321 = arith.constant 0 : i32
    %dma_wait3A_322 = tpu.memref_slice %arg6[%dma_wait3A_318, %dma_wait3A_320, %dma_wait3A_321] : memref<2x24x2048xf32, #tpu.memory_space<vmem>> -> memref<1x24x2048xf32, #tpu.memory_space<vmem>>
    %dma_wait3A_323 = tpu.memref_squeeze %dma_wait3A_322 : memref<1x24x2048xf32, #tpu.memory_space<vmem>> -> memref<24x2048xf32, #tpu.memory_space<vmem>>
    %dma_wait3A_324 = arith.constant 0 : i32
    %dma_wait3A_325 = tpu.memref_slice %arg5[%dma_wait3A_319, %dma_wait3A_324] : memref<8x24xi32, #tpu.memory_space<vmem>> -> memref<1x24xi32, #tpu.memory_space<vmem>>
    %dma_wait3A_326 = tpu.memref_squeeze %dma_wait3A_325 : memref<1x24xi32, #tpu.memory_space<vmem>> -> memref<24xi32, #tpu.memory_space<vmem>>
    %dma_wait3A_327 = arith.constant 0 : i32
    %dma_wait3A_328 = arith.constant 0 : i32
    %dma_wait3A_329 = tpu.memref_slice %arg4[%dma_wait3A_327, %dma_wait3A_328] : memref<10240x2048xf32, #tpu.memory_space<hbm>> -> memref<10240x2048xf32, #tpu.memory_space<hbm>>
    tpu.wait_indirect_dma semaphore(%arg10 : memref<!tpu.dma_semaphore, #tpu.memory_space<semaphore_mem>>) src(%dma_wait3A_323 : memref<24x2048xf32, #tpu.memory_space<vmem>>) dst(%dma_wait3A_329 : memref<10240x2048xf32, #tpu.memory_space<hbm>>)
    %add3A_330 = arith.constant 168 : i32
    %add3A_331 = arith.addi %mul3A_2, %add3A_330 : i32
    %dma_start3A_332 = arith.constant 1 : i32
    %dma_start3A_333 = arith.constant 0 : i32
    %dma_start3A_334 = arith.constant 0 : i32
    %dma_start3A_335 = tpu.memref_slice %arg6[%dma_start3A_332, %dma_start3A_333, %dma_start3A_334] : memref<2x24x2048xf32, #tpu.memory_space<vmem>> -> memref<1x24x2048xf32, #tpu.memory_space<vmem>>
    %dma_start3A_336 = tpu.memref_squeeze %dma_start3A_335 : memref<1x24x2048xf32, #tpu.memory_space<vmem>> -> memref<24x2048xf32, #tpu.memory_space<vmem>>
    %dma_start3A_337 = arith.constant 0 : i32
    %dma_start3A_338 = tpu.memref_slice %arg2[%add3A_331, %dma_start3A_337] : memref<6144x2048xf32, #tpu.memory_space<hbm>> -> memref<24x2048xf32, #tpu.memory_space<hbm>>
    %dma_start3A_339 = arith.constant 0 : i32
    %dma_start3A_340 = arith.constant 0 : i32
    %dma_start3A_341 = tpu.memref_slice %arg6[%dma_start3A_332, %dma_start3A_339, %dma_start3A_340] : memref<2x24x2048xf32, #tpu.memory_space<vmem>> -> memref<1x24x2048xf32, #tpu.memory_space<vmem>>
    %dma_start3A_342 = tpu.memref_squeeze %dma_start3A_341 : memref<1x24x2048xf32, #tpu.memory_space<vmem>> -> memref<24x2048xf32, #tpu.memory_space<vmem>>
    %dma_start3A_343 = arith.constant 0 : i32
    %dma_start3A_344 = tpu.memref_slice %arg2[%add3A_331, %dma_start3A_343] : memref<6144x2048xf32, #tpu.memory_space<hbm>> -> memref<24x2048xf32, #tpu.memory_space<hbm>>
    tpu.enqueue_dma source(%dma_start3A_344 : memref<24x2048xf32, #tpu.memory_space<hbm>>) target(%dma_start3A_342 : memref<24x2048xf32, #tpu.memory_space<vmem>>) target_semaphore(%arg8 : memref<!tpu.dma_semaphore, #tpu.memory_space<semaphore_mem>>)
    %dma_wait3A_345 = arith.constant 0 : i32
    %dma_wait3A_346 = arith.constant 0 : i32
    %dma_wait3A_347 = arith.constant 0 : i32
    %dma_wait3A_348 = tpu.memref_slice %arg6[%dma_wait3A_345, %dma_wait3A_346, %dma_wait3A_347] : memref<2x24x2048xf32, #tpu.memory_space<vmem>> -> memref<1x24x2048xf32, #tpu.memory_space<vmem>>
    %dma_wait3A_349 = tpu.memref_squeeze %dma_wait3A_348 : memref<1x24x2048xf32, #tpu.memory_space<vmem>> -> memref<24x2048xf32, #tpu.memory_space<vmem>>
    %dma_wait3A_350 = arith.constant 0 : i32
    %dma_wait3A_351 = tpu.memref_slice %arg2[%add3A_279, %dma_wait3A_350] : memref<6144x2048xf32, #tpu.memory_space<hbm>> -> memref<24x2048xf32, #tpu.memory_space<hbm>>
    %dma_wait3A_352 = arith.constant 0 : i32
    %dma_wait3A_353 = arith.constant 0 : i32
    %dma_wait3A_354 = tpu.memref_slice %arg6[%dma_wait3A_345, %dma_wait3A_352, %dma_wait3A_353] : memref<2x24x2048xf32, #tpu.memory_space<vmem>> -> memref<1x24x2048xf32, #tpu.memory_space<vmem>>
    %dma_wait3A_355 = tpu.memref_squeeze %dma_wait3A_354 : memref<1x24x2048xf32, #tpu.memory_space<vmem>> -> memref<24x2048xf32, #tpu.memory_space<vmem>>
    %dma_wait3A_356 = arith.constant 0 : i32
    %dma_wait3A_357 = tpu.memref_slice %arg2[%add3A_279, %dma_wait3A_356] : memref<6144x2048xf32, #tpu.memory_space<hbm>> -> memref<24x2048xf32, #tpu.memory_space<hbm>>
    tpu.wait_dma2 semaphore(%arg7 : memref<!tpu.dma_semaphore, #tpu.memory_space<semaphore_mem>>) src(%dma_wait3A_357 : memref<24x2048xf32, #tpu.memory_space<hbm>>) dst(%dma_wait3A_355 : memref<24x2048xf32, #tpu.memory_space<vmem>>)
    %dma_start3A_358 = arith.constant 0 : i32
    %dma_start3A_359 = arith.constant 6 : i32
    %dma_start3A_360 = arith.constant 0 : i32
    %dma_start3A_361 = arith.constant 0 : i32
    %dma_start3A_362 = tpu.memref_slice %arg6[%dma_start3A_358, %dma_start3A_360, %dma_start3A_361] : memref<2x24x2048xf32, #tpu.memory_space<vmem>> -> memref<1x24x2048xf32, #tpu.memory_space<vmem>>
    %dma_start3A_363 = tpu.memref_squeeze %dma_start3A_362 : memref<1x24x2048xf32, #tpu.memory_space<vmem>> -> memref<24x2048xf32, #tpu.memory_space<vmem>>
    %dma_start3A_364 = arith.constant 0 : i32
    %dma_start3A_365 = tpu.memref_slice %arg5[%dma_start3A_359, %dma_start3A_364] : memref<8x24xi32, #tpu.memory_space<vmem>> -> memref<1x24xi32, #tpu.memory_space<vmem>>
    %dma_start3A_366 = tpu.memref_squeeze %dma_start3A_365 : memref<1x24xi32, #tpu.memory_space<vmem>> -> memref<24xi32, #tpu.memory_space<vmem>>
    %dma_start3A_367 = arith.constant 0 : i32
    %dma_start3A_368 = arith.constant 0 : i32
    %dma_start3A_369 = tpu.memref_slice %arg4[%dma_start3A_367, %dma_start3A_368] : memref<10240x2048xf32, #tpu.memory_space<hbm>> -> memref<10240x2048xf32, #tpu.memory_space<hbm>>
    tpu.enqueue_indirect_dma source(%dma_start3A_363 : memref<24x2048xf32, #tpu.memory_space<vmem>>) target(%dma_start3A_369 : memref<10240x2048xf32, #tpu.memory_space<hbm>>) offsets(%dma_start3A_366 : memref<24xi32, #tpu.memory_space<vmem>>) semaphore(%arg9 : memref<!tpu.dma_semaphore, #tpu.memory_space<semaphore_mem>>)
    %dma_wait3A_370 = arith.constant 1 : i32
    %dma_wait3A_371 = arith.constant 0 : i32
    %dma_wait3A_372 = arith.constant 0 : i32
    %dma_wait3A_373 = tpu.memref_slice %arg6[%dma_wait3A_370, %dma_wait3A_371, %dma_wait3A_372] : memref<2x24x2048xf32, #tpu.memory_space<vmem>> -> memref<1x24x2048xf32, #tpu.memory_space<vmem>>
    %dma_wait3A_374 = tpu.memref_squeeze %dma_wait3A_373 : memref<1x24x2048xf32, #tpu.memory_space<vmem>> -> memref<24x2048xf32, #tpu.memory_space<vmem>>
    %dma_wait3A_375 = arith.constant 0 : i32
    %dma_wait3A_376 = tpu.memref_slice %arg2[%add3A_331, %dma_wait3A_375] : memref<6144x2048xf32, #tpu.memory_space<hbm>> -> memref<24x2048xf32, #tpu.memory_space<hbm>>
    %dma_wait3A_377 = arith.constant 0 : i32
    %dma_wait3A_378 = arith.constant 0 : i32
    %dma_wait3A_379 = tpu.memref_slice %arg6[%dma_wait3A_370, %dma_wait3A_377, %dma_wait3A_378] : memref<2x24x2048xf32, #tpu.memory_space<vmem>> -> memref<1x24x2048xf32, #tpu.memory_space<vmem>>
    %dma_wait3A_380 = tpu.memref_squeeze %dma_wait3A_379 : memref<1x24x2048xf32, #tpu.memory_space<vmem>> -> memref<24x2048xf32, #tpu.memory_space<vmem>>
    %dma_wait3A_381 = arith.constant 0 : i32
    %dma_wait3A_382 = tpu.memref_slice %arg2[%add3A_331, %dma_wait3A_381] : memref<6144x2048xf32, #tpu.memory_space<hbm>> -> memref<24x2048xf32, #tpu.memory_space<hbm>>
    tpu.wait_dma2 semaphore(%arg8 : memref<!tpu.dma_semaphore, #tpu.memory_space<semaphore_mem>>) src(%dma_wait3A_382 : memref<24x2048xf32, #tpu.memory_space<hbm>>) dst(%dma_wait3A_380 : memref<24x2048xf32, #tpu.memory_space<vmem>>)
    %dma_start3A_383 = arith.constant 1 : i32
    %dma_start3A_384 = arith.constant 7 : i32
    %dma_start3A_385 = arith.constant 0 : i32
    %dma_start3A_386 = arith.constant 0 : i32
    %dma_start3A_387 = tpu.memref_slice %arg6[%dma_start3A_383, %dma_start3A_385, %dma_start3A_386] : memref<2x24x2048xf32, #tpu.memory_space<vmem>> -> memref<1x24x2048xf32, #tpu.memory_space<vmem>>
    %dma_start3A_388 = tpu.memref_squeeze %dma_start3A_387 : memref<1x24x2048xf32, #tpu.memory_space<vmem>> -> memref<24x2048xf32, #tpu.memory_space<vmem>>
    %dma_start3A_389 = arith.constant 0 : i32
    %dma_start3A_390 = tpu.memref_slice %arg5[%dma_start3A_384, %dma_start3A_389] : memref<8x24xi32, #tpu.memory_space<vmem>> -> memref<1x24xi32, #tpu.memory_space<vmem>>
    %dma_start3A_391 = tpu.memref_squeeze %dma_start3A_390 : memref<1x24xi32, #tpu.memory_space<vmem>> -> memref<24xi32, #tpu.memory_space<vmem>>
    %dma_start3A_392 = arith.constant 0 : i32
    %dma_start3A_393 = arith.constant 0 : i32
    %dma_start3A_394 = tpu.memref_slice %arg4[%dma_start3A_392, %dma_start3A_393] : memref<10240x2048xf32, #tpu.memory_space<hbm>> -> memref<10240x2048xf32, #tpu.memory_space<hbm>>
    tpu.enqueue_indirect_dma source(%dma_start3A_388 : memref<24x2048xf32, #tpu.memory_space<vmem>>) target(%dma_start3A_394 : memref<10240x2048xf32, #tpu.memory_space<hbm>>) offsets(%dma_start3A_391 : memref<24xi32, #tpu.memory_space<vmem>>) semaphore(%arg10 : memref<!tpu.dma_semaphore, #tpu.memory_space<semaphore_mem>>)
    %dma_wait3A_395 = arith.constant 0 : i32
    %dma_wait3A_396 = arith.constant 6 : i32
    %dma_wait3A_397 = arith.constant 0 : i32
    %dma_wait3A_398 = arith.constant 0 : i32
    %dma_wait3A_399 = tpu.memref_slice %arg6[%dma_wait3A_395, %dma_wait3A_397, %dma_wait3A_398] : memref<2x24x2048xf32, #tpu.memory_space<vmem>> -> memref<1x24x2048xf32, #tpu.memory_space<vmem>>
    %dma_wait3A_400 = tpu.memref_squeeze %dma_wait3A_399 : memref<1x24x2048xf32, #tpu.memory_space<vmem>> -> memref<24x2048xf32, #tpu.memory_space<vmem>>
    %dma_wait3A_401 = arith.constant 0 : i32
    %dma_wait3A_402 = tpu.memref_slice %arg5[%dma_wait3A_396, %dma_wait3A_401] : memref<8x24xi32, #tpu.memory_space<vmem>> -> memref<1x24xi32, #tpu.memory_space<vmem>>
    %dma_wait3A_403 = tpu.memref_squeeze %dma_wait3A_402 : memref<1x24xi32, #tpu.memory_space<vmem>> -> memref<24xi32, #tpu.memory_space<vmem>>
    %dma_wait3A_404 = arith.constant 0 : i32
    %dma_wait3A_405 = arith.constant 0 : i32
    %dma_wait3A_406 = tpu.memref_slice %arg4[%dma_wait3A_404, %dma_wait3A_405] : memref<10240x2048xf32, #tpu.memory_space<hbm>> -> memref<10240x2048xf32, #tpu.memory_space<hbm>>
    tpu.wait_indirect_dma semaphore(%arg9 : memref<!tpu.dma_semaphore, #tpu.memory_space<semaphore_mem>>) src(%dma_wait3A_400 : memref<24x2048xf32, #tpu.memory_space<vmem>>) dst(%dma_wait3A_406 : memref<10240x2048xf32, #tpu.memory_space<hbm>>)
    %dma_wait3A_407 = arith.constant 1 : i32
    %dma_wait3A_408 = arith.constant 7 : i32
    %dma_wait3A_409 = arith.constant 0 : i32
    %dma_wait3A_410 = arith.constant 0 : i32
    %dma_wait3A_411 = tpu.memref_slice %arg6[%dma_wait3A_407, %dma_wait3A_409, %dma_wait3A_410] : memref<2x24x2048xf32, #tpu.memory_space<vmem>> -> memref<1x24x2048xf32, #tpu.memory_space<vmem>>
    %dma_wait3A_412 = tpu.memref_squeeze %dma_wait3A_411 : memref<1x24x2048xf32, #tpu.memory_space<vmem>> -> memref<24x2048xf32, #tpu.memory_space<vmem>>
    %dma_wait3A_413 = arith.constant 0 : i32
    %dma_wait3A_414 = tpu.memref_slice %arg5[%dma_wait3A_408, %dma_wait3A_413] : memref<8x24xi32, #tpu.memory_space<vmem>> -> memref<1x24xi32, #tpu.memory_space<vmem>>
    %dma_wait3A_415 = tpu.memref_squeeze %dma_wait3A_414 : memref<1x24xi32, #tpu.memory_space<vmem>> -> memref<24xi32, #tpu.memory_space<vmem>>
    %dma_wait3A_416 = arith.constant 0 : i32
    %dma_wait3A_417 = arith.constant 0 : i32
    %dma_wait3A_418 = tpu.memref_slice %arg4[%dma_wait3A_416, %dma_wait3A_417] : memref<10240x2048xf32, #tpu.memory_space<hbm>> -> memref<10240x2048xf32, #tpu.memory_space<hbm>>
    tpu.wait_indirect_dma semaphore(%arg10 : memref<!tpu.dma_semaphore, #tpu.memory_space<semaphore_mem>>) src(%dma_wait3A_412 : memref<24x2048xf32, #tpu.memory_space<vmem>>) dst(%dma_wait3A_418 : memref<10240x2048xf32, #tpu.memory_space<hbm>>)
    return
  }
}

module attributes {stable_mosaic.version = 14 : i64} {
  func.func @_prologue_body(%arg0: i32, %arg1: memref<256x2048xf32, #tpu.memory_space<vmem>>, %arg2: memref<256x2048xf32, #tpu.memory_space<vmem>>, %arg3: memref<2048x768xf32, #tpu.memory_space<vmem>>, %arg4: memref<512x2048xf32, #tpu.memory_space<vmem>>, %arg5: memref<256x2048xf32, #tpu.memory_space<vmem>>, %arg6: memref<256x2048xf32, #tpu.memory_space<vmem>>, %arg7: memref<256x128xf32, #tpu.memory_space<vmem>>, %arg8: memref<256x128xf32, #tpu.memory_space<vmem>>, %arg9: memref<256x2048xf32, #tpu.memory_space<vmem>>, %arg10: memref<256x128xf32, #tpu.memory_space<vmem>>, %arg11: memref<256x128xf32, #tpu.memory_space<vmem>>, %arg12: memref<256x2048xf32, #tpu.memory_space<vmem>>) attributes {dimension_semantics = [#tpu.dimension_semantics<arbitrary>], iteration_bounds = array<i64: 8>, scalar_prefetch = 0 : i64, scratch_operands = 0 : i64, tpu.core_type = #tpu.core_type<tc>, window_params = [{transform_indices = @transform_0, window_bounds = array<i64: 256, 2048>}, {transform_indices = @transform_1, window_bounds = array<i64: 256, 2048>}, {pipeline_mode = #tpu.pipeline_mode<synchronous>, transform_indices = @transform_2, window_bounds = array<i64: 2048, 768>}, {pipeline_mode = #tpu.pipeline_mode<synchronous>, transform_indices = @transform_3, window_bounds = array<i64: 512, 2048>}, {transform_indices = @transform_4, window_bounds = array<i64: 256, 2048>}, {transform_indices = @transform_5, window_bounds = array<i64: 256, 2048>}, {transform_indices = @transform_6, window_bounds = array<i64: 256, 128>}, {transform_indices = @transform_7, window_bounds = array<i64: 256, 128>}, {transform_indices = @transform_8, window_bounds = array<i64: 256, 2048>}, {transform_indices = @transform_9, window_bounds = array<i64: 256, 128>}, {transform_indices = @transform_10, window_bounds = array<i64: 256, 128>}, {transform_indices = @transform_11, window_bounds = array<i64: 256, 2048>}]} {
    %get3A = arith.constant 0 : index
    %get3A_0 = arith.constant 0 : index
    %get3A_1 = vector.load %arg1[%get3A, %get3A_0] : memref<256x2048xf32, #tpu.memory_space<vmem>>, vector<256x2048xf32>
    %get3A_2 = arith.constant 0 : index
    %get3A_3 = arith.constant 0 : index
    %get3A_4 = vector.load %arg2[%get3A_2, %get3A_3] : memref<256x2048xf32, #tpu.memory_space<vmem>>, vector<256x2048xf32>
    %add3A = arith.addf %get3A_1, %get3A_4 : vector<256x2048xf32>
    %swap3A = arith.constant 0 : index
    %swap3A_5 = arith.constant 0 : index
    %swap3A_6 = vector.load %arg12[%swap3A, %swap3A_5] : memref<256x2048xf32, #tpu.memory_space<vmem>>, vector<256x2048xf32>
    tpu.vector_store %arg12[%swap3A, %swap3A_5], %add3A {strides = array<i32>} : memref<256x2048xf32, #tpu.memory_space<vmem>>, vector<256x2048xf32>,
    %mul3A = arith.mulf %add3A, %add3A : vector<256x2048xf32>
    %reduce_sum3A = arith.constant dense<0.000000e+00> : vector<256xf32>
    %reduce_sum3A_7 = vector.multi_reduction <add>, %mul3A, %reduce_sum3A [1] : vector<256x2048xf32> to vector<256xf32>
    %broadcast_in_dim3A = vector.shape_cast %reduce_sum3A_7 : vector<256xf32> to vector<256x1xf32>
    %div3A = arith.constant 2.048000e+03 : f32
    %div3A_8 = vector.broadcast %div3A : f32 to vector<256x1xf32>
    %div3A_9 = arith.divf %broadcast_in_dim3A, %div3A_8 : vector<256x1xf32>
    %add3A_10 = arith.constant 9.99999974E-6 : f32
    %add3A_11 = vector.broadcast %add3A_10 : f32 to vector<256x1xf32>
    %add3A_12 = arith.addf %div3A_9, %add3A_11 : vector<256x1xf32>
    %rsqrt3A = math.rsqrt %add3A_12 : vector<256x1xf32>
    %mul3A_13 = vector.broadcast %rsqrt3A : vector<256x1xf32> to vector<256x2048xf32>
    %mul3A_14 = arith.mulf %add3A, %mul3A_13 : vector<256x2048xf32>
    %get3A_15 = arith.constant 0 : index
    %get3A_16 = arith.constant 0 : index
    %get3A_17 = vector.load %arg3[%get3A_15, %get3A_16] : memref<2048x768xf32, #tpu.memory_space<vmem>>, vector<2048x768xf32>
    %dot_general3A = arith.constant dense<0.000000e+00> : vector<256x768xf32>
    %dot_general3A_18 = tpu.matmul %mul3A_14, %get3A_17, %dot_general3A {dimension_numbers = #tpu.dot_dimension_numbers<[1], [0], [0], [1], [0, 0, 1, 1], [], []>, transpose_lhs_hint = false} : vector<256x2048xf32>, vector<2048x768xf32>, vector<256x768xf32> -> vector<256x768xf32>
    %slice3A = vector.extract_strided_slice %dot_general3A_18 {offsets = [0, 0], sizes = [256, 512], strides = [1, 1]} : vector<256x768xf32> to vector<256x512xf32>
    %slice3A_19 = vector.extract_strided_slice %dot_general3A_18 {offsets = [0, 512], sizes = [256, 128], strides = [1, 1]} : vector<256x768xf32> to vector<256x128xf32>
    %slice3A_20 = vector.extract_strided_slice %dot_general3A_18 {offsets = [0, 640], sizes = [256, 128], strides = [1, 1]} : vector<256x768xf32> to vector<256x128xf32>
    %mul3A_21 = arith.mulf %slice3A, %slice3A : vector<256x512xf32>
    %reduce_sum3A_22 = arith.constant dense<0.000000e+00> : vector<256xf32>
    %reduce_sum3A_23 = vector.multi_reduction <add>, %mul3A_21, %reduce_sum3A_22 [1] : vector<256x512xf32> to vector<256xf32>
    %broadcast_in_dim3A_24 = vector.shape_cast %reduce_sum3A_23 : vector<256xf32> to vector<256x1xf32>
    %div3A_25 = arith.constant 5.120000e+02 : f32
    %div3A_26 = vector.broadcast %div3A_25 : f32 to vector<256x1xf32>
    %div3A_27 = arith.divf %broadcast_in_dim3A_24, %div3A_26 : vector<256x1xf32>
    %add3A_28 = arith.constant 9.99999974E-6 : f32
    %add3A_29 = vector.broadcast %add3A_28 : f32 to vector<256x1xf32>
    %add3A_30 = arith.addf %div3A_27, %add3A_29 : vector<256x1xf32>
    %rsqrt3A_31 = math.rsqrt %add3A_30 : vector<256x1xf32>
    %mul3A_32 = vector.broadcast %rsqrt3A_31 : vector<256x1xf32> to vector<256x512xf32>
    %mul3A_33 = arith.mulf %slice3A, %mul3A_32 : vector<256x512xf32>
    %get3A_34 = arith.constant 0 : index
    %get3A_35 = arith.constant 0 : index
    %get3A_36 = vector.load %arg4[%get3A_34, %get3A_35] : memref<512x2048xf32, #tpu.memory_space<vmem>>, vector<512x2048xf32>
    %dot_general3A_37 = arith.constant dense<0.000000e+00> : vector<256x2048xf32>
    %dot_general3A_38 = tpu.matmul %mul3A_33, %get3A_36, %dot_general3A_37 {dimension_numbers = #tpu.dot_dimension_numbers<[1], [0], [0], [1], [0, 0, 1, 1], [], []>, transpose_lhs_hint = false} : vector<256x512xf32>, vector<512x2048xf32>, vector<256x2048xf32> -> vector<256x2048xf32>
    %slice3A_39 = vector.extract_strided_slice %dot_general3A_38 {offsets = [0, 64], sizes = [256, 64], strides = [1, 1]} : vector<256x2048xf32> to vector<256x64xf32>
    %slice3A_40 = vector.extract_strided_slice %dot_general3A_38 {offsets = [0, 0], sizes = [256, 64], strides = [1, 1]} : vector<256x2048xf32> to vector<256x64xf32>
    %slice3A_41 = vector.extract_strided_slice %dot_general3A_38 {offsets = [0, 192], sizes = [256, 64], strides = [1, 1]} : vector<256x2048xf32> to vector<256x64xf32>
    %slice3A_42 = vector.extract_strided_slice %dot_general3A_38 {offsets = [0, 128], sizes = [256, 64], strides = [1, 1]} : vector<256x2048xf32> to vector<256x64xf32>
    %slice3A_43 = vector.extract_strided_slice %dot_general3A_38 {offsets = [0, 320], sizes = [256, 64], strides = [1, 1]} : vector<256x2048xf32> to vector<256x64xf32>
    %slice3A_44 = vector.extract_strided_slice %dot_general3A_38 {offsets = [0, 256], sizes = [256, 64], strides = [1, 1]} : vector<256x2048xf32> to vector<256x64xf32>
    %slice3A_45 = vector.extract_strided_slice %dot_general3A_38 {offsets = [0, 448], sizes = [256, 64], strides = [1, 1]} : vector<256x2048xf32> to vector<256x64xf32>
    %slice3A_46 = vector.extract_strided_slice %dot_general3A_38 {offsets = [0, 384], sizes = [256, 64], strides = [1, 1]} : vector<256x2048xf32> to vector<256x64xf32>
    %slice3A_47 = vector.extract_strided_slice %dot_general3A_38 {offsets = [0, 576], sizes = [256, 64], strides = [1, 1]} : vector<256x2048xf32> to vector<256x64xf32>
    %slice3A_48 = vector.extract_strided_slice %dot_general3A_38 {offsets = [0, 512], sizes = [256, 64], strides = [1, 1]} : vector<256x2048xf32> to vector<256x64xf32>
    %slice3A_49 = vector.extract_strided_slice %dot_general3A_38 {offsets = [0, 704], sizes = [256, 64], strides = [1, 1]} : vector<256x2048xf32> to vector<256x64xf32>
    %slice3A_50 = vector.extract_strided_slice %dot_general3A_38 {offsets = [0, 640], sizes = [256, 64], strides = [1, 1]} : vector<256x2048xf32> to vector<256x64xf32>
    %slice3A_51 = vector.extract_strided_slice %dot_general3A_38 {offsets = [0, 832], sizes = [256, 64], strides = [1, 1]} : vector<256x2048xf32> to vector<256x64xf32>
    %slice3A_52 = vector.extract_strided_slice %dot_general3A_38 {offsets = [0, 768], sizes = [256, 64], strides = [1, 1]} : vector<256x2048xf32> to vector<256x64xf32>
    %slice3A_53 = vector.extract_strided_slice %dot_general3A_38 {offsets = [0, 960], sizes = [256, 64], strides = [1, 1]} : vector<256x2048xf32> to vector<256x64xf32>
    %slice3A_54 = vector.extract_strided_slice %dot_general3A_38 {offsets = [0, 896], sizes = [256, 64], strides = [1, 1]} : vector<256x2048xf32> to vector<256x64xf32>
    %slice3A_55 = vector.extract_strided_slice %dot_general3A_38 {offsets = [0, 1088], sizes = [256, 64], strides = [1, 1]} : vector<256x2048xf32> to vector<256x64xf32>
    %slice3A_56 = vector.extract_strided_slice %dot_general3A_38 {offsets = [0, 1024], sizes = [256, 64], strides = [1, 1]} : vector<256x2048xf32> to vector<256x64xf32>
    %slice3A_57 = vector.extract_strided_slice %dot_general3A_38 {offsets = [0, 1216], sizes = [256, 64], strides = [1, 1]} : vector<256x2048xf32> to vector<256x64xf32>
    %slice3A_58 = vector.extract_strided_slice %dot_general3A_38 {offsets = [0, 1152], sizes = [256, 64], strides = [1, 1]} : vector<256x2048xf32> to vector<256x64xf32>
    %slice3A_59 = vector.extract_strided_slice %dot_general3A_38 {offsets = [0, 1344], sizes = [256, 64], strides = [1, 1]} : vector<256x2048xf32> to vector<256x64xf32>
    %slice3A_60 = vector.extract_strided_slice %dot_general3A_38 {offsets = [0, 1280], sizes = [256, 64], strides = [1, 1]} : vector<256x2048xf32> to vector<256x64xf32>
    %slice3A_61 = vector.extract_strided_slice %dot_general3A_38 {offsets = [0, 1472], sizes = [256, 64], strides = [1, 1]} : vector<256x2048xf32> to vector<256x64xf32>
    %slice3A_62 = vector.extract_strided_slice %dot_general3A_38 {offsets = [0, 1408], sizes = [256, 64], strides = [1, 1]} : vector<256x2048xf32> to vector<256x64xf32>
    %slice3A_63 = vector.extract_strided_slice %dot_general3A_38 {offsets = [0, 1600], sizes = [256, 64], strides = [1, 1]} : vector<256x2048xf32> to vector<256x64xf32>
    %slice3A_64 = vector.extract_strided_slice %dot_general3A_38 {offsets = [0, 1536], sizes = [256, 64], strides = [1, 1]} : vector<256x2048xf32> to vector<256x64xf32>
    %slice3A_65 = vector.extract_strided_slice %dot_general3A_38 {offsets = [0, 1728], sizes = [256, 64], strides = [1, 1]} : vector<256x2048xf32> to vector<256x64xf32>
    %slice3A_66 = vector.extract_strided_slice %dot_general3A_38 {offsets = [0, 1664], sizes = [256, 64], strides = [1, 1]} : vector<256x2048xf32> to vector<256x64xf32>
    %slice3A_67 = vector.extract_strided_slice %dot_general3A_38 {offsets = [0, 1856], sizes = [256, 64], strides = [1, 1]} : vector<256x2048xf32> to vector<256x64xf32>
    %slice3A_68 = vector.extract_strided_slice %dot_general3A_38 {offsets = [0, 1792], sizes = [256, 64], strides = [1, 1]} : vector<256x2048xf32> to vector<256x64xf32>
    %slice3A_69 = vector.extract_strided_slice %dot_general3A_38 {offsets = [0, 1984], sizes = [256, 64], strides = [1, 1]} : vector<256x2048xf32> to vector<256x64xf32>
    %slice3A_70 = vector.extract_strided_slice %dot_general3A_38 {offsets = [0, 1920], sizes = [256, 64], strides = [1, 1]} : vector<256x2048xf32> to vector<256x64xf32>
    %concatenate3A = tpu.concatenate %slice3A_39, %slice3A_40, %slice3A_41, %slice3A_42, %slice3A_43, %slice3A_44, %slice3A_45, %slice3A_46, %slice3A_47, %slice3A_48, %slice3A_49, %slice3A_50, %slice3A_51, %slice3A_52, %slice3A_53, %slice3A_54, %slice3A_55, %slice3A_56, %slice3A_57, %slice3A_58, %slice3A_59, %slice3A_60, %slice3A_61, %slice3A_62, %slice3A_63, %slice3A_64, %slice3A_65, %slice3A_66, %slice3A_67, %slice3A_68, %slice3A_69, %slice3A_70 in 1 : vector<256x64xf32>, vector<256x64xf32>, vector<256x64xf32>, vector<256x64xf32>, vector<256x64xf32>, vector<256x64xf32>, vector<256x64xf32>, vector<256x64xf32>, vector<256x64xf32>, vector<256x64xf32>, vector<256x64xf32>, vector<256x64xf32>, vector<256x64xf32>, vector<256x64xf32>, vector<256x64xf32>, vector<256x64xf32>, vector<256x64xf32>, vector<256x64xf32>, vector<256x64xf32>, vector<256x64xf32>, vector<256x64xf32>, vector<256x64xf32>, vector<256x64xf32>, vector<256x64xf32>, vector<256x64xf32>, vector<256x64xf32>, vector<256x64xf32>, vector<256x64xf32>, vector<256x64xf32>, vector<256x64xf32>, vector<256x64xf32>, vector<256x64xf32> -> vector<256x2048xf32>
    %get3A_71 = arith.constant 0 : index
    %get3A_72 = arith.constant 0 : index
    %get3A_73 = vector.load %arg5[%get3A_71, %get3A_72] : memref<256x2048xf32, #tpu.memory_space<vmem>>, vector<256x2048xf32>
    %mul3A_74 = arith.mulf %dot_general3A_38, %get3A_73 : vector<256x2048xf32>
    %get3A_75 = arith.constant 0 : index
    %get3A_76 = arith.constant 0 : index
    %get3A_77 = vector.load %arg6[%get3A_75, %get3A_76] : memref<256x2048xf32, #tpu.memory_space<vmem>>, vector<256x2048xf32>
    %mul3A_78 = arith.mulf %concatenate3A, %get3A_77 : vector<256x2048xf32>
    %add3A_79 = arith.addf %mul3A_74, %mul3A_78 : vector<256x2048xf32>
    %swap3A_80 = arith.constant 0 : index
    %swap3A_81 = arith.constant 0 : index
    %swap3A_82 = vector.load %arg9[%swap3A_80, %swap3A_81] : memref<256x2048xf32, #tpu.memory_space<vmem>>, vector<256x2048xf32>
    tpu.vector_store %arg9[%swap3A_80, %swap3A_81], %add3A_79 {strides = array<i32>} : memref<256x2048xf32, #tpu.memory_space<vmem>>, vector<256x2048xf32>,
    %slice3A_83 = vector.extract_strided_slice %slice3A_19 {offsets = [0, 64], sizes = [256, 64], strides = [1, 1]} : vector<256x128xf32> to vector<256x64xf32>
    %slice3A_84 = vector.extract_strided_slice %slice3A_19 {offsets = [0, 0], sizes = [256, 64], strides = [1, 1]} : vector<256x128xf32> to vector<256x64xf32>
    %concatenate3A_85 = tpu.concatenate %slice3A_83, %slice3A_84 in 1 : vector<256x64xf32>, vector<256x64xf32> -> vector<256x128xf32>
    %get3A_86 = arith.constant 0 : index
    %get3A_87 = arith.constant 0 : index
    %get3A_88 = vector.load %arg7[%get3A_86, %get3A_87] : memref<256x128xf32, #tpu.memory_space<vmem>>, vector<256x128xf32>
    %mul3A_89 = arith.mulf %slice3A_19, %get3A_88 : vector<256x128xf32>
    %get3A_90 = arith.constant 0 : index
    %get3A_91 = arith.constant 0 : index
    %get3A_92 = vector.load %arg8[%get3A_90, %get3A_91] : memref<256x128xf32, #tpu.memory_space<vmem>>, vector<256x128xf32>
    %mul3A_93 = arith.mulf %concatenate3A_85, %get3A_92 : vector<256x128xf32>
    %add3A_94 = arith.addf %mul3A_89, %mul3A_93 : vector<256x128xf32>
    %swap3A_95 = arith.constant 0 : index
    %swap3A_96 = arith.constant 0 : index
    %swap3A_97 = vector.load %arg10[%swap3A_95, %swap3A_96] : memref<256x128xf32, #tpu.memory_space<vmem>>, vector<256x128xf32>
    tpu.vector_store %arg10[%swap3A_95, %swap3A_96], %add3A_94 {strides = array<i32>} : memref<256x128xf32, #tpu.memory_space<vmem>>, vector<256x128xf32>,
    %swap3A_98 = arith.constant 0 : index
    %swap3A_99 = arith.constant 0 : index
    %swap3A_100 = vector.load %arg11[%swap3A_98, %swap3A_99] : memref<256x128xf32, #tpu.memory_space<vmem>>, vector<256x128xf32>
    tpu.vector_store %arg11[%swap3A_98, %swap3A_99], %slice3A_20 {strides = array<i32>} : memref<256x128xf32, #tpu.memory_space<vmem>>, vector<256x128xf32>,
    return
  }
  func.func @transform_0(%arg0: i32) -> (i32, i32) {
    %c0_i32 = arith.constant 0 : i32
    %c0_i32_0 = arith.constant 0 : i32
    return %arg0, %c0_i32 : i32, i32
  }
  func.func @transform_1(%arg0: i32) -> (i32, i32) {
    %c0_i32 = arith.constant 0 : i32
    %c0_i32_0 = arith.constant 0 : i32
    return %arg0, %c0_i32 : i32, i32
  }
  func.func @transform_2(%arg0: i32) -> (i32, i32) {
    %c0_i32 = arith.constant 0 : i32
    %c0_i32_0 = arith.constant 0 : i32
    %c0_i32_1 = arith.constant 0 : i32
    return %c0_i32, %c0_i32_0 : i32, i32
  }
  func.func @transform_3(%arg0: i32) -> (i32, i32) {
    %c0_i32 = arith.constant 0 : i32
    %c0_i32_0 = arith.constant 0 : i32
    %c0_i32_1 = arith.constant 0 : i32
    return %c0_i32, %c0_i32_0 : i32, i32
  }
  func.func @transform_4(%arg0: i32) -> (i32, i32) {
    %c0_i32 = arith.constant 0 : i32
    %c0_i32_0 = arith.constant 0 : i32
    return %arg0, %c0_i32 : i32, i32
  }
  func.func @transform_5(%arg0: i32) -> (i32, i32) {
    %c0_i32 = arith.constant 0 : i32
    %c0_i32_0 = arith.constant 0 : i32
    return %arg0, %c0_i32 : i32, i32
  }
  func.func @transform_6(%arg0: i32) -> (i32, i32) {
    %c0_i32 = arith.constant 0 : i32
    %c0_i32_0 = arith.constant 0 : i32
    return %arg0, %c0_i32 : i32, i32
  }
  func.func @transform_7(%arg0: i32) -> (i32, i32) {
    %c0_i32 = arith.constant 0 : i32
    %c0_i32_0 = arith.constant 0 : i32
    return %arg0, %c0_i32 : i32, i32
  }
  func.func @transform_8(%arg0: i32) -> (i32, i32) {
    %c0_i32 = arith.constant 0 : i32
    %c0_i32_0 = arith.constant 0 : i32
    return %arg0, %c0_i32 : i32, i32
  }
  func.func @transform_9(%arg0: i32) -> (i32, i32) {
    %c0_i32 = arith.constant 0 : i32
    %c0_i32_0 = arith.constant 0 : i32
    return %arg0, %c0_i32 : i32, i32
  }
  func.func @transform_10(%arg0: i32) -> (i32, i32) {
    %c0_i32 = arith.constant 0 : i32
    %c0_i32_0 = arith.constant 0 : i32
    return %arg0, %c0_i32 : i32, i32
  }
  func.func @transform_11(%arg0: i32) -> (i32, i32) {
    %c0_i32 = arith.constant 0 : i32
    %c0_i32_0 = arith.constant 0 : i32
    return %arg0, %c0_i32 : i32, i32
  }
}

module attributes {stable_mosaic.version = 14 : i64} {
  func.func @_attn_body(%arg0: i32, %arg1: memref<256x2048xf32, #tpu.memory_space<vmem>>, %arg2: memref<2048x128xf32, #tpu.memory_space<vmem>>, %arg3: memref<2048x128xf32, #tpu.memory_space<vmem>>, %arg4: memref<256x2048xf32, #tpu.memory_space<vmem>>) attributes {dimension_semantics = [#tpu.dimension_semantics<arbitrary>], iteration_bounds = array<i64: 8>, scalar_prefetch = 0 : i64, scratch_operands = 0 : i64, tpu.core_type = #tpu.core_type<tc>, window_params = [{transform_indices = @transform_0, window_bounds = array<i64: 256, 2048>}, {pipeline_mode = #tpu.pipeline_mode<synchronous>, transform_indices = @transform_1, window_bounds = array<i64: 2048, 128>}, {pipeline_mode = #tpu.pipeline_mode<synchronous>, transform_indices = @transform_2, window_bounds = array<i64: 2048, 128>}, {transform_indices = @transform_3, window_bounds = array<i64: 256, 2048>}]} {
    %mul3A = arith.constant 256 : i32
    %mul3A_0 = arith.muli %arg0, %mul3A : i32
    %iota3A = tpu.iota {dimensions = array<i32: 0>} : vector<256x2048xi32>
    %add3A = vector.broadcast %mul3A_0 : i32 to vector<256x2048xi32>
    %add3A_1 = arith.addi %add3A, %iota3A : vector<256x2048xi32>
    %iota3A_2 = tpu.iota {dimensions = array<i32: 1>} : vector<256x2048xi32>
    %get3A = arith.constant 0 : index
    %get3A_3 = arith.constant 0 : index
    %get3A_4 = vector.load %arg2[%get3A, %get3A_3] : memref<2048x128xf32, #tpu.memory_space<vmem>>, vector<2048x128xf32>
    %get3A_5 = arith.constant 0 : index
    %get3A_6 = arith.constant 0 : index
    %get3A_7 = vector.load %arg3[%get3A_5, %get3A_6] : memref<2048x128xf32, #tpu.memory_space<vmem>>, vector<2048x128xf32>
    %get3A_8 = arith.constant 0 : index
    %get3A_9 = arith.constant 0 : index
    %get3A_10 = vector.load %arg1[%get3A_8, %get3A_9] : memref<256x2048xf32, #tpu.memory_space<vmem>>, vector<256x128xf32>
    %dot_general3A = arith.constant dense<0.000000e+00> : vector<256x2048xf32>
    %dot_general3A_11 = tpu.matmul %get3A_10, %get3A_4, %dot_general3A {dimension_numbers = #tpu.dot_dimension_numbers<[1], [1], [0], [0], [0, 0, 1, 0], [], []>, transpose_lhs_hint = false} : vector<256x128xf32>, vector<2048x128xf32>, vector<256x2048xf32> -> vector<256x2048xf32>
    %mul3A_12 = arith.constant 0.0883883461 : f32
    %mul3A_13 = vector.broadcast %mul3A_12 : f32 to vector<256x2048xf32>
    %mul3A_14 = arith.mulf %dot_general3A_11, %mul3A_13 : vector<256x2048xf32>
    %le3A = arith.cmpi sle, %iota3A_2, %add3A_1 : vector<256x2048xi32>
    %jit3A = arith.constant -1.000000e+30 : f32
    %broadcast_in_dim3A = vector.broadcast %jit3A : f32 to vector<256x2048xf32>
    %select_n3A = arith.select %le3A, %mul3A_14, %broadcast_in_dim3A : vector<256x2048xi1>, vector<256x2048xf32>
    %reduce_max3A = arith.constant dense<0xFF800000> : vector<256xf32>
    %reduce_max3A_15 = vector.multi_reduction <maximumf>, %select_n3A, %reduce_max3A [1] : vector<256x2048xf32> to vector<256xf32>
    %broadcast_in_dim3A_16 = vector.shape_cast %reduce_max3A_15 : vector<256xf32> to vector<256x1xf32>
    %sub3A = vector.broadcast %broadcast_in_dim3A_16 : vector<256x1xf32> to vector<256x2048xf32>
    %sub3A_17 = arith.subf %select_n3A, %sub3A : vector<256x2048xf32>
    %exp3A = math.exp %sub3A_17 : vector<256x2048xf32>
    %reduce_sum3A = arith.constant dense<0.000000e+00> : vector<256xf32>
    %reduce_sum3A_18 = vector.multi_reduction <add>, %exp3A, %reduce_sum3A [1] : vector<256x2048xf32> to vector<256xf32>
    %broadcast_in_dim3A_19 = vector.shape_cast %reduce_sum3A_18 : vector<256xf32> to vector<256x1xf32>
    %div3A = vector.broadcast %broadcast_in_dim3A_19 : vector<256x1xf32> to vector<256x2048xf32>
    %div3A_20 = arith.divf %exp3A, %div3A : vector<256x2048xf32>
    %dot_general3A_21 = arith.constant dense<0.000000e+00> : vector<256x128xf32>
    %dot_general3A_22 = tpu.matmul %div3A_20, %get3A_7, %dot_general3A_21 {dimension_numbers = #tpu.dot_dimension_numbers<[1], [0], [0], [1], [0, 0, 1, 1], [], []>, transpose_lhs_hint = false} : vector<256x2048xf32>, vector<2048x128xf32>, vector<256x128xf32> -> vector<256x128xf32>
    %get3A_23 = arith.constant 0 : index
    %get3A_24 = arith.constant 128 : index
    %get3A_25 = vector.load %arg1[%get3A_23, %get3A_24] : memref<256x2048xf32, #tpu.memory_space<vmem>>, vector<256x128xf32>
    %dot_general3A_26 = arith.constant dense<0.000000e+00> : vector<256x2048xf32>
    %dot_general3A_27 = tpu.matmul %get3A_25, %get3A_4, %dot_general3A_26 {dimension_numbers = #tpu.dot_dimension_numbers<[1], [1], [0], [0], [0, 0, 1, 0], [], []>, transpose_lhs_hint = false} : vector<256x128xf32>, vector<2048x128xf32>, vector<256x2048xf32> -> vector<256x2048xf32>
    %mul3A_28 = arith.constant 0.0883883461 : f32
    %mul3A_29 = vector.broadcast %mul3A_28 : f32 to vector<256x2048xf32>
    %mul3A_30 = arith.mulf %dot_general3A_27, %mul3A_29 : vector<256x2048xf32>
    %le3A_31 = arith.cmpi sle, %iota3A_2, %add3A_1 : vector<256x2048xi32>
    %jit3A_32 = arith.constant -1.000000e+30 : f32
    %broadcast_in_dim3A_33 = vector.broadcast %jit3A_32 : f32 to vector<256x2048xf32>
    %select_n3A_34 = arith.select %le3A_31, %mul3A_30, %broadcast_in_dim3A_33 : vector<256x2048xi1>, vector<256x2048xf32>
    %reduce_max3A_35 = arith.constant dense<0xFF800000> : vector<256xf32>
    %reduce_max3A_36 = vector.multi_reduction <maximumf>, %select_n3A_34, %reduce_max3A_35 [1] : vector<256x2048xf32> to vector<256xf32>
    %broadcast_in_dim3A_37 = vector.shape_cast %reduce_max3A_36 : vector<256xf32> to vector<256x1xf32>
    %sub3A_38 = vector.broadcast %broadcast_in_dim3A_37 : vector<256x1xf32> to vector<256x2048xf32>
    %sub3A_39 = arith.subf %select_n3A_34, %sub3A_38 : vector<256x2048xf32>
    %exp3A_40 = math.exp %sub3A_39 : vector<256x2048xf32>
    %reduce_sum3A_41 = arith.constant dense<0.000000e+00> : vector<256xf32>
    %reduce_sum3A_42 = vector.multi_reduction <add>, %exp3A_40, %reduce_sum3A_41 [1] : vector<256x2048xf32> to vector<256xf32>
    %broadcast_in_dim3A_43 = vector.shape_cast %reduce_sum3A_42 : vector<256xf32> to vector<256x1xf32>
    %div3A_44 = vector.broadcast %broadcast_in_dim3A_43 : vector<256x1xf32> to vector<256x2048xf32>
    %div3A_45 = arith.divf %exp3A_40, %div3A_44 : vector<256x2048xf32>
    %dot_general3A_46 = arith.constant dense<0.000000e+00> : vector<256x128xf32>
    %dot_general3A_47 = tpu.matmul %div3A_45, %get3A_7, %dot_general3A_46 {dimension_numbers = #tpu.dot_dimension_numbers<[1], [0], [0], [1], [0, 0, 1, 1], [], []>, transpose_lhs_hint = false} : vector<256x2048xf32>, vector<2048x128xf32>, vector<256x128xf32> -> vector<256x128xf32>
    %get3A_48 = arith.constant 0 : index
    %get3A_49 = arith.constant 256 : index
    %get3A_50 = vector.load %arg1[%get3A_48, %get3A_49] : memref<256x2048xf32, #tpu.memory_space<vmem>>, vector<256x128xf32>
    %dot_general3A_51 = arith.constant dense<0.000000e+00> : vector<256x2048xf32>
    %dot_general3A_52 = tpu.matmul %get3A_50, %get3A_4, %dot_general3A_51 {dimension_numbers = #tpu.dot_dimension_numbers<[1], [1], [0], [0], [0, 0, 1, 0], [], []>, transpose_lhs_hint = false} : vector<256x128xf32>, vector<2048x128xf32>, vector<256x2048xf32> -> vector<256x2048xf32>
    %mul3A_53 = arith.constant 0.0883883461 : f32
    %mul3A_54 = vector.broadcast %mul3A_53 : f32 to vector<256x2048xf32>
    %mul3A_55 = arith.mulf %dot_general3A_52, %mul3A_54 : vector<256x2048xf32>
    %le3A_56 = arith.cmpi sle, %iota3A_2, %add3A_1 : vector<256x2048xi32>
    %jit3A_57 = arith.constant -1.000000e+30 : f32
    %broadcast_in_dim3A_58 = vector.broadcast %jit3A_57 : f32 to vector<256x2048xf32>
    %select_n3A_59 = arith.select %le3A_56, %mul3A_55, %broadcast_in_dim3A_58 : vector<256x2048xi1>, vector<256x2048xf32>
    %reduce_max3A_60 = arith.constant dense<0xFF800000> : vector<256xf32>
    %reduce_max3A_61 = vector.multi_reduction <maximumf>, %select_n3A_59, %reduce_max3A_60 [1] : vector<256x2048xf32> to vector<256xf32>
    %broadcast_in_dim3A_62 = vector.shape_cast %reduce_max3A_61 : vector<256xf32> to vector<256x1xf32>
    %sub3A_63 = vector.broadcast %broadcast_in_dim3A_62 : vector<256x1xf32> to vector<256x2048xf32>
    %sub3A_64 = arith.subf %select_n3A_59, %sub3A_63 : vector<256x2048xf32>
    %exp3A_65 = math.exp %sub3A_64 : vector<256x2048xf32>
    %reduce_sum3A_66 = arith.constant dense<0.000000e+00> : vector<256xf32>
    %reduce_sum3A_67 = vector.multi_reduction <add>, %exp3A_65, %reduce_sum3A_66 [1] : vector<256x2048xf32> to vector<256xf32>
    %broadcast_in_dim3A_68 = vector.shape_cast %reduce_sum3A_67 : vector<256xf32> to vector<256x1xf32>
    %div3A_69 = vector.broadcast %broadcast_in_dim3A_68 : vector<256x1xf32> to vector<256x2048xf32>
    %div3A_70 = arith.divf %exp3A_65, %div3A_69 : vector<256x2048xf32>
    %dot_general3A_71 = arith.constant dense<0.000000e+00> : vector<256x128xf32>
    %dot_general3A_72 = tpu.matmul %div3A_70, %get3A_7, %dot_general3A_71 {dimension_numbers = #tpu.dot_dimension_numbers<[1], [0], [0], [1], [0, 0, 1, 1], [], []>, transpose_lhs_hint = false} : vector<256x2048xf32>, vector<2048x128xf32>, vector<256x128xf32> -> vector<256x128xf32>
    %get3A_73 = arith.constant 0 : index
    %get3A_74 = arith.constant 384 : index
    %get3A_75 = vector.load %arg1[%get3A_73, %get3A_74] : memref<256x2048xf32, #tpu.memory_space<vmem>>, vector<256x128xf32>
    %dot_general3A_76 = arith.constant dense<0.000000e+00> : vector<256x2048xf32>
    %dot_general3A_77 = tpu.matmul %get3A_75, %get3A_4, %dot_general3A_76 {dimension_numbers = #tpu.dot_dimension_numbers<[1], [1], [0], [0], [0, 0, 1, 0], [], []>, transpose_lhs_hint = false} : vector<256x128xf32>, vector<2048x128xf32>, vector<256x2048xf32> -> vector<256x2048xf32>
    %mul3A_78 = arith.constant 0.0883883461 : f32
    %mul3A_79 = vector.broadcast %mul3A_78 : f32 to vector<256x2048xf32>
    %mul3A_80 = arith.mulf %dot_general3A_77, %mul3A_79 : vector<256x2048xf32>
    %le3A_81 = arith.cmpi sle, %iota3A_2, %add3A_1 : vector<256x2048xi32>
    %jit3A_82 = arith.constant -1.000000e+30 : f32
    %broadcast_in_dim3A_83 = vector.broadcast %jit3A_82 : f32 to vector<256x2048xf32>
    %select_n3A_84 = arith.select %le3A_81, %mul3A_80, %broadcast_in_dim3A_83 : vector<256x2048xi1>, vector<256x2048xf32>
    %reduce_max3A_85 = arith.constant dense<0xFF800000> : vector<256xf32>
    %reduce_max3A_86 = vector.multi_reduction <maximumf>, %select_n3A_84, %reduce_max3A_85 [1] : vector<256x2048xf32> to vector<256xf32>
    %broadcast_in_dim3A_87 = vector.shape_cast %reduce_max3A_86 : vector<256xf32> to vector<256x1xf32>
    %sub3A_88 = vector.broadcast %broadcast_in_dim3A_87 : vector<256x1xf32> to vector<256x2048xf32>
    %sub3A_89 = arith.subf %select_n3A_84, %sub3A_88 : vector<256x2048xf32>
    %exp3A_90 = math.exp %sub3A_89 : vector<256x2048xf32>
    %reduce_sum3A_91 = arith.constant dense<0.000000e+00> : vector<256xf32>
    %reduce_sum3A_92 = vector.multi_reduction <add>, %exp3A_90, %reduce_sum3A_91 [1] : vector<256x2048xf32> to vector<256xf32>
    %broadcast_in_dim3A_93 = vector.shape_cast %reduce_sum3A_92 : vector<256xf32> to vector<256x1xf32>
    %div3A_94 = vector.broadcast %broadcast_in_dim3A_93 : vector<256x1xf32> to vector<256x2048xf32>
    %div3A_95 = arith.divf %exp3A_90, %div3A_94 : vector<256x2048xf32>
    %dot_general3A_96 = arith.constant dense<0.000000e+00> : vector<256x128xf32>
    %dot_general3A_97 = tpu.matmul %div3A_95, %get3A_7, %dot_general3A_96 {dimension_numbers = #tpu.dot_dimension_numbers<[1], [0], [0], [1], [0, 0, 1, 1], [], []>, transpose_lhs_hint = false} : vector<256x2048xf32>, vector<2048x128xf32>, vector<256x128xf32> -> vector<256x128xf32>
    %get3A_98 = arith.constant 0 : index
    %get3A_99 = arith.constant 512 : index
    %get3A_100 = vector.load %arg1[%get3A_98, %get3A_99] : memref<256x2048xf32, #tpu.memory_space<vmem>>, vector<256x128xf32>
    %dot_general3A_101 = arith.constant dense<0.000000e+00> : vector<256x2048xf32>
    %dot_general3A_102 = tpu.matmul %get3A_100, %get3A_4, %dot_general3A_101 {dimension_numbers = #tpu.dot_dimension_numbers<[1], [1], [0], [0], [0, 0, 1, 0], [], []>, transpose_lhs_hint = false} : vector<256x128xf32>, vector<2048x128xf32>, vector<256x2048xf32> -> vector<256x2048xf32>
    %mul3A_103 = arith.constant 0.0883883461 : f32
    %mul3A_104 = vector.broadcast %mul3A_103 : f32 to vector<256x2048xf32>
    %mul3A_105 = arith.mulf %dot_general3A_102, %mul3A_104 : vector<256x2048xf32>
    %le3A_106 = arith.cmpi sle, %iota3A_2, %add3A_1 : vector<256x2048xi32>
    %jit3A_107 = arith.constant -1.000000e+30 : f32
    %broadcast_in_dim3A_108 = vector.broadcast %jit3A_107 : f32 to vector<256x2048xf32>
    %select_n3A_109 = arith.select %le3A_106, %mul3A_105, %broadcast_in_dim3A_108 : vector<256x2048xi1>, vector<256x2048xf32>
    %reduce_max3A_110 = arith.constant dense<0xFF800000> : vector<256xf32>
    %reduce_max3A_111 = vector.multi_reduction <maximumf>, %select_n3A_109, %reduce_max3A_110 [1] : vector<256x2048xf32> to vector<256xf32>
    %broadcast_in_dim3A_112 = vector.shape_cast %reduce_max3A_111 : vector<256xf32> to vector<256x1xf32>
    %sub3A_113 = vector.broadcast %broadcast_in_dim3A_112 : vector<256x1xf32> to vector<256x2048xf32>
    %sub3A_114 = arith.subf %select_n3A_109, %sub3A_113 : vector<256x2048xf32>
    %exp3A_115 = math.exp %sub3A_114 : vector<256x2048xf32>
    %reduce_sum3A_116 = arith.constant dense<0.000000e+00> : vector<256xf32>
    %reduce_sum3A_117 = vector.multi_reduction <add>, %exp3A_115, %reduce_sum3A_116 [1] : vector<256x2048xf32> to vector<256xf32>
    %broadcast_in_dim3A_118 = vector.shape_cast %reduce_sum3A_117 : vector<256xf32> to vector<256x1xf32>
    %div3A_119 = vector.broadcast %broadcast_in_dim3A_118 : vector<256x1xf32> to vector<256x2048xf32>
    %div3A_120 = arith.divf %exp3A_115, %div3A_119 : vector<256x2048xf32>
    %dot_general3A_121 = arith.constant dense<0.000000e+00> : vector<256x128xf32>
    %dot_general3A_122 = tpu.matmul %div3A_120, %get3A_7, %dot_general3A_121 {dimension_numbers = #tpu.dot_dimension_numbers<[1], [0], [0], [1], [0, 0, 1, 1], [], []>, transpose_lhs_hint = false} : vector<256x2048xf32>, vector<2048x128xf32>, vector<256x128xf32> -> vector<256x128xf32>
    %get3A_123 = arith.constant 0 : index
    %get3A_124 = arith.constant 640 : index
    %get3A_125 = vector.load %arg1[%get3A_123, %get3A_124] : memref<256x2048xf32, #tpu.memory_space<vmem>>, vector<256x128xf32>
    %dot_general3A_126 = arith.constant dense<0.000000e+00> : vector<256x2048xf32>
    %dot_general3A_127 = tpu.matmul %get3A_125, %get3A_4, %dot_general3A_126 {dimension_numbers = #tpu.dot_dimension_numbers<[1], [1], [0], [0], [0, 0, 1, 0], [], []>, transpose_lhs_hint = false} : vector<256x128xf32>, vector<2048x128xf32>, vector<256x2048xf32> -> vector<256x2048xf32>
    %mul3A_128 = arith.constant 0.0883883461 : f32
    %mul3A_129 = vector.broadcast %mul3A_128 : f32 to vector<256x2048xf32>
    %mul3A_130 = arith.mulf %dot_general3A_127, %mul3A_129 : vector<256x2048xf32>
    %le3A_131 = arith.cmpi sle, %iota3A_2, %add3A_1 : vector<256x2048xi32>
    %jit3A_132 = arith.constant -1.000000e+30 : f32
    %broadcast_in_dim3A_133 = vector.broadcast %jit3A_132 : f32 to vector<256x2048xf32>
    %select_n3A_134 = arith.select %le3A_131, %mul3A_130, %broadcast_in_dim3A_133 : vector<256x2048xi1>, vector<256x2048xf32>
    %reduce_max3A_135 = arith.constant dense<0xFF800000> : vector<256xf32>
    %reduce_max3A_136 = vector.multi_reduction <maximumf>, %select_n3A_134, %reduce_max3A_135 [1] : vector<256x2048xf32> to vector<256xf32>
    %broadcast_in_dim3A_137 = vector.shape_cast %reduce_max3A_136 : vector<256xf32> to vector<256x1xf32>
    %sub3A_138 = vector.broadcast %broadcast_in_dim3A_137 : vector<256x1xf32> to vector<256x2048xf32>
    %sub3A_139 = arith.subf %select_n3A_134, %sub3A_138 : vector<256x2048xf32>
    %exp3A_140 = math.exp %sub3A_139 : vector<256x2048xf32>
    %reduce_sum3A_141 = arith.constant dense<0.000000e+00> : vector<256xf32>
    %reduce_sum3A_142 = vector.multi_reduction <add>, %exp3A_140, %reduce_sum3A_141 [1] : vector<256x2048xf32> to vector<256xf32>
    %broadcast_in_dim3A_143 = vector.shape_cast %reduce_sum3A_142 : vector<256xf32> to vector<256x1xf32>
    %div3A_144 = vector.broadcast %broadcast_in_dim3A_143 : vector<256x1xf32> to vector<256x2048xf32>
    %div3A_145 = arith.divf %exp3A_140, %div3A_144 : vector<256x2048xf32>
    %dot_general3A_146 = arith.constant dense<0.000000e+00> : vector<256x128xf32>
    %dot_general3A_147 = tpu.matmul %div3A_145, %get3A_7, %dot_general3A_146 {dimension_numbers = #tpu.dot_dimension_numbers<[1], [0], [0], [1], [0, 0, 1, 1], [], []>, transpose_lhs_hint = false} : vector<256x2048xf32>, vector<2048x128xf32>, vector<256x128xf32> -> vector<256x128xf32>
    %get3A_148 = arith.constant 0 : index
    %get3A_149 = arith.constant 768 : index
    %get3A_150 = vector.load %arg1[%get3A_148, %get3A_149] : memref<256x2048xf32, #tpu.memory_space<vmem>>, vector<256x128xf32>
    %dot_general3A_151 = arith.constant dense<0.000000e+00> : vector<256x2048xf32>
    %dot_general3A_152 = tpu.matmul %get3A_150, %get3A_4, %dot_general3A_151 {dimension_numbers = #tpu.dot_dimension_numbers<[1], [1], [0], [0], [0, 0, 1, 0], [], []>, transpose_lhs_hint = false} : vector<256x128xf32>, vector<2048x128xf32>, vector<256x2048xf32> -> vector<256x2048xf32>
    %mul3A_153 = arith.constant 0.0883883461 : f32
    %mul3A_154 = vector.broadcast %mul3A_153 : f32 to vector<256x2048xf32>
    %mul3A_155 = arith.mulf %dot_general3A_152, %mul3A_154 : vector<256x2048xf32>
    %le3A_156 = arith.cmpi sle, %iota3A_2, %add3A_1 : vector<256x2048xi32>
    %jit3A_157 = arith.constant -1.000000e+30 : f32
    %broadcast_in_dim3A_158 = vector.broadcast %jit3A_157 : f32 to vector<256x2048xf32>
    %select_n3A_159 = arith.select %le3A_156, %mul3A_155, %broadcast_in_dim3A_158 : vector<256x2048xi1>, vector<256x2048xf32>
    %reduce_max3A_160 = arith.constant dense<0xFF800000> : vector<256xf32>
    %reduce_max3A_161 = vector.multi_reduction <maximumf>, %select_n3A_159, %reduce_max3A_160 [1] : vector<256x2048xf32> to vector<256xf32>
    %broadcast_in_dim3A_162 = vector.shape_cast %reduce_max3A_161 : vector<256xf32> to vector<256x1xf32>
    %sub3A_163 = vector.broadcast %broadcast_in_dim3A_162 : vector<256x1xf32> to vector<256x2048xf32>
    %sub3A_164 = arith.subf %select_n3A_159, %sub3A_163 : vector<256x2048xf32>
    %exp3A_165 = math.exp %sub3A_164 : vector<256x2048xf32>
    %reduce_sum3A_166 = arith.constant dense<0.000000e+00> : vector<256xf32>
    %reduce_sum3A_167 = vector.multi_reduction <add>, %exp3A_165, %reduce_sum3A_166 [1] : vector<256x2048xf32> to vector<256xf32>
    %broadcast_in_dim3A_168 = vector.shape_cast %reduce_sum3A_167 : vector<256xf32> to vector<256x1xf32>
    %div3A_169 = vector.broadcast %broadcast_in_dim3A_168 : vector<256x1xf32> to vector<256x2048xf32>
    %div3A_170 = arith.divf %exp3A_165, %div3A_169 : vector<256x2048xf32>
    %dot_general3A_171 = arith.constant dense<0.000000e+00> : vector<256x128xf32>
    %dot_general3A_172 = tpu.matmul %div3A_170, %get3A_7, %dot_general3A_171 {dimension_numbers = #tpu.dot_dimension_numbers<[1], [0], [0], [1], [0, 0, 1, 1], [], []>, transpose_lhs_hint = false} : vector<256x2048xf32>, vector<2048x128xf32>, vector<256x128xf32> -> vector<256x128xf32>
    %get3A_173 = arith.constant 0 : index
    %get3A_174 = arith.constant 896 : index
    %get3A_175 = vector.load %arg1[%get3A_173, %get3A_174] : memref<256x2048xf32, #tpu.memory_space<vmem>>, vector<256x128xf32>
    %dot_general3A_176 = arith.constant dense<0.000000e+00> : vector<256x2048xf32>
    %dot_general3A_177 = tpu.matmul %get3A_175, %get3A_4, %dot_general3A_176 {dimension_numbers = #tpu.dot_dimension_numbers<[1], [1], [0], [0], [0, 0, 1, 0], [], []>, transpose_lhs_hint = false} : vector<256x128xf32>, vector<2048x128xf32>, vector<256x2048xf32> -> vector<256x2048xf32>
    %mul3A_178 = arith.constant 0.0883883461 : f32
    %mul3A_179 = vector.broadcast %mul3A_178 : f32 to vector<256x2048xf32>
    %mul3A_180 = arith.mulf %dot_general3A_177, %mul3A_179 : vector<256x2048xf32>
    %le3A_181 = arith.cmpi sle, %iota3A_2, %add3A_1 : vector<256x2048xi32>
    %jit3A_182 = arith.constant -1.000000e+30 : f32
    %broadcast_in_dim3A_183 = vector.broadcast %jit3A_182 : f32 to vector<256x2048xf32>
    %select_n3A_184 = arith.select %le3A_181, %mul3A_180, %broadcast_in_dim3A_183 : vector<256x2048xi1>, vector<256x2048xf32>
    %reduce_max3A_185 = arith.constant dense<0xFF800000> : vector<256xf32>
    %reduce_max3A_186 = vector.multi_reduction <maximumf>, %select_n3A_184, %reduce_max3A_185 [1] : vector<256x2048xf32> to vector<256xf32>
    %broadcast_in_dim3A_187 = vector.shape_cast %reduce_max3A_186 : vector<256xf32> to vector<256x1xf32>
    %sub3A_188 = vector.broadcast %broadcast_in_dim3A_187 : vector<256x1xf32> to vector<256x2048xf32>
    %sub3A_189 = arith.subf %select_n3A_184, %sub3A_188 : vector<256x2048xf32>
    %exp3A_190 = math.exp %sub3A_189 : vector<256x2048xf32>
    %reduce_sum3A_191 = arith.constant dense<0.000000e+00> : vector<256xf32>
    %reduce_sum3A_192 = vector.multi_reduction <add>, %exp3A_190, %reduce_sum3A_191 [1] : vector<256x2048xf32> to vector<256xf32>
    %broadcast_in_dim3A_193 = vector.shape_cast %reduce_sum3A_192 : vector<256xf32> to vector<256x1xf32>
    %div3A_194 = vector.broadcast %broadcast_in_dim3A_193 : vector<256x1xf32> to vector<256x2048xf32>
    %div3A_195 = arith.divf %exp3A_190, %div3A_194 : vector<256x2048xf32>
    %dot_general3A_196 = arith.constant dense<0.000000e+00> : vector<256x128xf32>
    %dot_general3A_197 = tpu.matmul %div3A_195, %get3A_7, %dot_general3A_196 {dimension_numbers = #tpu.dot_dimension_numbers<[1], [0], [0], [1], [0, 0, 1, 1], [], []>, transpose_lhs_hint = false} : vector<256x2048xf32>, vector<2048x128xf32>, vector<256x128xf32> -> vector<256x128xf32>
    %get3A_198 = arith.constant 0 : index
    %get3A_199 = arith.constant 1024 : index
    %get3A_200 = vector.load %arg1[%get3A_198, %get3A_199] : memref<256x2048xf32, #tpu.memory_space<vmem>>, vector<256x128xf32>
    %dot_general3A_201 = arith.constant dense<0.000000e+00> : vector<256x2048xf32>
    %dot_general3A_202 = tpu.matmul %get3A_200, %get3A_4, %dot_general3A_201 {dimension_numbers = #tpu.dot_dimension_numbers<[1], [1], [0], [0], [0, 0, 1, 0], [], []>, transpose_lhs_hint = false} : vector<256x128xf32>, vector<2048x128xf32>, vector<256x2048xf32> -> vector<256x2048xf32>
    %mul3A_203 = arith.constant 0.0883883461 : f32
    %mul3A_204 = vector.broadcast %mul3A_203 : f32 to vector<256x2048xf32>
    %mul3A_205 = arith.mulf %dot_general3A_202, %mul3A_204 : vector<256x2048xf32>
    %le3A_206 = arith.cmpi sle, %iota3A_2, %add3A_1 : vector<256x2048xi32>
    %jit3A_207 = arith.constant -1.000000e+30 : f32
    %broadcast_in_dim3A_208 = vector.broadcast %jit3A_207 : f32 to vector<256x2048xf32>
    %select_n3A_209 = arith.select %le3A_206, %mul3A_205, %broadcast_in_dim3A_208 : vector<256x2048xi1>, vector<256x2048xf32>
    %reduce_max3A_210 = arith.constant dense<0xFF800000> : vector<256xf32>
    %reduce_max3A_211 = vector.multi_reduction <maximumf>, %select_n3A_209, %reduce_max3A_210 [1] : vector<256x2048xf32> to vector<256xf32>
    %broadcast_in_dim3A_212 = vector.shape_cast %reduce_max3A_211 : vector<256xf32> to vector<256x1xf32>
    %sub3A_213 = vector.broadcast %broadcast_in_dim3A_212 : vector<256x1xf32> to vector<256x2048xf32>
    %sub3A_214 = arith.subf %select_n3A_209, %sub3A_213 : vector<256x2048xf32>
    %exp3A_215 = math.exp %sub3A_214 : vector<256x2048xf32>
    %reduce_sum3A_216 = arith.constant dense<0.000000e+00> : vector<256xf32>
    %reduce_sum3A_217 = vector.multi_reduction <add>, %exp3A_215, %reduce_sum3A_216 [1] : vector<256x2048xf32> to vector<256xf32>
    %broadcast_in_dim3A_218 = vector.shape_cast %reduce_sum3A_217 : vector<256xf32> to vector<256x1xf32>
    %div3A_219 = vector.broadcast %broadcast_in_dim3A_218 : vector<256x1xf32> to vector<256x2048xf32>
    %div3A_220 = arith.divf %exp3A_215, %div3A_219 : vector<256x2048xf32>
    %dot_general3A_221 = arith.constant dense<0.000000e+00> : vector<256x128xf32>
    %dot_general3A_222 = tpu.matmul %div3A_220, %get3A_7, %dot_general3A_221 {dimension_numbers = #tpu.dot_dimension_numbers<[1], [0], [0], [1], [0, 0, 1, 1], [], []>, transpose_lhs_hint = false} : vector<256x2048xf32>, vector<2048x128xf32>, vector<256x128xf32> -> vector<256x128xf32>
    %get3A_223 = arith.constant 0 : index
    %get3A_224 = arith.constant 1152 : index
    %get3A_225 = vector.load %arg1[%get3A_223, %get3A_224] : memref<256x2048xf32, #tpu.memory_space<vmem>>, vector<256x128xf32>
    %dot_general3A_226 = arith.constant dense<0.000000e+00> : vector<256x2048xf32>
    %dot_general3A_227 = tpu.matmul %get3A_225, %get3A_4, %dot_general3A_226 {dimension_numbers = #tpu.dot_dimension_numbers<[1], [1], [0], [0], [0, 0, 1, 0], [], []>, transpose_lhs_hint = false} : vector<256x128xf32>, vector<2048x128xf32>, vector<256x2048xf32> -> vector<256x2048xf32>
    %mul3A_228 = arith.constant 0.0883883461 : f32
    %mul3A_229 = vector.broadcast %mul3A_228 : f32 to vector<256x2048xf32>
    %mul3A_230 = arith.mulf %dot_general3A_227, %mul3A_229 : vector<256x2048xf32>
    %le3A_231 = arith.cmpi sle, %iota3A_2, %add3A_1 : vector<256x2048xi32>
    %jit3A_232 = arith.constant -1.000000e+30 : f32
    %broadcast_in_dim3A_233 = vector.broadcast %jit3A_232 : f32 to vector<256x2048xf32>
    %select_n3A_234 = arith.select %le3A_231, %mul3A_230, %broadcast_in_dim3A_233 : vector<256x2048xi1>, vector<256x2048xf32>
    %reduce_max3A_235 = arith.constant dense<0xFF800000> : vector<256xf32>
    %reduce_max3A_236 = vector.multi_reduction <maximumf>, %select_n3A_234, %reduce_max3A_235 [1] : vector<256x2048xf32> to vector<256xf32>
    %broadcast_in_dim3A_237 = vector.shape_cast %reduce_max3A_236 : vector<256xf32> to vector<256x1xf32>
    %sub3A_238 = vector.broadcast %broadcast_in_dim3A_237 : vector<256x1xf32> to vector<256x2048xf32>
    %sub3A_239 = arith.subf %select_n3A_234, %sub3A_238 : vector<256x2048xf32>
    %exp3A_240 = math.exp %sub3A_239 : vector<256x2048xf32>
    %reduce_sum3A_241 = arith.constant dense<0.000000e+00> : vector<256xf32>
    %reduce_sum3A_242 = vector.multi_reduction <add>, %exp3A_240, %reduce_sum3A_241 [1] : vector<256x2048xf32> to vector<256xf32>
    %broadcast_in_dim3A_243 = vector.shape_cast %reduce_sum3A_242 : vector<256xf32> to vector<256x1xf32>
    %div3A_244 = vector.broadcast %broadcast_in_dim3A_243 : vector<256x1xf32> to vector<256x2048xf32>
    %div3A_245 = arith.divf %exp3A_240, %div3A_244 : vector<256x2048xf32>
    %dot_general3A_246 = arith.constant dense<0.000000e+00> : vector<256x128xf32>
    %dot_general3A_247 = tpu.matmul %div3A_245, %get3A_7, %dot_general3A_246 {dimension_numbers = #tpu.dot_dimension_numbers<[1], [0], [0], [1], [0, 0, 1, 1], [], []>, transpose_lhs_hint = false} : vector<256x2048xf32>, vector<2048x128xf32>, vector<256x128xf32> -> vector<256x128xf32>
    %get3A_248 = arith.constant 0 : index
    %get3A_249 = arith.constant 1280 : index
    %get3A_250 = vector.load %arg1[%get3A_248, %get3A_249] : memref<256x2048xf32, #tpu.memory_space<vmem>>, vector<256x128xf32>
    %dot_general3A_251 = arith.constant dense<0.000000e+00> : vector<256x2048xf32>
    %dot_general3A_252 = tpu.matmul %get3A_250, %get3A_4, %dot_general3A_251 {dimension_numbers = #tpu.dot_dimension_numbers<[1], [1], [0], [0], [0, 0, 1, 0], [], []>, transpose_lhs_hint = false} : vector<256x128xf32>, vector<2048x128xf32>, vector<256x2048xf32> -> vector<256x2048xf32>
    %mul3A_253 = arith.constant 0.0883883461 : f32
    %mul3A_254 = vector.broadcast %mul3A_253 : f32 to vector<256x2048xf32>
    %mul3A_255 = arith.mulf %dot_general3A_252, %mul3A_254 : vector<256x2048xf32>
    %le3A_256 = arith.cmpi sle, %iota3A_2, %add3A_1 : vector<256x2048xi32>
    %jit3A_257 = arith.constant -1.000000e+30 : f32
    %broadcast_in_dim3A_258 = vector.broadcast %jit3A_257 : f32 to vector<256x2048xf32>
    %select_n3A_259 = arith.select %le3A_256, %mul3A_255, %broadcast_in_dim3A_258 : vector<256x2048xi1>, vector<256x2048xf32>
    %reduce_max3A_260 = arith.constant dense<0xFF800000> : vector<256xf32>
    %reduce_max3A_261 = vector.multi_reduction <maximumf>, %select_n3A_259, %reduce_max3A_260 [1] : vector<256x2048xf32> to vector<256xf32>
    %broadcast_in_dim3A_262 = vector.shape_cast %reduce_max3A_261 : vector<256xf32> to vector<256x1xf32>
    %sub3A_263 = vector.broadcast %broadcast_in_dim3A_262 : vector<256x1xf32> to vector<256x2048xf32>
    %sub3A_264 = arith.subf %select_n3A_259, %sub3A_263 : vector<256x2048xf32>
    %exp3A_265 = math.exp %sub3A_264 : vector<256x2048xf32>
    %reduce_sum3A_266 = arith.constant dense<0.000000e+00> : vector<256xf32>
    %reduce_sum3A_267 = vector.multi_reduction <add>, %exp3A_265, %reduce_sum3A_266 [1] : vector<256x2048xf32> to vector<256xf32>
    %broadcast_in_dim3A_268 = vector.shape_cast %reduce_sum3A_267 : vector<256xf32> to vector<256x1xf32>
    %div3A_269 = vector.broadcast %broadcast_in_dim3A_268 : vector<256x1xf32> to vector<256x2048xf32>
    %div3A_270 = arith.divf %exp3A_265, %div3A_269 : vector<256x2048xf32>
    %dot_general3A_271 = arith.constant dense<0.000000e+00> : vector<256x128xf32>
    %dot_general3A_272 = tpu.matmul %div3A_270, %get3A_7, %dot_general3A_271 {dimension_numbers = #tpu.dot_dimension_numbers<[1], [0], [0], [1], [0, 0, 1, 1], [], []>, transpose_lhs_hint = false} : vector<256x2048xf32>, vector<2048x128xf32>, vector<256x128xf32> -> vector<256x128xf32>
    %get3A_273 = arith.constant 0 : index
    %get3A_274 = arith.constant 1408 : index
    %get3A_275 = vector.load %arg1[%get3A_273, %get3A_274] : memref<256x2048xf32, #tpu.memory_space<vmem>>, vector<256x128xf32>
    %dot_general3A_276 = arith.constant dense<0.000000e+00> : vector<256x2048xf32>
    %dot_general3A_277 = tpu.matmul %get3A_275, %get3A_4, %dot_general3A_276 {dimension_numbers = #tpu.dot_dimension_numbers<[1], [1], [0], [0], [0, 0, 1, 0], [], []>, transpose_lhs_hint = false} : vector<256x128xf32>, vector<2048x128xf32>, vector<256x2048xf32> -> vector<256x2048xf32>
    %mul3A_278 = arith.constant 0.0883883461 : f32
    %mul3A_279 = vector.broadcast %mul3A_278 : f32 to vector<256x2048xf32>
    %mul3A_280 = arith.mulf %dot_general3A_277, %mul3A_279 : vector<256x2048xf32>
    %le3A_281 = arith.cmpi sle, %iota3A_2, %add3A_1 : vector<256x2048xi32>
    %jit3A_282 = arith.constant -1.000000e+30 : f32
    %broadcast_in_dim3A_283 = vector.broadcast %jit3A_282 : f32 to vector<256x2048xf32>
    %select_n3A_284 = arith.select %le3A_281, %mul3A_280, %broadcast_in_dim3A_283 : vector<256x2048xi1>, vector<256x2048xf32>
    %reduce_max3A_285 = arith.constant dense<0xFF800000> : vector<256xf32>
    %reduce_max3A_286 = vector.multi_reduction <maximumf>, %select_n3A_284, %reduce_max3A_285 [1] : vector<256x2048xf32> to vector<256xf32>
    %broadcast_in_dim3A_287 = vector.shape_cast %reduce_max3A_286 : vector<256xf32> to vector<256x1xf32>
    %sub3A_288 = vector.broadcast %broadcast_in_dim3A_287 : vector<256x1xf32> to vector<256x2048xf32>
    %sub3A_289 = arith.subf %select_n3A_284, %sub3A_288 : vector<256x2048xf32>
    %exp3A_290 = math.exp %sub3A_289 : vector<256x2048xf32>
    %reduce_sum3A_291 = arith.constant dense<0.000000e+00> : vector<256xf32>
    %reduce_sum3A_292 = vector.multi_reduction <add>, %exp3A_290, %reduce_sum3A_291 [1] : vector<256x2048xf32> to vector<256xf32>
    %broadcast_in_dim3A_293 = vector.shape_cast %reduce_sum3A_292 : vector<256xf32> to vector<256x1xf32>
    %div3A_294 = vector.broadcast %broadcast_in_dim3A_293 : vector<256x1xf32> to vector<256x2048xf32>
    %div3A_295 = arith.divf %exp3A_290, %div3A_294 : vector<256x2048xf32>
    %dot_general3A_296 = arith.constant dense<0.000000e+00> : vector<256x128xf32>
    %dot_general3A_297 = tpu.matmul %div3A_295, %get3A_7, %dot_general3A_296 {dimension_numbers = #tpu.dot_dimension_numbers<[1], [0], [0], [1], [0, 0, 1, 1], [], []>, transpose_lhs_hint = false} : vector<256x2048xf32>, vector<2048x128xf32>, vector<256x128xf32> -> vector<256x128xf32>
    %get3A_298 = arith.constant 0 : index
    %get3A_299 = arith.constant 1536 : index
    %get3A_300 = vector.load %arg1[%get3A_298, %get3A_299] : memref<256x2048xf32, #tpu.memory_space<vmem>>, vector<256x128xf32>
    %dot_general3A_301 = arith.constant dense<0.000000e+00> : vector<256x2048xf32>
    %dot_general3A_302 = tpu.matmul %get3A_300, %get3A_4, %dot_general3A_301 {dimension_numbers = #tpu.dot_dimension_numbers<[1], [1], [0], [0], [0, 0, 1, 0], [], []>, transpose_lhs_hint = false} : vector<256x128xf32>, vector<2048x128xf32>, vector<256x2048xf32> -> vector<256x2048xf32>
    %mul3A_303 = arith.constant 0.0883883461 : f32
    %mul3A_304 = vector.broadcast %mul3A_303 : f32 to vector<256x2048xf32>
    %mul3A_305 = arith.mulf %dot_general3A_302, %mul3A_304 : vector<256x2048xf32>
    %le3A_306 = arith.cmpi sle, %iota3A_2, %add3A_1 : vector<256x2048xi32>
    %jit3A_307 = arith.constant -1.000000e+30 : f32
    %broadcast_in_dim3A_308 = vector.broadcast %jit3A_307 : f32 to vector<256x2048xf32>
    %select_n3A_309 = arith.select %le3A_306, %mul3A_305, %broadcast_in_dim3A_308 : vector<256x2048xi1>, vector<256x2048xf32>
    %reduce_max3A_310 = arith.constant dense<0xFF800000> : vector<256xf32>
    %reduce_max3A_311 = vector.multi_reduction <maximumf>, %select_n3A_309, %reduce_max3A_310 [1] : vector<256x2048xf32> to vector<256xf32>
    %broadcast_in_dim3A_312 = vector.shape_cast %reduce_max3A_311 : vector<256xf32> to vector<256x1xf32>
    %sub3A_313 = vector.broadcast %broadcast_in_dim3A_312 : vector<256x1xf32> to vector<256x2048xf32>
    %sub3A_314 = arith.subf %select_n3A_309, %sub3A_313 : vector<256x2048xf32>
    %exp3A_315 = math.exp %sub3A_314 : vector<256x2048xf32>
    %reduce_sum3A_316 = arith.constant dense<0.000000e+00> : vector<256xf32>
    %reduce_sum3A_317 = vector.multi_reduction <add>, %exp3A_315, %reduce_sum3A_316 [1] : vector<256x2048xf32> to vector<256xf32>
    %broadcast_in_dim3A_318 = vector.shape_cast %reduce_sum3A_317 : vector<256xf32> to vector<256x1xf32>
    %div3A_319 = vector.broadcast %broadcast_in_dim3A_318 : vector<256x1xf32> to vector<256x2048xf32>
    %div3A_320 = arith.divf %exp3A_315, %div3A_319 : vector<256x2048xf32>
    %dot_general3A_321 = arith.constant dense<0.000000e+00> : vector<256x128xf32>
    %dot_general3A_322 = tpu.matmul %div3A_320, %get3A_7, %dot_general3A_321 {dimension_numbers = #tpu.dot_dimension_numbers<[1], [0], [0], [1], [0, 0, 1, 1], [], []>, transpose_lhs_hint = false} : vector<256x2048xf32>, vector<2048x128xf32>, vector<256x128xf32> -> vector<256x128xf32>
    %get3A_323 = arith.constant 0 : index
    %get3A_324 = arith.constant 1664 : index
    %get3A_325 = vector.load %arg1[%get3A_323, %get3A_324] : memref<256x2048xf32, #tpu.memory_space<vmem>>, vector<256x128xf32>
    %dot_general3A_326 = arith.constant dense<0.000000e+00> : vector<256x2048xf32>
    %dot_general3A_327 = tpu.matmul %get3A_325, %get3A_4, %dot_general3A_326 {dimension_numbers = #tpu.dot_dimension_numbers<[1], [1], [0], [0], [0, 0, 1, 0], [], []>, transpose_lhs_hint = false} : vector<256x128xf32>, vector<2048x128xf32>, vector<256x2048xf32> -> vector<256x2048xf32>
    %mul3A_328 = arith.constant 0.0883883461 : f32
    %mul3A_329 = vector.broadcast %mul3A_328 : f32 to vector<256x2048xf32>
    %mul3A_330 = arith.mulf %dot_general3A_327, %mul3A_329 : vector<256x2048xf32>
    %le3A_331 = arith.cmpi sle, %iota3A_2, %add3A_1 : vector<256x2048xi32>
    %jit3A_332 = arith.constant -1.000000e+30 : f32
    %broadcast_in_dim3A_333 = vector.broadcast %jit3A_332 : f32 to vector<256x2048xf32>
    %select_n3A_334 = arith.select %le3A_331, %mul3A_330, %broadcast_in_dim3A_333 : vector<256x2048xi1>, vector<256x2048xf32>
    %reduce_max3A_335 = arith.constant dense<0xFF800000> : vector<256xf32>
    %reduce_max3A_336 = vector.multi_reduction <maximumf>, %select_n3A_334, %reduce_max3A_335 [1] : vector<256x2048xf32> to vector<256xf32>
    %broadcast_in_dim3A_337 = vector.shape_cast %reduce_max3A_336 : vector<256xf32> to vector<256x1xf32>
    %sub3A_338 = vector.broadcast %broadcast_in_dim3A_337 : vector<256x1xf32> to vector<256x2048xf32>
    %sub3A_339 = arith.subf %select_n3A_334, %sub3A_338 : vector<256x2048xf32>
    %exp3A_340 = math.exp %sub3A_339 : vector<256x2048xf32>
    %reduce_sum3A_341 = arith.constant dense<0.000000e+00> : vector<256xf32>
    %reduce_sum3A_342 = vector.multi_reduction <add>, %exp3A_340, %reduce_sum3A_341 [1] : vector<256x2048xf32> to vector<256xf32>
    %broadcast_in_dim3A_343 = vector.shape_cast %reduce_sum3A_342 : vector<256xf32> to vector<256x1xf32>
    %div3A_344 = vector.broadcast %broadcast_in_dim3A_343 : vector<256x1xf32> to vector<256x2048xf32>
    %div3A_345 = arith.divf %exp3A_340, %div3A_344 : vector<256x2048xf32>
    %dot_general3A_346 = arith.constant dense<0.000000e+00> : vector<256x128xf32>
    %dot_general3A_347 = tpu.matmul %div3A_345, %get3A_7, %dot_general3A_346 {dimension_numbers = #tpu.dot_dimension_numbers<[1], [0], [0], [1], [0, 0, 1, 1], [], []>, transpose_lhs_hint = false} : vector<256x2048xf32>, vector<2048x128xf32>, vector<256x128xf32> -> vector<256x128xf32>
    %get3A_348 = arith.constant 0 : index
    %get3A_349 = arith.constant 1792 : index
    %get3A_350 = vector.load %arg1[%get3A_348, %get3A_349] : memref<256x2048xf32, #tpu.memory_space<vmem>>, vector<256x128xf32>
    %dot_general3A_351 = arith.constant dense<0.000000e+00> : vector<256x2048xf32>
    %dot_general3A_352 = tpu.matmul %get3A_350, %get3A_4, %dot_general3A_351 {dimension_numbers = #tpu.dot_dimension_numbers<[1], [1], [0], [0], [0, 0, 1, 0], [], []>, transpose_lhs_hint = false} : vector<256x128xf32>, vector<2048x128xf32>, vector<256x2048xf32> -> vector<256x2048xf32>
    %mul3A_353 = arith.constant 0.0883883461 : f32
    %mul3A_354 = vector.broadcast %mul3A_353 : f32 to vector<256x2048xf32>
    %mul3A_355 = arith.mulf %dot_general3A_352, %mul3A_354 : vector<256x2048xf32>
    %le3A_356 = arith.cmpi sle, %iota3A_2, %add3A_1 : vector<256x2048xi32>
    %jit3A_357 = arith.constant -1.000000e+30 : f32
    %broadcast_in_dim3A_358 = vector.broadcast %jit3A_357 : f32 to vector<256x2048xf32>
    %select_n3A_359 = arith.select %le3A_356, %mul3A_355, %broadcast_in_dim3A_358 : vector<256x2048xi1>, vector<256x2048xf32>
    %reduce_max3A_360 = arith.constant dense<0xFF800000> : vector<256xf32>
    %reduce_max3A_361 = vector.multi_reduction <maximumf>, %select_n3A_359, %reduce_max3A_360 [1] : vector<256x2048xf32> to vector<256xf32>
    %broadcast_in_dim3A_362 = vector.shape_cast %reduce_max3A_361 : vector<256xf32> to vector<256x1xf32>
    %sub3A_363 = vector.broadcast %broadcast_in_dim3A_362 : vector<256x1xf32> to vector<256x2048xf32>
    %sub3A_364 = arith.subf %select_n3A_359, %sub3A_363 : vector<256x2048xf32>
    %exp3A_365 = math.exp %sub3A_364 : vector<256x2048xf32>
    %reduce_sum3A_366 = arith.constant dense<0.000000e+00> : vector<256xf32>
    %reduce_sum3A_367 = vector.multi_reduction <add>, %exp3A_365, %reduce_sum3A_366 [1] : vector<256x2048xf32> to vector<256xf32>
    %broadcast_in_dim3A_368 = vector.shape_cast %reduce_sum3A_367 : vector<256xf32> to vector<256x1xf32>
    %div3A_369 = vector.broadcast %broadcast_in_dim3A_368 : vector<256x1xf32> to vector<256x2048xf32>
    %div3A_370 = arith.divf %exp3A_365, %div3A_369 : vector<256x2048xf32>
    %dot_general3A_371 = arith.constant dense<0.000000e+00> : vector<256x128xf32>
    %dot_general3A_372 = tpu.matmul %div3A_370, %get3A_7, %dot_general3A_371 {dimension_numbers = #tpu.dot_dimension_numbers<[1], [0], [0], [1], [0, 0, 1, 1], [], []>, transpose_lhs_hint = false} : vector<256x2048xf32>, vector<2048x128xf32>, vector<256x128xf32> -> vector<256x128xf32>
    %get3A_373 = arith.constant 0 : index
    %get3A_374 = arith.constant 1920 : index
    %get3A_375 = vector.load %arg1[%get3A_373, %get3A_374] : memref<256x2048xf32, #tpu.memory_space<vmem>>, vector<256x128xf32>
    %dot_general3A_376 = arith.constant dense<0.000000e+00> : vector<256x2048xf32>
    %dot_general3A_377 = tpu.matmul %get3A_375, %get3A_4, %dot_general3A_376 {dimension_numbers = #tpu.dot_dimension_numbers<[1], [1], [0], [0], [0, 0, 1, 0], [], []>, transpose_lhs_hint = false} : vector<256x128xf32>, vector<2048x128xf32>, vector<256x2048xf32> -> vector<256x2048xf32>
    %mul3A_378 = arith.constant 0.0883883461 : f32
    %mul3A_379 = vector.broadcast %mul3A_378 : f32 to vector<256x2048xf32>
    %mul3A_380 = arith.mulf %dot_general3A_377, %mul3A_379 : vector<256x2048xf32>
    %le3A_381 = arith.cmpi sle, %iota3A_2, %add3A_1 : vector<256x2048xi32>
    %jit3A_382 = arith.constant -1.000000e+30 : f32
    %broadcast_in_dim3A_383 = vector.broadcast %jit3A_382 : f32 to vector<256x2048xf32>
    %select_n3A_384 = arith.select %le3A_381, %mul3A_380, %broadcast_in_dim3A_383 : vector<256x2048xi1>, vector<256x2048xf32>
    %reduce_max3A_385 = arith.constant dense<0xFF800000> : vector<256xf32>
    %reduce_max3A_386 = vector.multi_reduction <maximumf>, %select_n3A_384, %reduce_max3A_385 [1] : vector<256x2048xf32> to vector<256xf32>
    %broadcast_in_dim3A_387 = vector.shape_cast %reduce_max3A_386 : vector<256xf32> to vector<256x1xf32>
    %sub3A_388 = vector.broadcast %broadcast_in_dim3A_387 : vector<256x1xf32> to vector<256x2048xf32>
    %sub3A_389 = arith.subf %select_n3A_384, %sub3A_388 : vector<256x2048xf32>
    %exp3A_390 = math.exp %sub3A_389 : vector<256x2048xf32>
    %reduce_sum3A_391 = arith.constant dense<0.000000e+00> : vector<256xf32>
    %reduce_sum3A_392 = vector.multi_reduction <add>, %exp3A_390, %reduce_sum3A_391 [1] : vector<256x2048xf32> to vector<256xf32>
    %broadcast_in_dim3A_393 = vector.shape_cast %reduce_sum3A_392 : vector<256xf32> to vector<256x1xf32>
    %div3A_394 = vector.broadcast %broadcast_in_dim3A_393 : vector<256x1xf32> to vector<256x2048xf32>
    %div3A_395 = arith.divf %exp3A_390, %div3A_394 : vector<256x2048xf32>
    %dot_general3A_396 = arith.constant dense<0.000000e+00> : vector<256x128xf32>
    %dot_general3A_397 = tpu.matmul %div3A_395, %get3A_7, %dot_general3A_396 {dimension_numbers = #tpu.dot_dimension_numbers<[1], [0], [0], [1], [0, 0, 1, 1], [], []>, transpose_lhs_hint = false} : vector<256x2048xf32>, vector<2048x128xf32>, vector<256x128xf32> -> vector<256x128xf32>
    %concatenate3A = tpu.concatenate %dot_general3A_22, %dot_general3A_47, %dot_general3A_72, %dot_general3A_97, %dot_general3A_122, %dot_general3A_147, %dot_general3A_172, %dot_general3A_197, %dot_general3A_222, %dot_general3A_247, %dot_general3A_272, %dot_general3A_297, %dot_general3A_322, %dot_general3A_347, %dot_general3A_372, %dot_general3A_397 in 1 : vector<256x128xf32>, vector<256x128xf32>, vector<256x128xf32>, vector<256x128xf32>, vector<256x128xf32>, vector<256x128xf32>, vector<256x128xf32>, vector<256x128xf32>, vector<256x128xf32>, vector<256x128xf32>, vector<256x128xf32>, vector<256x128xf32>, vector<256x128xf32>, vector<256x128xf32>, vector<256x128xf32>, vector<256x128xf32> -> vector<256x2048xf32>
    %swap3A = arith.constant 0 : index
    %swap3A_398 = arith.constant 0 : index
    %swap3A_399 = vector.load %arg4[%swap3A, %swap3A_398] : memref<256x2048xf32, #tpu.memory_space<vmem>>, vector<256x2048xf32>
    tpu.vector_store %arg4[%swap3A, %swap3A_398], %concatenate3A {strides = array<i32>} : memref<256x2048xf32, #tpu.memory_space<vmem>>, vector<256x2048xf32>,
    return
  }
  func.func @transform_0(%arg0: i32) -> (i32, i32) {
    %c0_i32 = arith.constant 0 : i32
    %c0_i32_0 = arith.constant 0 : i32
    return %arg0, %c0_i32 : i32, i32
  }
  func.func @transform_1(%arg0: i32) -> (i32, i32) {
    %c0_i32 = arith.constant 0 : i32
    %c0_i32_0 = arith.constant 0 : i32
    %c0_i32_1 = arith.constant 0 : i32
    return %c0_i32, %c0_i32_0 : i32, i32
  }
  func.func @transform_2(%arg0: i32) -> (i32, i32) {
    %c0_i32 = arith.constant 0 : i32
    %c0_i32_0 = arith.constant 0 : i32
    %c0_i32_1 = arith.constant 0 : i32
    return %c0_i32, %c0_i32_0 : i32, i32
  }
  func.func @transform_3(%arg0: i32) -> (i32, i32) {
    %c0_i32 = arith.constant 0 : i32
    %c0_i32_0 = arith.constant 0 : i32
    return %arg0, %c0_i32 : i32, i32
  }
}

module attributes {stable_mosaic.version = 14 : i64} {
  func.func @_post_body(%arg0: i32, %arg1: memref<256x2048xf32, #tpu.memory_space<vmem>>, %arg2: memref<256x2048xf32, #tpu.memory_space<vmem>>, %arg3: memref<2048x2048xf32, #tpu.memory_space<vmem>>, %arg4: memref<1x2048xf32, #tpu.memory_space<vmem>>, %arg5: memref<2048x2048xf32, #tpu.memory_space<vmem>>, %arg6: memref<1024x2048xf32, #tpu.memory_space<vmem>>, %arg7: memref<2048x128xf32, #tpu.memory_space<vmem>>, %arg8: memref<256x2048xf32, #tpu.memory_space<vmem>>, %arg9: memref<256x2048xf32, #tpu.memory_space<vmem>>, %arg10: memref<256x2048xf32, #tpu.memory_space<vmem>>, %arg11: memref<256x128xf32, #tpu.memory_space<vmem>>, %arg12: memref<256x128xi32, #tpu.memory_space<vmem>>) attributes {dimension_semantics = [#tpu.dimension_semantics<arbitrary>], iteration_bounds = array<i64: 8>, scalar_prefetch = 0 : i64, scratch_operands = 0 : i64, tpu.core_type = #tpu.core_type<tc>, window_params = [{transform_indices = @transform_0, window_bounds = array<i64: 256, 2048>}, {transform_indices = @transform_1, window_bounds = array<i64: 256, 2048>}, {pipeline_mode = #tpu.pipeline_mode<synchronous>, transform_indices = @transform_2, window_bounds = array<i64: 2048, 2048>}, {pipeline_mode = #tpu.pipeline_mode<synchronous>, transform_indices = @transform_3, window_bounds = array<i64: 1, 2048>}, {pipeline_mode = #tpu.pipeline_mode<synchronous>, transform_indices = @transform_4, window_bounds = array<i64: 2048, 2048>}, {pipeline_mode = #tpu.pipeline_mode<synchronous>, transform_indices = @transform_5, window_bounds = array<i64: 1024, 2048>}, {pipeline_mode = #tpu.pipeline_mode<synchronous>, transform_indices = @transform_6, window_bounds = array<i64: 2048, 128>}, {transform_indices = @transform_7, window_bounds = array<i64: 256, 2048>}, {transform_indices = @transform_8, window_bounds = array<i64: 256, 2048>}, {transform_indices = @transform_9, window_bounds = array<i64: 256, 2048>}, {transform_indices = @transform_10, window_bounds = array<i64: 256, 128>}, {transform_indices = @transform_11, window_bounds = array<i64: 256, 128>}]} {
    %get3A = arith.constant 0 : index
    %get3A_0 = arith.constant 0 : index
    %get3A_1 = vector.load %arg1[%get3A, %get3A_0] : memref<256x2048xf32, #tpu.memory_space<vmem>>, vector<256x2048xf32>
    %get3A_2 = arith.constant 0 : index
    %get3A_3 = arith.constant 0 : index
    %get3A_4 = vector.load %arg3[%get3A_2, %get3A_3] : memref<2048x2048xf32, #tpu.memory_space<vmem>>, vector<2048x2048xf32>
    %dot_general3A = arith.constant dense<0.000000e+00> : vector<256x2048xf32>
    %dot_general3A_5 = tpu.matmul %get3A_1, %get3A_4, %dot_general3A {dimension_numbers = #tpu.dot_dimension_numbers<[1], [0], [0], [1], [0, 0, 1, 1], [], []>, transpose_lhs_hint = false} : vector<256x2048xf32>, vector<2048x2048xf32>, vector<256x2048xf32> -> vector<256x2048xf32>
    %get3A_6 = arith.constant 0 : index
    %get3A_7 = arith.constant 0 : index
    %get3A_8 = vector.load %arg2[%get3A_6, %get3A_7] : memref<256x2048xf32, #tpu.memory_space<vmem>>, vector<256x2048xf32>
    %add3A = arith.addf %dot_general3A_5, %get3A_8 : vector<256x2048xf32>
    %swap3A = arith.constant 0 : index
    %swap3A_9 = arith.constant 0 : index
    %swap3A_10 = vector.load %arg8[%swap3A, %swap3A_9] : memref<256x2048xf32, #tpu.memory_space<vmem>>, vector<256x2048xf32>
    tpu.vector_store %arg8[%swap3A, %swap3A_9], %add3A {strides = array<i32>} : memref<256x2048xf32, #tpu.memory_space<vmem>>, vector<256x2048xf32>,
    %mul3A = arith.mulf %add3A, %add3A : vector<256x2048xf32>
    %reduce_sum3A = arith.constant dense<0.000000e+00> : vector<256xf32>
    %reduce_sum3A_11 = vector.multi_reduction <add>, %mul3A, %reduce_sum3A [1] : vector<256x2048xf32> to vector<256xf32>
    %broadcast_in_dim3A = vector.shape_cast %reduce_sum3A_11 : vector<256xf32> to vector<256x1xf32>
    %div3A = arith.constant 2.048000e+03 : f32
    %div3A_12 = vector.broadcast %div3A : f32 to vector<256x1xf32>
    %div3A_13 = arith.divf %broadcast_in_dim3A, %div3A_12 : vector<256x1xf32>
    %add3A_14 = arith.constant 9.99999974E-6 : f32
    %add3A_15 = vector.broadcast %add3A_14 : f32 to vector<256x1xf32>
    %add3A_16 = arith.addf %div3A_13, %add3A_15 : vector<256x1xf32>
    %rsqrt3A = math.rsqrt %add3A_16 : vector<256x1xf32>
    %mul3A_17 = vector.broadcast %rsqrt3A : vector<256x1xf32> to vector<256x2048xf32>
    %mul3A_18 = arith.mulf %add3A, %mul3A_17 : vector<256x2048xf32>
    %get3A_19 = arith.constant 0 : index
    %get3A_20 = arith.constant 0 : index
    %get3A_21 = vector.load %arg4[%get3A_19, %get3A_20] : memref<1x2048xf32, #tpu.memory_space<vmem>>, vector<1x2048xf32>
    %mul3A_22 = vector.broadcast %get3A_21 : vector<1x2048xf32> to vector<256x2048xf32>
    %mul3A_23 = arith.mulf %mul3A_18, %mul3A_22 : vector<256x2048xf32>
    %swap3A_24 = arith.constant 0 : index
    %swap3A_25 = arith.constant 0 : index
    %swap3A_26 = vector.load %arg9[%swap3A_24, %swap3A_25] : memref<256x2048xf32, #tpu.memory_space<vmem>>, vector<256x2048xf32>
    tpu.vector_store %arg9[%swap3A_24, %swap3A_25], %mul3A_23 {strides = array<i32>} : memref<256x2048xf32, #tpu.memory_space<vmem>>, vector<256x2048xf32>,
    %get3A_27 = arith.constant 0 : index
    %get3A_28 = arith.constant 0 : index
    %get3A_29 = vector.load %arg5[%get3A_27, %get3A_28] : memref<2048x2048xf32, #tpu.memory_space<vmem>>, vector<2048x2048xf32>
    %dot_general3A_30 = arith.constant dense<0.000000e+00> : vector<256x2048xf32>
    %dot_general3A_31 = tpu.matmul %mul3A_23, %get3A_29, %dot_general3A_30 {dimension_numbers = #tpu.dot_dimension_numbers<[1], [0], [0], [1], [0, 0, 1, 1], [], []>, transpose_lhs_hint = false} : vector<256x2048xf32>, vector<2048x2048xf32>, vector<256x2048xf32> -> vector<256x2048xf32>
    %slice3A = vector.extract_strided_slice %dot_general3A_31 {offsets = [0, 0], sizes = [256, 1024], strides = [1, 1]} : vector<256x2048xf32> to vector<256x1024xf32>
    %slice3A_32 = vector.extract_strided_slice %dot_general3A_31 {offsets = [0, 1024], sizes = [256, 1024], strides = [1, 1]} : vector<256x2048xf32> to vector<256x1024xf32>
    %logistic3A = arith.negf %slice3A : vector<256x1024xf32>
    %logistic3A_33 = math.exp %logistic3A : vector<256x1024xf32>
    %logistic3A_34 = arith.constant 1.000000e+00 : f32
    %logistic3A_35 = vector.broadcast %logistic3A_34 : f32 to vector<256x1024xf32>
    %logistic3A_36 = arith.addf %logistic3A_35, %logistic3A_33 : vector<256x1024xf32>
    %logistic3A_37 = arith.divf %logistic3A_35, %logistic3A_36 : vector<256x1024xf32>
    %mul3A_38 = arith.mulf %slice3A, %logistic3A_37 : vector<256x1024xf32>
    %mul3A_39 = arith.mulf %mul3A_38, %slice3A_32 : vector<256x1024xf32>
    %get3A_40 = arith.constant 0 : index
    %get3A_41 = arith.constant 0 : index
    %get3A_42 = vector.load %arg6[%get3A_40, %get3A_41] : memref<1024x2048xf32, #tpu.memory_space<vmem>>, vector<1024x2048xf32>
    %dot_general3A_43 = arith.constant dense<0.000000e+00> : vector<256x2048xf32>
    %dot_general3A_44 = tpu.matmul %mul3A_39, %get3A_42, %dot_general3A_43 {dimension_numbers = #tpu.dot_dimension_numbers<[1], [0], [0], [1], [0, 0, 1, 1], [], []>, transpose_lhs_hint = false} : vector<256x1024xf32>, vector<1024x2048xf32>, vector<256x2048xf32> -> vector<256x2048xf32>
    %swap3A_45 = arith.constant 0 : index
    %swap3A_46 = arith.constant 0 : index
    %swap3A_47 = vector.load %arg10[%swap3A_45, %swap3A_46] : memref<256x2048xf32, #tpu.memory_space<vmem>>, vector<256x2048xf32>
    tpu.vector_store %arg10[%swap3A_45, %swap3A_46], %dot_general3A_44 {strides = array<i32>} : memref<256x2048xf32, #tpu.memory_space<vmem>>, vector<256x2048xf32>,
    %get3A_48 = arith.constant 0 : index
    %get3A_49 = arith.constant 0 : index
    %get3A_50 = vector.load %arg7[%get3A_48, %get3A_49] : memref<2048x128xf32, #tpu.memory_space<vmem>>, vector<2048x128xf32>
    %dot_general3A_51 = arith.constant dense<0.000000e+00> : vector<256x128xf32>
    %dot_general3A_52 = tpu.matmul %mul3A_23, %get3A_50, %dot_general3A_51 {dimension_numbers = #tpu.dot_dimension_numbers<[1], [0], [0], [1], [0, 0, 1, 1], [], []>, transpose_lhs_hint = false} : vector<256x2048xf32>, vector<2048x128xf32>, vector<256x128xf32> -> vector<256x128xf32>
    %iota3A = tpu.iota {dimensions = array<i32: 1>} : vector<256x128xi32>
    %lt3A = arith.constant 8 : i32
    %lt3A_53 = vector.broadcast %lt3A : i32 to vector<256x128xi32>
    %lt3A_54 = arith.cmpi slt, %iota3A, %lt3A_53 : vector<256x128xi32>
    %jit3A = arith.constant -1.000000e+30 : f32
    %broadcast_in_dim3A_55 = vector.broadcast %jit3A : f32 to vector<256x128xf32>
    %select_n3A = arith.select %lt3A_54, %dot_general3A_52, %broadcast_in_dim3A_55 : vector<256x128xi1>, vector<256x128xf32>
    %reduce_max3A = arith.constant dense<0xFF800000> : vector<256xf32>
    %reduce_max3A_56 = vector.multi_reduction <maximumf>, %select_n3A, %reduce_max3A [1] : vector<256x128xf32> to vector<256xf32>
    %broadcast_in_dim3A_57 = vector.shape_cast %reduce_max3A_56 : vector<256xf32> to vector<256x1xf32>
    %sub3A = vector.broadcast %broadcast_in_dim3A_57 : vector<256x1xf32> to vector<256x128xf32>
    %sub3A_58 = arith.subf %select_n3A, %sub3A : vector<256x128xf32>
    %exp3A = math.exp %sub3A_58 : vector<256x128xf32>
    %reduce_sum3A_59 = arith.constant dense<0.000000e+00> : vector<256xf32>
    %reduce_sum3A_60 = vector.multi_reduction <add>, %exp3A, %reduce_sum3A_59 [1] : vector<256x128xf32> to vector<256xf32>
    %broadcast_in_dim3A_61 = vector.shape_cast %reduce_sum3A_60 : vector<256xf32> to vector<256x1xf32>
    %div3A_62 = vector.broadcast %broadcast_in_dim3A_61 : vector<256x1xf32> to vector<256x128xf32>
    %div3A_63 = arith.divf %exp3A, %div3A_62 : vector<256x128xf32>
    %reduce_max3A_64 = arith.constant dense<0xFF800000> : vector<256xf32>
    %reduce_max3A_65 = vector.multi_reduction <maximumf>, %div3A_63, %reduce_max3A_64 [1] : vector<256x128xf32> to vector<256xf32>
    %broadcast_in_dim3A_66 = vector.shape_cast %reduce_max3A_65 : vector<256xf32> to vector<256x1xf32>
    %eq3A = vector.broadcast %broadcast_in_dim3A_66 : vector<256x1xf32> to vector<256x128xf32>
    %eq3A_67 = arith.cmpf oeq, %div3A_63, %eq3A : vector<256x128xf32>
    %jit3A_68 = arith.constant 128 : i32
    %broadcast_in_dim3A_69 = vector.broadcast %jit3A_68 : i32 to vector<256x128xi32>
    %select_n3A_70 = arith.select %eq3A_67, %iota3A, %broadcast_in_dim3A_69 : vector<256x128xi1>, vector<256x128xi32>
    %reduce_min3A = arith.constant dense<2147483647> : vector<256xi32>
    %reduce_min3A_71 = vector.multi_reduction <minsi>, %select_n3A_70, %reduce_min3A [1] : vector<256x128xi32> to vector<256xi32>
    %broadcast_in_dim3A_72 = vector.shape_cast %reduce_min3A_71 : vector<256xi32> to vector<256x1xi32>
    %eq3A_73 = vector.broadcast %broadcast_in_dim3A_72 : vector<256x1xi32> to vector<256x128xi32>
    %eq3A_74 = arith.cmpi eq, %iota3A, %eq3A_73 : vector<256x128xi32>
    %jit3A_75 = arith.constant -1.000000e+00 : f32
    %broadcast_in_dim3A_76 = vector.broadcast %jit3A_75 : f32 to vector<256x128xf32>
    %select_n3A_77 = arith.select %eq3A_74, %broadcast_in_dim3A_76, %div3A_63 : vector<256x128xi1>, vector<256x128xf32>
    %reduce_max3A_78 = arith.constant dense<0xFF800000> : vector<256xf32>
    %reduce_max3A_79 = vector.multi_reduction <maximumf>, %select_n3A_77, %reduce_max3A_78 [1] : vector<256x128xf32> to vector<256xf32>
    %broadcast_in_dim3A_80 = vector.shape_cast %reduce_max3A_79 : vector<256xf32> to vector<256x1xf32>
    %eq3A_81 = vector.broadcast %broadcast_in_dim3A_80 : vector<256x1xf32> to vector<256x128xf32>
    %eq3A_82 = arith.cmpf oeq, %select_n3A_77, %eq3A_81 : vector<256x128xf32>
    %jit3A_83 = arith.constant 128 : i32
    %broadcast_in_dim3A_84 = vector.broadcast %jit3A_83 : i32 to vector<256x128xi32>
    %select_n3A_85 = arith.select %eq3A_82, %iota3A, %broadcast_in_dim3A_84 : vector<256x128xi1>, vector<256x128xi32>
    %reduce_min3A_86 = arith.constant dense<2147483647> : vector<256xi32>
    %reduce_min3A_87 = vector.multi_reduction <minsi>, %select_n3A_85, %reduce_min3A_86 [1] : vector<256x128xi32> to vector<256xi32>
    %broadcast_in_dim3A_88 = vector.shape_cast %reduce_min3A_87 : vector<256xi32> to vector<256x1xi32>
    %add3A_89 = arith.addf %broadcast_in_dim3A_66, %broadcast_in_dim3A_80 : vector<256x1xf32>
    %div3A_90 = arith.divf %broadcast_in_dim3A_66, %add3A_89 : vector<256x1xf32>
    %div3A_91 = arith.divf %broadcast_in_dim3A_80, %add3A_89 : vector<256x1xf32>
    %eq3A_92 = arith.constant 0 : i32
    %eq3A_93 = vector.broadcast %eq3A_92 : i32 to vector<256x128xi32>
    %eq3A_94 = arith.cmpi eq, %iota3A, %eq3A_93 : vector<256x128xi32>
    %eq3A_95 = arith.constant 1 : i32
    %eq3A_96 = vector.broadcast %eq3A_95 : i32 to vector<256x128xi32>
    %eq3A_97 = arith.cmpi eq, %iota3A, %eq3A_96 : vector<256x128xi32>
    %jit3A_98 = arith.constant 0.000000e+00 : f32
    %broadcast_in_dim3A_99 = vector.shape_cast %div3A_91 : vector<256x1xf32> to vector<256x1xf32>
    %broadcast_in_dim3A_100 = vector.broadcast %broadcast_in_dim3A_99 : vector<256x1xf32> to vector<256x128xf32>
    %broadcast_in_dim3A_101 = vector.broadcast %jit3A_98 : f32 to vector<256x128xf32>
    %select_n3A_102 = arith.select %eq3A_97, %broadcast_in_dim3A_100, %broadcast_in_dim3A_101 : vector<256x128xi1>, vector<256x128xf32>
    %broadcast_in_dim3A_103 = vector.shape_cast %div3A_90 : vector<256x1xf32> to vector<256x1xf32>
    %broadcast_in_dim3A_104 = vector.broadcast %broadcast_in_dim3A_103 : vector<256x1xf32> to vector<256x128xf32>
    %select_n3A_105 = arith.select %eq3A_94, %broadcast_in_dim3A_104, %select_n3A_102 : vector<256x128xi1>, vector<256x128xf32>
    %swap3A_106 = arith.constant 0 : index
    %swap3A_107 = arith.constant 0 : index
    %swap3A_108 = vector.load %arg11[%swap3A_106, %swap3A_107] : memref<256x128xf32, #tpu.memory_space<vmem>>, vector<256x128xf32>
    tpu.vector_store %arg11[%swap3A_106, %swap3A_107], %select_n3A_105 {strides = array<i32>} : memref<256x128xf32, #tpu.memory_space<vmem>>, vector<256x128xf32>,
    %eq3A_109 = arith.constant 0 : i32
    %eq3A_110 = vector.broadcast %eq3A_109 : i32 to vector<256x128xi32>
    %eq3A_111 = arith.cmpi eq, %iota3A, %eq3A_110 : vector<256x128xi32>
    %eq3A_112 = arith.constant 1 : i32
    %eq3A_113 = vector.broadcast %eq3A_112 : i32 to vector<256x128xi32>
    %eq3A_114 = arith.cmpi eq, %iota3A, %eq3A_113 : vector<256x128xi32>
    %jit3A_115 = arith.constant 0 : i32
    %broadcast_in_dim3A_116 = vector.shape_cast %broadcast_in_dim3A_88 : vector<256x1xi32> to vector<256x1xi32>
    %broadcast_in_dim3A_117 = vector.broadcast %broadcast_in_dim3A_116 : vector<256x1xi32> to vector<256x128xi32>
    %broadcast_in_dim3A_118 = vector.broadcast %jit3A_115 : i32 to vector<256x128xi32>
    %select_n3A_119 = arith.select %eq3A_114, %broadcast_in_dim3A_117, %broadcast_in_dim3A_118 : vector<256x128xi1>, vector<256x128xi32>
    %broadcast_in_dim3A_120 = vector.shape_cast %broadcast_in_dim3A_72 : vector<256x1xi32> to vector<256x1xi32>
    %broadcast_in_dim3A_121 = vector.broadcast %broadcast_in_dim3A_120 : vector<256x1xi32> to vector<256x128xi32>
    %select_n3A_122 = arith.select %eq3A_111, %broadcast_in_dim3A_121, %select_n3A_119 : vector<256x128xi1>, vector<256x128xi32>
    %swap3A_123 = arith.constant 0 : index
    %swap3A_124 = arith.constant 0 : index
    %swap3A_125 = vector.load %arg12[%swap3A_123, %swap3A_124] : memref<256x128xi32, #tpu.memory_space<vmem>>, vector<256x128xi32>
    tpu.vector_store %arg12[%swap3A_123, %swap3A_124], %select_n3A_122 {strides = array<i32>} : memref<256x128xi32, #tpu.memory_space<vmem>>, vector<256x128xi32>,
    return
  }
  func.func @transform_0(%arg0: i32) -> (i32, i32) {
    %c0_i32 = arith.constant 0 : i32
    %c0_i32_0 = arith.constant 0 : i32
    return %arg0, %c0_i32 : i32, i32
  }
  func.func @transform_1(%arg0: i32) -> (i32, i32) {
    %c0_i32 = arith.constant 0 : i32
    %c0_i32_0 = arith.constant 0 : i32
    return %arg0, %c0_i32 : i32, i32
  }
  func.func @transform_2(%arg0: i32) -> (i32, i32) {
    %c0_i32 = arith.constant 0 : i32
    %c0_i32_0 = arith.constant 0 : i32
    %c0_i32_1 = arith.constant 0 : i32
    return %c0_i32, %c0_i32_0 : i32, i32
  }
  func.func @transform_3(%arg0: i32) -> (i32, i32) {
    %c0_i32 = arith.constant 0 : i32
    %c0_i32_0 = arith.constant 0 : i32
    %c0_i32_1 = arith.constant 0 : i32
    return %c0_i32, %c0_i32_0 : i32, i32
  }
  func.func @transform_4(%arg0: i32) -> (i32, i32) {
    %c0_i32 = arith.constant 0 : i32
    %c0_i32_0 = arith.constant 0 : i32
    %c0_i32_1 = arith.constant 0 : i32
    return %c0_i32, %c0_i32_0 : i32, i32
  }
  func.func @transform_5(%arg0: i32) -> (i32, i32) {
    %c0_i32 = arith.constant 0 : i32
    %c0_i32_0 = arith.constant 0 : i32
    %c0_i32_1 = arith.constant 0 : i32
    return %c0_i32, %c0_i32_0 : i32, i32
  }
  func.func @transform_6(%arg0: i32) -> (i32, i32) {
    %c0_i32 = arith.constant 0 : i32
    %c0_i32_0 = arith.constant 0 : i32
    %c0_i32_1 = arith.constant 0 : i32
    return %c0_i32, %c0_i32_0 : i32, i32
  }
  func.func @transform_7(%arg0: i32) -> (i32, i32) {
    %c0_i32 = arith.constant 0 : i32
    %c0_i32_0 = arith.constant 0 : i32
    return %arg0, %c0_i32 : i32, i32
  }
  func.func @transform_8(%arg0: i32) -> (i32, i32) {
    %c0_i32 = arith.constant 0 : i32
    %c0_i32_0 = arith.constant 0 : i32
    return %arg0, %c0_i32 : i32, i32
  }
  func.func @transform_9(%arg0: i32) -> (i32, i32) {
    %c0_i32 = arith.constant 0 : i32
    %c0_i32_0 = arith.constant 0 : i32
    return %arg0, %c0_i32 : i32, i32
  }
  func.func @transform_10(%arg0: i32) -> (i32, i32) {
    %c0_i32 = arith.constant 0 : i32
    %c0_i32_0 = arith.constant 0 : i32
    return %arg0, %c0_i32 : i32, i32
  }
  func.func @transform_11(%arg0: i32) -> (i32, i32) {
    %c0_i32 = arith.constant 0 : i32
    %c0_i32_0 = arith.constant 0 : i32
    return %arg0, %c0_i32 : i32, i32
  }
}

module attributes {stable_mosaic.version = 14 : i64} {
  func.func @_moe_body(%arg0: i32, %arg1: memref<2x24xi32, #tpu.memory_space<smem>>, %arg2: memref<256x2048xf32, #tpu.memory_space<vmem>>, %arg3: memref<256x128xf32, #tpu.memory_space<vmem>>, %arg4: memref<1x2048x2048xf32, #tpu.memory_space<vmem>>, %arg5: memref<1x1024x2048xf32, #tpu.memory_space<vmem>>, %arg6: memref<8x128xf32, #tpu.memory_space<vmem>>, %arg7: memref<8x16xi32, #tpu.memory_space<vmem>>, %arg8: memref<8x16xi32, #tpu.memory_space<vmem>>, %arg9: memref<256x2048xf32, #tpu.memory_space<vmem>>) attributes {dimension_semantics = [#tpu.dimension_semantics<arbitrary>], iteration_bounds = array<i64: 24>, scalar_prefetch = 1 : i64, scratch_operands = 0 : i64, tpu.core_type = #tpu.core_type<tc>, window_params = [{transform_indices = @transform_0, window_bounds = array<i64: 256, 2048>}, {transform_indices = @transform_1, window_bounds = array<i64: 256, 128>}, {transform_indices = @transform_2, window_bounds = array<i64: 1, 2048, 2048>}, {transform_indices = @transform_3, window_bounds = array<i64: 1, 1024, 2048>}, {transform_indices = @transform_4, window_bounds = array<i64: 8, 128>}, {transform_indices = @transform_5, window_bounds = array<i64: 8, 16>}, {transform_indices = @transform_6, window_bounds = array<i64: 8, 16>}, {transform_indices = @transform_7, window_bounds = array<i64: 256, 2048>}]} {
    %get3A = arith.constant 1 : index
    %get3A_0 = arith.index_cast %arg0 : i32 to index
    %get3A_1 = memref.load %arg1[%get3A, %get3A_0] : memref<2x24xi32, #tpu.memory_space<smem>>
    %gt3A = arith.constant 0 : i32
    %gt3A_2 = arith.cmpi sgt, %get3A_1, %gt3A : i32
    %convert_element_type3A = arith.extui %gt3A_2 : i1 to i32
    %cond3A = arith.constant 0 : i32
    %cond3A_3 = arith.cmpi ne, %convert_element_type3A, %cond3A : i32
    scf.if %cond3A_3 {
      %get3A_4 = arith.constant 0 : index
      %get3A_5 = arith.constant 0 : index
      %get3A_6 = vector.load %arg2[%get3A_4, %get3A_5] : memref<256x2048xf32, #tpu.memory_space<vmem>>, vector<256x2048xf32>
      %get3A_7 = arith.constant 0 : index
      %get3A_8 = arith.constant 0 : index
      %get3A_9 = arith.constant 0 : index
      %get3A_10 = vector.load %arg4[%get3A_7, %get3A_8, %get3A_9] : memref<1x2048x2048xf32, #tpu.memory_space<vmem>>, vector<1x2048x2048xf32>
      %get3A_11 = vector.shape_cast %get3A_10 : vector<1x2048x2048xf32> to vector<2048x2048xf32>
      %dot_general3A = arith.constant dense<0.000000e+00> : vector<256x2048xf32>
      %dot_general3A_12 = tpu.matmul %get3A_6, %get3A_11, %dot_general3A {dimension_numbers = #tpu.dot_dimension_numbers<[1], [0], [0], [1], [0, 0, 1, 1], [], []>, transpose_lhs_hint = false} : vector<256x2048xf32>, vector<2048x2048xf32>, vector<256x2048xf32> -> vector<256x2048xf32>
      %slice3A = vector.extract_strided_slice %dot_general3A_12 {offsets = [0, 0], sizes = [256, 1024], strides = [1, 1]} : vector<256x2048xf32> to vector<256x1024xf32>
      %slice3A_13 = vector.extract_strided_slice %dot_general3A_12 {offsets = [0, 1024], sizes = [256, 1024], strides = [1, 1]} : vector<256x2048xf32> to vector<256x1024xf32>
      %logistic3A = arith.negf %slice3A : vector<256x1024xf32>
      %logistic3A_14 = math.exp %logistic3A : vector<256x1024xf32>
      %logistic3A_15 = arith.constant 1.000000e+00 : f32
      %logistic3A_16 = vector.broadcast %logistic3A_15 : f32 to vector<256x1024xf32>
      %logistic3A_17 = arith.addf %logistic3A_16, %logistic3A_14 : vector<256x1024xf32>
      %logistic3A_18 = arith.divf %logistic3A_16, %logistic3A_17 : vector<256x1024xf32>
      %mul3A = arith.mulf %slice3A, %logistic3A_18 : vector<256x1024xf32>
      %mul3A_19 = arith.mulf %mul3A, %slice3A_13 : vector<256x1024xf32>
      %get3A_20 = arith.constant 0 : index
      %get3A_21 = arith.constant 0 : index
      %get3A_22 = vector.load %arg3[%get3A_20, %get3A_21] : memref<256x128xf32, #tpu.memory_space<vmem>>, vector<256x1xf32>
      %mul3A_23 = vector.broadcast %get3A_22 : vector<256x1xf32> to vector<256x1024xf32>
      %mul3A_24 = arith.mulf %mul3A_19, %mul3A_23 : vector<256x1024xf32>
      %get3A_25 = arith.constant 0 : index
      %get3A_26 = arith.constant 0 : index
      %get3A_27 = arith.constant 0 : index
      %get3A_28 = vector.load %arg5[%get3A_25, %get3A_26, %get3A_27] : memref<1x1024x2048xf32, #tpu.memory_space<vmem>>, vector<1x1024x2048xf32>
      %get3A_29 = vector.shape_cast %get3A_28 : vector<1x1024x2048xf32> to vector<1024x2048xf32>
      %dot_general3A_30 = arith.constant dense<0.000000e+00> : vector<256x2048xf32>
      %dot_general3A_31 = tpu.matmul %mul3A_24, %get3A_29, %dot_general3A_30 {dimension_numbers = #tpu.dot_dimension_numbers<[1], [0], [0], [1], [0, 0, 1, 1], [], []>, transpose_lhs_hint = false} : vector<256x1024xf32>, vector<1024x2048xf32>, vector<256x2048xf32> -> vector<256x2048xf32>
      %swap3A = arith.constant 0 : index
      %swap3A_32 = arith.constant 0 : index
      %swap3A_33 = vector.load %arg9[%swap3A, %swap3A_32] : memref<256x2048xf32, #tpu.memory_space<vmem>>, vector<256x2048xf32>
      tpu.vector_store %arg9[%swap3A, %swap3A_32], %dot_general3A_31 {strides = array<i32>} : memref<256x2048xf32, #tpu.memory_space<vmem>>, vector<256x2048xf32>,
    } else {
    }
    return
  }
  func.func @transform_0(%arg0: i32, %arg1: memref<2x24xi32, #tpu.memory_space<smem>>) -> (i32, i32) {
    %c0_i32 = arith.constant 0 : i32
    %c0_i32_0 = arith.constant 0 : i32
    return %arg0, %c0_i32 : i32, i32
  }
  func.func @transform_1(%arg0: i32, %arg1: memref<2x24xi32, #tpu.memory_space<smem>>) -> (i32, i32) {
    %c0_i32 = arith.constant 0 : i32
    %c0_i32_0 = arith.constant 0 : i32
    return %arg0, %c0_i32 : i32, i32
  }
  func.func @transform_2(%arg0: i32, %arg1: memref<2x24xi32, #tpu.memory_space<smem>>) -> (i32, i32, i32) {
    %get3A = arith.constant 0 : index
    %get3A_0 = arith.index_cast %arg0 : i32 to index
    %get3A_1 = memref.load %arg1[%get3A, %get3A_0] : memref<2x24xi32, #tpu.memory_space<smem>>
    %c0_i32 = arith.constant 0 : i32
    %c0_i32_2 = arith.constant 0 : i32
    %c0_i32_3 = arith.constant 0 : i32
    return %get3A_1, %c0_i32, %c0_i32_2 : i32, i32, i32
  }
  func.func @transform_3(%arg0: i32, %arg1: memref<2x24xi32, #tpu.memory_space<smem>>) -> (i32, i32, i32) {
    %get3A = arith.constant 0 : index
    %get3A_0 = arith.index_cast %arg0 : i32 to index
    %get3A_1 = memref.load %arg1[%get3A, %get3A_0] : memref<2x24xi32, #tpu.memory_space<smem>>
    %c0_i32 = arith.constant 0 : i32
    %c0_i32_2 = arith.constant 0 : i32
    %c0_i32_3 = arith.constant 0 : i32
    return %get3A_1, %c0_i32, %c0_i32_2 : i32, i32, i32
  }
  func.func @transform_4(%arg0: i32, %arg1: memref<2x24xi32, #tpu.memory_space<smem>>) -> (i32, i32) {
    %c0_i32 = arith.constant 0 : i32
    %c0_i32_0 = arith.constant 0 : i32
    %c0_i32_1 = arith.constant 0 : i32
    return %c0_i32, %c0_i32_0 : i32, i32
  }
  func.func @transform_5(%arg0: i32, %arg1: memref<2x24xi32, #tpu.memory_space<smem>>) -> (i32, i32) {
    %c0_i32 = arith.constant 0 : i32
    %c0_i32_0 = arith.constant 0 : i32
    %c0_i32_1 = arith.constant 0 : i32
    return %c0_i32, %c0_i32_0 : i32, i32
  }
  func.func @transform_6(%arg0: i32, %arg1: memref<2x24xi32, #tpu.memory_space<smem>>) -> (i32, i32) {
    %c0_i32 = arith.constant 0 : i32
    %c0_i32_0 = arith.constant 0 : i32
    %c0_i32_1 = arith.constant 0 : i32
    return %c0_i32, %c0_i32_0 : i32, i32
  }
  func.func @transform_7(%arg0: i32, %arg1: memref<2x24xi32, #tpu.memory_space<smem>>) -> (i32, i32) {
    %c0_i32 = arith.constant 0 : i32
    %c0_i32_0 = arith.constant 0 : i32
    return %arg0, %c0_i32 : i32, i32
  }
}

module attributes {stable_mosaic.version = 14 : i64} {
  func.func @_final_body(%arg0: i32, %arg1: memref<256x2048xf32, #tpu.memory_space<vmem>>, %arg2: memref<256x2048xf32, #tpu.memory_space<vmem>>, %arg3: memref<256x2048xf32, #tpu.memory_space<vmem>>, %arg4: memref<8x128xf32, #tpu.memory_space<vmem>>, %arg5: memref<8x24xi32, #tpu.memory_space<vmem>>, %arg6: memref<256x2048xf32, #tpu.memory_space<vmem>>) attributes {dimension_semantics = [#tpu.dimension_semantics<arbitrary>], iteration_bounds = array<i64: 8>, scalar_prefetch = 0 : i64, scratch_operands = 0 : i64, tpu.core_type = #tpu.core_type<tc>, window_params = [{transform_indices = @transform_0, window_bounds = array<i64: 256, 2048>}, {transform_indices = @transform_1, window_bounds = array<i64: 256, 2048>}, {transform_indices = @transform_2, window_bounds = array<i64: 256, 2048>}, {transform_indices = @transform_3, window_bounds = array<i64: 8, 128>}, {transform_indices = @transform_4, window_bounds = array<i64: 8, 24>}, {transform_indices = @transform_5, window_bounds = array<i64: 256, 2048>}]} {
    %get3A = arith.constant 0 : index
    %get3A_0 = arith.constant 0 : index
    %get3A_1 = vector.load %arg1[%get3A, %get3A_0] : memref<256x2048xf32, #tpu.memory_space<vmem>>, vector<256x2048xf32>
    %get3A_2 = arith.constant 0 : index
    %get3A_3 = arith.constant 0 : index
    %get3A_4 = vector.load %arg2[%get3A_2, %get3A_3] : memref<256x2048xf32, #tpu.memory_space<vmem>>, vector<256x2048xf32>
    %add3A = arith.addf %get3A_1, %get3A_4 : vector<256x2048xf32>
    %get3A_5 = arith.constant 0 : index
    %get3A_6 = arith.constant 0 : index
    %get3A_7 = vector.load %arg3[%get3A_5, %get3A_6] : memref<256x2048xf32, #tpu.memory_space<vmem>>, vector<256x2048xf32>
    %add3A_8 = arith.addf %add3A, %get3A_7 : vector<256x2048xf32>
    %swap3A = arith.constant 0 : index
    %swap3A_9 = arith.constant 0 : index
    %swap3A_10 = vector.load %arg6[%swap3A, %swap3A_9] : memref<256x2048xf32, #tpu.memory_space<vmem>>, vector<256x2048xf32>
    tpu.vector_store %arg6[%swap3A, %swap3A_9], %add3A_8 {strides = array<i32>} : memref<256x2048xf32, #tpu.memory_space<vmem>>, vector<256x2048xf32>,
    return
  }
  func.func @transform_0(%arg0: i32) -> (i32, i32) {
    %c0_i32 = arith.constant 0 : i32
    %c0_i32_0 = arith.constant 0 : i32
    return %arg0, %c0_i32 : i32, i32
  }
  func.func @transform_1(%arg0: i32) -> (i32, i32) {
    %c0_i32 = arith.constant 0 : i32
    %c0_i32_0 = arith.constant 0 : i32
    return %arg0, %c0_i32 : i32, i32
  }
  func.func @transform_2(%arg0: i32) -> (i32, i32) {
    %add3A = arith.constant 8 : i32
    %add3A_0 = arith.addi %arg0, %add3A : i32
    %c0_i32 = arith.constant 0 : i32
    %c0_i32_1 = arith.constant 0 : i32
    return %add3A_0, %c0_i32 : i32, i32
  }
  func.func @transform_3(%arg0: i32) -> (i32, i32) {
    %c0_i32 = arith.constant 0 : i32
    %c0_i32_0 = arith.constant 0 : i32
    %c0_i32_1 = arith.constant 0 : i32
    return %c0_i32, %c0_i32_0 : i32, i32
  }
  func.func @transform_4(%arg0: i32) -> (i32, i32) {
    %c0_i32 = arith.constant 0 : i32
    %c0_i32_0 = arith.constant 0 : i32
    %c0_i32_1 = arith.constant 0 : i32
    return %c0_i32, %c0_i32_0 : i32, i32
  }
  func.func @transform_5(%arg0: i32) -> (i32, i32) {
    %c0_i32 = arith.constant 0 : i32
    %c0_i32_0 = arith.constant 0 : i32
    return %arg0, %c0_i32 : i32, i32
  }
}

</mosaic_0001>

<sc_bundles>
// kernel: kernel.12.cloned.1.call-start
scs
__scs_entry_jumppad:
0x0: {  	(pc) =	sbr.rel $0x88, $3  }
0x1: {  	(tag) =	ssettag $0x0;
	lr =	simm.s32 $0x1  }
0x2: {  	[smem:$0x3F93] =	sst lr;
	_ =	strace $0xD0000000  }
0x3: {  	_ = 	snop  }
0x4: {  	_ = 	snop  }
0x5: {  	_ = 	snop  }
0x6: {  	_ = 	snop  }
0x7: {  	_ = 	snop  }
__scs_overlays_trampoline_lowered:
0x8: {  	[smem:$0x3FA2] =	sst s0  }
0x9: {  	[smem:$0x3FA3] =	sst s1  }
0xa: {  	[smem:$0x3FA4] =	sst s2  }
0xb: {  	[smem:$0x3FA5] =	sst s3  }
0xc: {  	[smem:$0x3FA6] =	sst s4  }
0xd: {  	[smem:$0x3FA7] =	sst s5  }
0xe: {  	[smem:$0x3FA8] =	sst s6  }
0xf: {  	[smem:$0x3FA9] =	sst s7  }
0x10: {  	[smem:$0x3FAA] =	sst s8  }
0x11: {  	[smem:$0x3FAB] =	sst s9;
	s0 =	simm.s32 @!p0 $0x0  }
0x12: {  	s1 =	sld [smem:$0x3F91];
	s0 =	simm.s32 @p0 $0x1  }
0x13: {  	[smem:$0x3FAC] =	sst s0;
	s0 =	simm.s32 @!p1 $0x0  }
0x14: {  	s2 =	sld [smem:$0x3F90];
	s0 =	simm.s32 @p1 $0x1  }
0x15: {  	[smem:$0x3FAD] =	sst s0;
	s0 =	simm.s32 @!p2 $0x0  }
0x16: {  	s3 =	sld [smem:$0x3FDB];
	s0 =	simm.s32 @p2 $0x1  }
0x17: {  	s4 =	simm.s32 $0x1BF5;
	[smem:$0x3FAF] =	sst s0  }
0x18: {  	s0 =	sld [smem:$0x3F92];
	_ =	swait.ge [sflag:s4], $0x0  }
0x19: {  	s7 =	sld [smem:$0x3F93]  }
0x1a: {  	s8 =	sadd.s32 $0xFFFFE003, lr  }
0x1b: {  	s9 =	sadd.s32 $0xFFFFFEF7, lr;
	s5 =	simm.s32 $0xFFFFFFFF;
	p2 =	slt.u32 s8, $0xFFFFF086  }
0x1c: {  	p1 =	slt.u32 s9, $0xF7A;
	s5 =	simm.s32 @!p2 $0x0  }
0x1d: {  	s5 =	simm.s32 @p1 $0x1;
	p0 =	seq.s32 s7, s2  }
0x1e: {  	s7 =	smul.u32 @!p0 $0xF7A, s2;
	p2 =	seq.s32 @!p0 s5, $0x0  }
0x1f: {  	s9 =	smul.u32 $0xF7A, s1;
	s8 =	simm.s32 @!p0 $0x1BF5;
	p2 =	por !p2, p0  }
0x20: {  	[sflag:s8] =	ssyncset.s32 @!p0 $0xFFFFF086;
	s6 =	sadd.s32 @!p0 s3, s7;
	s7 =	simm.s32 @!p0 $0x108  }
0x21: {  	s3 =	sadd.s32 s3, s9;
	s6 =	sadd.s32 @!p0 $0x88, s6;
	s7 =	simm.s32 @p2 $0x1082  }
0x22: {  	[simem:s7], [sflag:s8] =	dma.local @!p0 [hbm:s6], $0xF7A  }
0x23: {  	s9 =	sor.u32 $0xD0000000, s2;
	s6 =	simm.s32 $0x108;
	_ =	swait.ge @!p0 [sflag:s8], $0x0  }
0x24: {  	s3 =	sadd.s32 $0x88, s3;
	s6 =	simm.s32 @!p1 $0x1082;
	[sflag:s4] =	ssyncset.s32 $0xFFFFF086  }
0x25: {  	[simem:s6], [sflag:s4] =	dma.local [hbm:s3], $0xF7A  }
0x26: {  	[smem:$0x3F93] =	sst s1;
	(tag) =	ssettag s2;
	_ =	strace s9  }
0x27: {  	s1 =	sld [smem:$0x3FA3]  }
0x28: {  	s2 =	sld [smem:$0x3FA4]  }
0x29: {  	s4 =	sld [smem:$0x3FA6]  }
0x2a: {  	p0 =	seq.s32 s5, $0x0;
	s5 =	sld [smem:$0x3FA7]  }
0x2b: {  	s6 =	sld [smem:$0x3FA8]  }
0x2c: {  	s7 =	sld [smem:$0x3FA9]  }
0x2d: {  	s3 =	simm.s32 $0x108;
	s8 =	sld [smem:$0x3FAA]  }
0x2e: {  	s3 =	simm.s32 @!p0 $0x1082;
	s9 =	sld [smem:$0x3FAB]  }
0x2f: {  	lr =	sadd.s32 s0, s3;
	s0 =	sld [smem:$0x3FA2]  }
0x30: {  	s3 =	sld [smem:$0x3FA5]  }
0x31: {  	[smem:$0x3FAE] =	sst s10  }
0x32: {  	s10 =	sld [smem:$0x3FAC];
	_ =	sdelay $0x3  }
0x33: {  	p0 =	seq.s32 s10, $0x1;
	s10 =	sld [smem:$0x3FAE];
	_ =	sdelay $0x3  }
0x34: {  	[smem:$0x3FAE] =	sst s10  }
0x35: {  	s10 =	sld [smem:$0x3FAD];
	_ =	sdelay $0x3  }
0x36: {  	p1 =	seq.s32 s10, $0x1;
	s10 =	sld [smem:$0x3FAE];
	_ =	sdelay $0x3  }
0x37: {  	[smem:$0x3FAE] =	sst s10  }
0x38: {  	s10 =	sld [smem:$0x3FAF]  }
0x39: {  	_ = 	snop;
	(pc) =	sbr.ind lr, $3  }
0x3a: {  	_ = 	snop  }
0x3b: {  	_ = 	snop  }
0x3c: {  	p2 =	seq.s32 s10, $0x1;
	s10 =	sld [smem:$0x3FAE]  }
0x3d: {  	_ =	shalt  }
0x3e: {  	_ =	shalt  }
0x3f: {  	_ =	shalt  }
0x40: {  	_ =	shalt  }
0x41: {  	_ =	shalt  }
0x42: {  	_ =	shalt  }
0x43: {  	_ =	shalt  }
0x44: {  	_ =	shalt  }
0x45: {  	_ =	shalt  }
0x46: {  	_ =	shalt  }
0x47: {  	_ =	shalt  }
0x48: {  	_ =	shalt  }
0x49: {  	_ =	shalt  }
0x4a: {  	_ =	shalt  }
0x4b: {  	_ =	shalt  }
0x4c: {  	_ =	shalt  }
0x4d: {  	_ =	shalt  }
0x4e: {  	_ =	shalt  }
0x4f: {  	_ =	shalt  }
0x50: {  	_ =	shalt  }
0x51: {  	_ =	shalt  }
0x52: {  	_ =	shalt  }
0x53: {  	_ =	shalt  }
0x54: {  	_ =	shalt  }
0x55: {  	_ =	shalt  }
0x56: {  	_ =	shalt  }
0x57: {  	_ =	shalt  }
0x58: {  	_ =	shalt  }
0x59: {  	_ =	shalt  }
0x5a: {  	_ =	shalt  }
0x5b: {  	_ =	shalt  }
0x5c: {  	_ =	shalt  }
0x5d: {  	_ =	shalt  }
0x5e: {  	_ =	shalt  }
0x5f: {  	_ =	shalt  }
0x60: {  	_ =	shalt  }
0x61: {  	_ =	shalt  }
0x62: {  	_ =	shalt  }
0x63: {  	_ =	shalt  }
0x64: {  	_ =	shalt  }
0x65: {  	_ =	shalt  }
0x66: {  	_ =	shalt  }
0x67: {  	_ =	shalt  }
0x68: {  	_ =	shalt  }
0x69: {  	_ =	shalt  }
0x6a: {  	_ =	shalt  }
0x6b: {  	_ =	shalt  }
0x6c: {  	_ =	shalt  }
0x6d: {  	_ =	shalt  }
0x6e: {  	_ =	shalt  }
0x6f: {  	_ =	shalt  }
0x70: {  	_ =	shalt  }
0x71: {  	_ =	shalt  }
0x72: {  	_ =	shalt  }
0x73: {  	_ =	shalt  }
0x74: {  	_ =	shalt  }
0x75: {  	_ =	shalt  }
0x76: {  	_ =	shalt  }
0x77: {  	_ =	shalt  }
0x78: {  	_ =	shalt  }
0x79: {  	_ =	shalt  }
0x7a: {  	_ =	shalt  }
0x7b: {  	_ =	shalt  }
0x7c: {  	_ =	shalt  }
0x7d: {  	_ =	shalt  }
0x7e: {  	_ =	shalt  }
0x7f: {  	_ =	shalt  }
0x80: {  	_ =	shalt  }
0x81: {  	_ =	shalt  }
0x82: {  	_ =	shalt  }
0x83: {  	_ =	shalt  }
0x84: {  	_ =	shalt  }
0x85: {  	_ =	shalt  }
0x86: {  	_ =	shalt  }
0x87: {  	_ =	shalt  }
.Lfunc_end0:
.L_simem_size_0:
called_computation.1_lowered:
.L_overlay_start_0:
0x88: {  	s2 =	sld [smem:$0x3FD9]  }
0x89: {  	s3 =	sld [smem:$0x3FFE];
	_ =	sdelay $0x1  }
0x8a: {  	s1 =	srdreg.scid  }
0x8b: {  	s0 =	sand.u32 $0x1, s1  }
0x8c: {  	s16 =	sshll.u32 s0, $0xA;
	s2 =	sadd.s32 s3, s2  }
0x8d: {  	s2 =	sadd.s32 s2, s16  }
0x8e: {  	[smem:$0x3FBA] =	sst s2  }
0x8f: {  	_ = 	snop  }
0x90: {  	(tm) =	ssettm $0x1  }
0x91: {  	s17 =	sld [smem:$0x3FFB];
	_ =	sdelay $0x3  }
0x92: {  	_ =	strace s17  }
0x93: {  	s2 =	sld [smem:$0x3FFC];
	_ =	sdelay $0x3  }
0x94: {  	_ =	strace s2  }
0x95: {  	s2 =	sld [smem:$0x3FFD];
	_ =	sdelay $0x3  }
0x96: {  	_ =	strace s2  }
0x97: {  	_ =	strace $0x8FFFFFFF  }
0x98: {  	s18 =	sld [smem:$0x3FDB];
	_ =	sdelay $0x1  }
0x99: {  	s19 =	simm.s32 $_scs_section_size  }
0x9a: {  	s4 =	simm.s32 $_size__tile_overlayer_lowered;
	s5 =	simm.s32 $_tile_overlayer_lowered  }
0x9b: {  	s22 =	simm.s32 $0x1BFF;
	s21 =	sshll.u32 s5, $0x1;
	s2 =	sadd.s32 s19, s18  }
0x9c: {  	s6 =	simm.s32 $0x0;
	s20 =	sshll.u32 s4, $0x1;
	s4 =	sadd.s32 s21, s2  }
0x9d: {  	[timem:s6], [sflag:s22] =	dma.local [hbm:s4], s20  }
0x9e: {  	_ =	swait.ge [sflag:s22], s20  }
0x9f: {  	s3 =	ssub.s32 $0x0, s20;
	[sflag:s22] =	ssyncset.done $0x0  }
0xa0: {  	[sflag:s22] =	ssyncadd.s32 s3;
	_ =	sdelay $0x1  }
0xa1: {  	s23 =	simm.s32 $0x1B8B  }
0xa2: {  	_ =	swait.ge [sflag:s23], $0x1  }
0xa3: {  	[sflag:s23] =	ssyncset.done $0x0  }
0xa4: {  	s25 =	simm.s32 $0x1B8E;
	s24 =	sld [smem:$0x3FFE];
	[sflag:s23] =	ssyncadd.s32 $0xFFFFFFFF  }
0xa5: {  	s26 =	simm.s32 $execute0_lowered;
	[smem:$0x3FD2] =	sst s25  }
0xa6: {  	s4 =	sshll.u32 s26, $0x1;
	_ =	strace $0x80000049;
	[dreg:$0x1] =	wrdreg $0xFFFFFFFF  }
0xa7: {  	s28 =	simm.s32 $_size_execute0_lowered;
	s2 =	sadd.s32 s2, s4;
	[dreg:$0x0] =	wrdreg $0x0  }
0xa8: {  	s4 =	sshll.u32 s28, $0x1;
	[dreg:$0x2] =	wrdreg s2  }
0xa9: {  	[dreg:$0x3] =	wrdreg s4  }
0xaa: {  	[dreg:$0x4] =	wrdreg $0xC0  }
0xab: {  	_ =	task [dreg:s6], $0x5FFFF  }
0xac: {  	[dreg:$0x1] =	wrdreg $0xFFFFFFFF  }
0xad: {  	[dreg:$0x0] =	wrdreg $0x60  }
0xae: {  	[dreg:$0x2] =	wrdreg s24  }
0xaf: {  	[dreg:$0x3] =	wrdreg $0x9  }
0xb0: {  	_ =	task.clear_ibuf [dreg:s6], $0x4FFFF;
	_ =	strace $0x90000049  }
0xb1: {  	s29 =	simm.s32 $0x9;
	_ =	strace $0x8000004B  }
0xb2: {  	_ =	swait.ge [sflag:s29], $0x1  }
0xb3: {  	[sflag:s29] =	ssyncadd.s32 $0xFFFFFFFF  }
0xb4: {  	_ =	strace $0x9000004B  }
0xb5: {  	_ =	sfence  }
0xb6: {  	s30 =	sld [smem:$0x0];
	_ =	sdelay $0x2  }
0xb7: {  	s31 =	sshll.u32 s1, $0xD;
	s1 =	sshrl.u32 s1, $0x2  }
0xb8: {  	s3 =	sand.u32 $0x4000, s31;
	s1 =	sadd.s32 s1, s30  }
0xb9: {  	s0 =	sor.u32 s3, s0;
	s1 =	sshll.u32 s1, $0x11  }
0xba: {  	s0 =	sor.u32 s1, s0  }
0xbb: {  	s0 =	sadd.s32 $0x8F2B, s0  }
0xbc: {  	[sflag:s0] =	ssyncadd.remote.s32 $0x1  }
0xbd: {  	_ =	sfence.sel $0xFFFF  }
0xbe: {  	[dreg:$0x0] =	wrdreg $0xFFFFFFFF;
	(pc) =	sbr.abs _section_cstart, $3  }
0xbf: {  	[dreg:$0x1] =	wrdreg $0xFFFFFFFF  }
0xc0: {  	_ =	task.clear_ibuf [dreg:s6], $0x2FFFF;
	_ =	strace $0x9FFFFFFF  }
0xc1: {  	(tm) =	ssettm $0x7FFFFFFF  }
tec
execute0_lowered:
.L_overlay_start_1:
0x0: {  	(tag) =	ssettag $0x1  }
0x1: {  	s0 =	rddreg [dreg:$0x0]  }
0x2: {  	s1 =	srdreg.scid;
	s3 =	stileid.u32  }
0x3: {  	s2 =	simm.s32 $0x0;
	s16 =	simm.s32 $0x1;
	s22 =	simm.s32 $0x3  }
0x4: {  	s23 =	simm.s32 $0x2;
	s15 =	simm.s32 $0x400;
	s1 =	sand.u32 $0x1, s1  }
0x5: {  	s3 =	sshll.u32 s3, $0x1;
	[smem:$0x7FF] =	sst s2;
	s5 =	sadd.s32 $0x388000, s0  }
0x6: {  	s11 =	sadd.s32 $0x508700, s0;
	s4 =	sor.u32 s1, s3;
	_ =	strace $0x8000004A  }
0x7: {  	s1 =	ssub.s32 $0x2, s1;
	s3 =	sshll.u32 s4, $0x7;
	s7 =	smul.u32 $0xC000, s4  }
0x8: {  	s8 =	sshrl.u32 s1, $0x1;
	s4 =	smul.u32 $0x60000, s4;
	s6 =	sadd.s32 s3, s0  }
0x9: {  	s3 =	sadd.s32 $0x508000, s0;
	s1 =	ssub.s32 s1, s8;
	s6 =	sadd.s32 $0x1000, s6  }
0xa: {  	s8 =	sadd.s32 $0x508400, s0;
	s7 =	sadd.s32 s5, s7;
	[dreg:$0x2] =	wrdreg s6  }
0xb: {  	s4 =	sshrl.u32 s4, $0x3;
	s28 =	sadd.s32 $0x1800, s7;
	[dreg:$0xa] =	wrdreg s7  }
0xc: {  	s29 =	sadd.s32 $0x3000, s7;
	s4 =	sadd.s32 s5, s4;
	[dreg:$0x3] =	wrdreg s28  }
0xd: {  	s12 =	smax.u32 s1, $0x1;
	[dreg:$0x4] =	wrdreg s29;
	s30 =	sadd.s32 $0x4800, s4  }
0xe: {  	s5 =	sadd.s32 $0x508100, s0;
	s31 =	sadd.s32 $0x6000, s4;
	[dreg:$0x5] =	wrdreg s30  }
0xf: {  	s6 =	sadd.s32 $0x508200, s0;
	s9 =	sadd.s32 $0x7800, s4;
	[dreg:$0x6] =	wrdreg s31  }
0x10: {  	v2 =	vlaneseq.u32;
	s7 =	sadd.s32 $0x508300, s0;
	s10 =	sadd.s32 $0x9000, s4;
	[dreg:$0x7] =	wrdreg s9  }
0x11: {  	vm0 =	vmmov $0xffff;
	v1 =	vshrl.u32 v2, $0x3;
	s4 =	sadd.s32 $0xA800, s4;
	s9 =	sadd.s32 $0x508500, s0;
	[dreg:$0x8] =	wrdreg s10  }
0x12: {  	v0 =	vand.u32 $0x7, v2;
	v2 =	vor.u32 $0x8, v2;
	v1 =	vmul.u32 $0x8, v1;
	s10 =	sadd.s32 $0x508600, s0;
	[dreg:$0x9] =	wrdreg s4;
	s0 =	simm.s32 $0x4  }
.LBB2_1:
0x13: {  	s1 =	rddreg [dreg:$0x2];
	s21 =	simm.s32 $0x5  }
0x14: {  	[tilespmem:s2], [sflag:$0x5] =	stream.linear.gather [hbm4b:s1+s2], $0x400, $0x38;
	[tilespmem:$0x18400] =	vst v63  }
0x15: {  	_ =	swait.ge [sflag:s21], $0x400  }
0x16: {  	[sflag:s21] =	ssyncset.done $0x0  }
0x17: {  	s4 =	rddreg [dreg:$0xa];
	[sflag:s21] =	ssyncadd.s32 $0xFFFFFC00  }
0x18: {  	[tilespmem:s15], [sflag:$0x1] =	stream.linear.gather [hbm4b:s4+s2], $0xC000, $0x38;
	[tilespmem:$0x18400] =	vst v63  }
0x19: {  	s24 =	rddreg [dreg:$0x3];
	s4 =	simm.s32 $0xC400  }
0x1a: {  	[tilespmem:s4], [sflag:$0x2] =	stream.linear.gather [hbm4b:s24+s2], $0xC000, $0x38;
	[tilespmem:$0x18400] =	vst v63  }
0x1b: {  	_ =	swait.ge [sflag:s16], $0xC000  }
0x1c: {  	[sflag:s16] =	ssyncset.done $0x0  }
0x1d: {  	[sflag:s16] =	ssyncadd.s32 $0xFFFF4000  }
0x1e: {  	v3 =	vld [tilespmem:$0x0];
	_ =	sdelay $0x4  }
0x1f: {  	v4 =	vshll.u32 v3, $0x4  }
0x20: {  	v3 =	vand.u32 $0x7, v3;
	v4 =	vand.u32 $0xFFFFFF80, v4  }
0x21: {  	v3 =	vor.u32 v3, v4  }
0x22: {  	v4 =	vperm.xlane v3, v0;
	_ =	sdelay $0x1  }
0x23: {  	v4 =	vadd.s32 v1, v4;
	_ =	sdelay $0x4  }
0x24: {  	[hbm4b:s3+s2] =	stream.indirect_vreg.scatter [tilespmem:s15], [sflag:$0x3], $0x80, v4, vm0, $0xb8;
	[tilespmem:$0x18400] =	vst v63  }
0x25: {  	s25 =	simm.s32 $0xC00  }
0x26: {  	[hbm4b:s5+s2] =	stream.indirect_vreg.scatter [tilespmem:s25], [sflag:$0x3], $0x80, v4, vm0, $0xb8;
	[tilespmem:$0x18400] =	vst v63  }
0x27: {  	s26 =	simm.s32 $0x1400  }
0x28: {  	[hbm4b:s6+s2] =	stream.indirect_vreg.scatter [tilespmem:s26], [sflag:$0x3], $0x80, v4, vm0, $0xb8;
	[tilespmem:$0x18400] =	vst v63  }
0x29: {  	s28 =	simm.s32 $0x1C00  }
0x2a: {  	[hbm4b:s7+s2] =	stream.indirect_vreg.scatter [tilespmem:s28], [sflag:$0x3], $0x80, v4, vm0, $0xb8;
	[tilespmem:$0x18400] =	vst v63  }
0x2b: {  	s29 =	simm.s32 $0x2400  }
0x2c: {  	[hbm4b:s8+s2] =	stream.indirect_vreg.scatter [tilespmem:s29], [sflag:$0x3], $0x80, v4, vm0, $0xb8;
	[tilespmem:$0x18400] =	vst v63  }
0x2d: {  	s30 =	simm.s32 $0x2C00;
	v3 =	vperm.xlane v3, v2  }
0x2e: {  	[hbm4b:s9+s2] =	stream.indirect_vreg.scatter [tilespmem:s30], [sflag:$0x3], $0x80, v4, vm0, $0xb8;
	[tilespmem:$0x18400] =	vst v63  }
0x2f: {  	s31 =	simm.s32 $0x3400;
	v3 =	vadd.s32 v1, v3  }
0x30: {  	[hbm4b:s10+s2] =	stream.indirect_vreg.scatter [tilespmem:s31], [sflag:$0x3], $0x80, v4, vm0, $0xb8;
	[tilespmem:$0x18400] =	vst v63  }
0x31: {  	s14 =	simm.s32 $0x3C00  }
0x32: {  	[hbm4b:s11+s2] =	stream.indirect_vreg.scatter [tilespmem:s14], [sflag:$0x3], $0x80, v4, vm0, $0xb8;
	[tilespmem:$0x18400] =	vst v63  }
0x33: {  	s17 =	simm.s32 $0x4400  }
0x34: {  	[hbm4b:s3+s2] =	stream.indirect_vreg.scatter [tilespmem:s17], [sflag:$0x3], $0x80, v3, vm0, $0xb8;
	[tilespmem:$0x18400] =	vst v63  }
0x35: {  	s18 =	simm.s32 $0x4C00  }
0x36: {  	[hbm4b:s5+s2] =	stream.indirect_vreg.scatter [tilespmem:s18], [sflag:$0x3], $0x80, v3, vm0, $0xb8;
	[tilespmem:$0x18400] =	vst v63  }
0x37: {  	s19 =	simm.s32 $0x5400  }
0x38: {  	[hbm4b:s6+s2] =	stream.indirect_vreg.scatter [tilespmem:s19], [sflag:$0x3], $0x80, v3, vm0, $0xb8;
	[tilespmem:$0x18400] =	vst v63  }
0x39: {  	s20 =	simm.s32 $0x5C00  }
0x3a: {  	[hbm4b:s7+s2] =	stream.indirect_vreg.scatter [tilespmem:s20], [sflag:$0x3], $0x80, v3, vm0, $0xb8;
	[tilespmem:$0x18400] =	vst v63  }
0x3b: {  	s21 =	simm.s32 $0x6400  }
0x3c: {  	[hbm4b:s8+s2] =	stream.indirect_vreg.scatter [tilespmem:s21], [sflag:$0x3], $0x80, v3, vm0, $0xb8;
	[tilespmem:$0x18400] =	vst v63  }
0x3d: {  	s31 =	simm.s32 $0x6C00  }
0x3e: {  	[hbm4b:s9+s2] =	stream.indirect_vreg.scatter [tilespmem:s31], [sflag:$0x3], $0x80, v3, vm0, $0xb8;
	[tilespmem:$0x18400] =	vst v63  }
0x3f: {  	s14 =	simm.s32 $0x7400  }
0x40: {  	[hbm4b:s10+s2] =	stream.indirect_vreg.scatter [tilespmem:s14], [sflag:$0x3], $0x80, v3, vm0, $0xb8;
	[tilespmem:$0x18400] =	vst v63  }
0x41: {  	s17 =	simm.s32 $0x7C00  }
0x42: {  	[hbm4b:s11+s2] =	stream.indirect_vreg.scatter [tilespmem:s17], [sflag:$0x3], $0x80, v3, vm0, $0xb8;
	[tilespmem:$0x18400] =	vst v63  }
0x43: {  	v3 =	vld.msk [tilespmem:$0x10], $0xff;
	_ =	sdelay $0x4  }
0x44: {  	v49 =	vshll.u32 v3, $0x4  }
0x45: {  	v3 =	vand.u32 $0x7, v3;
	v4 =	vand.u32 $0xFFFFFF80, v49  }
0x46: {  	v3 =	vor.u32 v3, v4  }
0x47: {  	v3 =	vperm.xlane v3, v0;
	_ =	sdelay $0x1  }
0x48: {  	v3 =	vadd.s32 v1, v3;
	_ =	sdelay $0x3  }
0x49: {  	s18 =	simm.s32 $0x8400  }
0x4a: {  	[hbm4b:s3+s2] =	stream.indirect_vreg.scatter [tilespmem:s18], [sflag:$0x3], $0x80, v3, vm0, $0xb8;
	[tilespmem:$0x18400] =	vst v63  }
0x4b: {  	s19 =	simm.s32 $0x8C00  }
0x4c: {  	[hbm4b:s5+s2] =	stream.indirect_vreg.scatter [tilespmem:s19], [sflag:$0x3], $0x80, v3, vm0, $0xb8;
	[tilespmem:$0x18400] =	vst v63  }
0x4d: {  	s20 =	simm.s32 $0x9400  }
0x4e: {  	[hbm4b:s6+s2] =	stream.indirect_vreg.scatter [tilespmem:s20], [sflag:$0x3], $0x80, v3, vm0, $0xb8;
	[tilespmem:$0x18400] =	vst v63  }
0x4f: {  	s21 =	simm.s32 $0x9C00  }
0x50: {  	[hbm4b:s7+s2] =	stream.indirect_vreg.scatter [tilespmem:s21], [sflag:$0x3], $0x80, v3, vm0, $0xb8;
	[tilespmem:$0x18400] =	vst v63  }
0x51: {  	s31 =	simm.s32 $0xA400  }
0x52: {  	[hbm4b:s8+s2] =	stream.indirect_vreg.scatter [tilespmem:s31], [sflag:$0x3], $0x80, v3, vm0, $0xb8;
	[tilespmem:$0x18400] =	vst v63  }
0x53: {  	s17 =	simm.s32 $0xAC00  }
0x54: {  	[hbm4b:s9+s2] =	stream.indirect_vreg.scatter [tilespmem:s17], [sflag:$0x3], $0x80, v3, vm0, $0xb8;
	[tilespmem:$0x18400] =	vst v63  }
0x55: {  	s18 =	simm.s32 $0xB400  }
0x56: {  	[hbm4b:s10+s2] =	stream.indirect_vreg.scatter [tilespmem:s18], [sflag:$0x3], $0x80, v3, vm0, $0xb8;
	[tilespmem:$0x18400] =	vst v63  }
0x57: {  	s19 =	simm.s32 $0xBC00  }
0x58: {  	[hbm4b:s11+s2] =	stream.indirect_vreg.scatter [tilespmem:s19], [sflag:$0x3], $0x80, v3, vm0, $0xb8;
	[tilespmem:$0x18400] =	vst v63  }
0x59: {  	_ =	swait.ge [sflag:s22], $0xC000  }
0x5a: {  	[sflag:s22] =	ssyncset.done $0x0  }
0x5b: {  	s20 =	rddreg [dreg:$0x4];
	[sflag:s22] =	ssyncadd.s32 $0xFFFF4000  }
0x5c: {  	[tilespmem:s15], [sflag:$0x1] =	stream.linear.gather [hbm4b:s20+s2], $0xC000, $0x38;
	[tilespmem:$0x18400] =	vst v63  }
0x5d: {  	_ =	swait.ge [sflag:s23], $0xC000  }
0x5e: {  	[sflag:s23] =	ssyncset.done $0x0  }
0x5f: {  	[sflag:s23] =	ssyncadd.s32 $0xFFFF4000  }
0x60: {  	v3 =	vld [tilespmem:$0x80];
	_ =	sdelay $0x4  }
0x61: {  	v50 =	vshll.u32 v3, $0x4  }
0x62: {  	v3 =	vand.u32 $0x7, v3;
	v4 =	vand.u32 $0xFFFFFF80, v50  }
0x63: {  	v3 =	vor.u32 v3, v4  }
0x64: {  	v4 =	vperm.xlane v3, v0;
	_ =	sdelay $0x1  }
0x65: {  	v4 =	vadd.s32 v1, v4;
	_ =	sdelay $0x4  }
0x66: {  	[hbm4b:s3+s2] =	stream.indirect_vreg.scatter [tilespmem:s4], [sflag:$0x4], $0x80, v4, vm0, $0xb8;
	[tilespmem:$0x18400] =	vst v63  }
0x67: {  	s21 =	simm.s32 $0xCC00  }
0x68: {  	[hbm4b:s5+s2] =	stream.indirect_vreg.scatter [tilespmem:s21], [sflag:$0x4], $0x80, v4, vm0, $0xb8;
	[tilespmem:$0x18400] =	vst v63  }
0x69: {  	s31 =	simm.s32 $0xD400  }
0x6a: {  	[hbm4b:s6+s2] =	stream.indirect_vreg.scatter [tilespmem:s31], [sflag:$0x4], $0x80, v4, vm0, $0xb8;
	[tilespmem:$0x18400] =	vst v63  }
0x6b: {  	s18 =	simm.s32 $0xDC00  }
0x6c: {  	[hbm4b:s7+s2] =	stream.indirect_vreg.scatter [tilespmem:s18], [sflag:$0x4], $0x80, v4, vm0, $0xb8;
	[tilespmem:$0x18400] =	vst v63  }
0x6d: {  	s19 =	simm.s32 $0xE400  }
0x6e: {  	[hbm4b:s8+s2] =	stream.indirect_vreg.scatter [tilespmem:s19], [sflag:$0x4], $0x80, v4, vm0, $0xb8;
	[tilespmem:$0x18400] =	vst v63  }
0x6f: {  	s20 =	simm.s32 $0xEC00;
	v3 =	vperm.xlane v3, v2  }
0x70: {  	[hbm4b:s9+s2] =	stream.indirect_vreg.scatter [tilespmem:s20], [sflag:$0x4], $0x80, v4, vm0, $0xb8;
	[tilespmem:$0x18400] =	vst v63  }
0x71: {  	v3 =	vadd.s32 v1, v3;
	s21 =	simm.s32 $0xF400  }
0x72: {  	[hbm4b:s10+s2] =	stream.indirect_vreg.scatter [tilespmem:s21], [sflag:$0x4], $0x80, v4, vm0, $0xb8;
	[tilespmem:$0x18400] =	vst v63  }
0x73: {  	s31 =	simm.s32 $0xFC00  }
0x74: {  	[hbm4b:s11+s2] =	stream.indirect_vreg.scatter [tilespmem:s31], [sflag:$0x4], $0x80, v4, vm0, $0xb8;
	[tilespmem:$0x18400] =	vst v63  }
0x75: {  	s20 =	simm.s32 $0x10400  }
0x76: {  	[hbm4b:s3+s2] =	stream.indirect_vreg.scatter [tilespmem:s20], [sflag:$0x4], $0x80, v3, vm0, $0xb8;
	[tilespmem:$0x18400] =	vst v63  }
0x77: {  	s21 =	simm.s32 $0x10C00  }
0x78: {  	[hbm4b:s5+s2] =	stream.indirect_vreg.scatter [tilespmem:s21], [sflag:$0x4], $0x80, v3, vm0, $0xb8;
	[tilespmem:$0x18400] =	vst v63  }
0x79: {  	s31 =	simm.s32 $0x11400  }
0x7a: {  	[hbm4b:s6+s2] =	stream.indirect_vreg.scatter [tilespmem:s31], [sflag:$0x4], $0x80, v3, vm0, $0xb8;
	[tilespmem:$0x18400] =	vst v63  }
0x7b: {  	s20 =	simm.s32 $0x11C00  }
0x7c: {  	[hbm4b:s7+s2] =	stream.indirect_vreg.scatter [tilespmem:s20], [sflag:$0x4], $0x80, v3, vm0, $0xb8;
	[tilespmem:$0x18400] =	vst v63  }
0x7d: {  	s21 =	simm.s32 $0x12400  }
0x7e: {  	[hbm4b:s8+s2] =	stream.indirect_vreg.scatter [tilespmem:s21], [sflag:$0x4], $0x80, v3, vm0, $0xb8;
	[tilespmem:$0x18400] =	vst v63  }
0x7f: {  	s31 =	simm.s32 $0x12C00  }
0x80: {  	[hbm4b:s9+s2] =	stream.indirect_vreg.scatter [tilespmem:s31], [sflag:$0x4], $0x80, v3, vm0, $0xb8;
	[tilespmem:$0x18400] =	vst v63  }
0x81: {  	s20 =	simm.s32 $0x13400  }
0x82: {  	[hbm4b:s10+s2] =	stream.indirect_vreg.scatter [tilespmem:s20], [sflag:$0x4], $0x80, v3, vm0, $0xb8;
	[tilespmem:$0x18400] =	vst v63  }
0x83: {  	s21 =	simm.s32 $0x13C00  }
0x84: {  	[hbm4b:s11+s2] =	stream.indirect_vreg.scatter [tilespmem:s21], [sflag:$0x4], $0x80, v3, vm0, $0xb8;
	[tilespmem:$0x18400] =	vst v63  }
0x85: {  	v3 =	vld.msk [tilespmem:$0x90], $0xff;
	_ =	sdelay $0x4  }
0x86: {  	v51 =	vshll.u32 v3, $0x4  }
0x87: {  	v3 =	vand.u32 $0x7, v3;
	v4 =	vand.u32 $0xFFFFFF80, v51  }
0x88: {  	v3 =	vor.u32 v3, v4  }
0x89: {  	v3 =	vperm.xlane v3, v0;
	_ =	sdelay $0x1  }
0x8a: {  	v3 =	vadd.s32 v1, v3;
	_ =	sdelay $0x3  }
0x8b: {  	s31 =	simm.s32 $0x14400  }
0x8c: {  	[hbm4b:s3+s2] =	stream.indirect_vreg.scatter [tilespmem:s31], [sflag:$0x4], $0x80, v3, vm0, $0xb8;
	[tilespmem:$0x18400] =	vst v63  }
0x8d: {  	s21 =	simm.s32 $0x14C00  }
0x8e: {  	[hbm4b:s5+s2] =	stream.indirect_vreg.scatter [tilespmem:s21], [sflag:$0x4], $0x80, v3, vm0, $0xb8;
	[tilespmem:$0x18400] =	vst v63  }
0x8f: {  	s31 =	simm.s32 $0x15400  }
0x90: {  	[hbm4b:s6+s2] =	stream.indirect_vreg.scatter [tilespmem:s31], [sflag:$0x4], $0x80, v3, vm0, $0xb8;
	[tilespmem:$0x18400] =	vst v63  }
0x91: {  	s21 =	simm.s32 $0x15C00  }
0x92: {  	[hbm4b:s7+s2] =	stream.indirect_vreg.scatter [tilespmem:s21], [sflag:$0x4], $0x80, v3, vm0, $0xb8;
	[tilespmem:$0x18400] =	vst v63  }
0x93: {  	s31 =	simm.s32 $0x16400  }
0x94: {  	[hbm4b:s8+s2] =	stream.indirect_vreg.scatter [tilespmem:s31], [sflag:$0x4], $0x80, v3, vm0, $0xb8;
	[tilespmem:$0x18400] =	vst v63  }
0x95: {  	s21 =	simm.s32 $0x16C00  }
0x96: {  	[hbm4b:s9+s2] =	stream.indirect_vreg.scatter [tilespmem:s21], [sflag:$0x4], $0x80, v3, vm0, $0xb8;
	[tilespmem:$0x18400] =	vst v63  }
0x97: {  	s31 =	simm.s32 $0x17400  }
0x98: {  	[hbm4b:s10+s2] =	stream.indirect_vreg.scatter [tilespmem:s31], [sflag:$0x4], $0x80, v3, vm0, $0xb8;
	[tilespmem:$0x18400] =	vst v63  }
0x99: {  	s21 =	simm.s32 $0x17C00  }
0x9a: {  	[hbm4b:s11+s2] =	stream.indirect_vreg.scatter [tilespmem:s21], [sflag:$0x4], $0x80, v3, vm0, $0xb8;
	[tilespmem:$0x18400] =	vst v63  }
0x9b: {  	_ =	swait.ge [sflag:s0], $0xC000  }
0x9c: {  	[sflag:s0] =	ssyncset.done $0x0  }
0x9d: {  	s31 =	rddreg [dreg:$0x5];
	[sflag:s0] =	ssyncadd.s32 $0xFFFF4000  }
0x9e: {  	[tilespmem:s4], [sflag:$0x2] =	stream.linear.gather [hbm4b:s31+s2], $0xC000, $0x38;
	[tilespmem:$0x18400] =	vst v63  }
0x9f: {  	_ =	swait.ge [sflag:s16], $0xC000  }
0xa0: {  	[sflag:s16] =	ssyncset.done $0x0  }
0xa1: {  	[sflag:s16] =	ssyncadd.s32 $0xFFFF4000  }
0xa2: {  	v3 =	vld [tilespmem:$0x100];
	_ =	sdelay $0x4  }
0xa3: {  	v52 =	vshll.u32 v3, $0x4  }
0xa4: {  	v3 =	vand.u32 $0x7, v3;
	v4 =	vand.u32 $0xFFFFFF80, v52  }
0xa5: {  	v3 =	vor.u32 v3, v4  }
0xa6: {  	v4 =	vperm.xlane v3, v0;
	_ =	sdelay $0x1  }
0xa7: {  	v4 =	vadd.s32 v1, v4;
	_ =	sdelay $0x4  }
0xa8: {  	[hbm4b:s3+s2] =	stream.indirect_vreg.scatter [tilespmem:s15], [sflag:$0x3], $0x80, v4, vm0, $0xb8;
	[tilespmem:$0x18400] =	vst v63  }
0xa9: {  	s24 =	simm.s32 $0xC00  }
0xaa: {  	[hbm4b:s5+s2] =	stream.indirect_vreg.scatter [tilespmem:s24], [sflag:$0x3], $0x80, v4, vm0, $0xb8;
	[tilespmem:$0x18400] =	vst v63  }
0xab: {  	s25 =	simm.s32 $0x1400  }
0xac: {  	[hbm4b:s6+s2] =	stream.indirect_vreg.scatter [tilespmem:s25], [sflag:$0x3], $0x80, v4, vm0, $0xb8;
	[tilespmem:$0x18400] =	vst v63  }
0xad: {  	s26 =	simm.s32 $0x1C00  }
0xae: {  	[hbm4b:s7+s2] =	stream.indirect_vreg.scatter [tilespmem:s26], [sflag:$0x3], $0x80, v4, vm0, $0xb8;
	[tilespmem:$0x18400] =	vst v63  }
0xaf: {  	s28 =	simm.s32 $0x2400  }
0xb0: {  	[hbm4b:s8+s2] =	stream.indirect_vreg.scatter [tilespmem:s28], [sflag:$0x3], $0x80, v4, vm0, $0xb8;
	[tilespmem:$0x18400] =	vst v63  }
0xb1: {  	s13 =	simm.s32 $0x2C00;
	v3 =	vperm.xlane v3, v2  }
0xb2: {  	[hbm4b:s9+s2] =	stream.indirect_vreg.scatter [tilespmem:s13], [sflag:$0x3], $0x80, v4, vm0, $0xb8;
	[tilespmem:$0x18400] =	vst v63  }
0xb3: {  	s29 =	simm.s32 $0x3400;
	v3 =	vadd.s32 v1, v3  }
0xb4: {  	[hbm4b:s10+s2] =	stream.indirect_vreg.scatter [tilespmem:s29], [sflag:$0x3], $0x80, v4, vm0, $0xb8;
	[tilespmem:$0x18400] =	vst v63  }
0xb5: {  	s30 =	simm.s32 $0x3C00  }
0xb6: {  	[hbm4b:s11+s2] =	stream.indirect_vreg.scatter [tilespmem:s30], [sflag:$0x3], $0x80, v4, vm0, $0xb8;
	[tilespmem:$0x18400] =	vst v63  }
0xb7: {  	s28 =	simm.s32 $0x4400  }
0xb8: {  	[hbm4b:s3+s2] =	stream.indirect_vreg.scatter [tilespmem:s28], [sflag:$0x3], $0x80, v3, vm0, $0xb8;
	[tilespmem:$0x18400] =	vst v63  }
0xb9: {  	s29 =	simm.s32 $0x4C00  }
0xba: {  	[hbm4b:s5+s2] =	stream.indirect_vreg.scatter [tilespmem:s29], [sflag:$0x3], $0x80, v3, vm0, $0xb8;
	[tilespmem:$0x18400] =	vst v63  }
0xbb: {  	s30 =	simm.s32 $0x5400  }
0xbc: {  	[hbm4b:s6+s2] =	stream.indirect_vreg.scatter [tilespmem:s30], [sflag:$0x3], $0x80, v3, vm0, $0xb8;
	[tilespmem:$0x18400] =	vst v63  }
0xbd: {  	s1 =	simm.s32 $0x5C00  }
0xbe: {  	[hbm4b:s7+s2] =	stream.indirect_vreg.scatter [tilespmem:s1], [sflag:$0x3], $0x80, v3, vm0, $0xb8;
	[tilespmem:$0x18400] =	vst v63  }
0xbf: {  	s1 =	simm.s32 $0x6400  }
0xc0: {  	[hbm4b:s8+s2] =	stream.indirect_vreg.scatter [tilespmem:s1], [sflag:$0x3], $0x80, v3, vm0, $0xb8;
	[tilespmem:$0x18400] =	vst v63  }
0xc1: {  	s1 =	simm.s32 $0x6C00  }
0xc2: {  	[hbm4b:s9+s2] =	stream.indirect_vreg.scatter [tilespmem:s1], [sflag:$0x3], $0x80, v3, vm0, $0xb8;
	[tilespmem:$0x18400] =	vst v63  }
0xc3: {  	s1 =	simm.s32 $0x7400  }
0xc4: {  	[hbm4b:s10+s2] =	stream.indirect_vreg.scatter [tilespmem:s1], [sflag:$0x3], $0x80, v3, vm0, $0xb8;
	[tilespmem:$0x18400] =	vst v63  }
0xc5: {  	s14 =	simm.s32 $0x7C00  }
0xc6: {  	[hbm4b:s11+s2] =	stream.indirect_vreg.scatter [tilespmem:s14], [sflag:$0x3], $0x80, v3, vm0, $0xb8;
	[tilespmem:$0x18400] =	vst v63  }
0xc7: {  	v3 =	vld.msk [tilespmem:$0x110], $0xff;
	_ =	sdelay $0x4  }
0xc8: {  	v53 =	vshll.u32 v3, $0x4  }
0xc9: {  	v3 =	vand.u32 $0x7, v3;
	v4 =	vand.u32 $0xFFFFFF80, v53  }
0xca: {  	v3 =	vor.u32 v3, v4  }
0xcb: {  	v3 =	vperm.xlane v3, v0;
	_ =	sdelay $0x1  }
0xcc: {  	v3 =	vadd.s32 v1, v3;
	_ =	sdelay $0x3  }
0xcd: {  	s14 =	simm.s32 $0x8400  }
0xce: {  	[hbm4b:s3+s2] =	stream.indirect_vreg.scatter [tilespmem:s14], [sflag:$0x3], $0x80, v3, vm0, $0xb8;
	[tilespmem:$0x18400] =	vst v63  }
0xcf: {  	s14 =	simm.s32 $0x8C00  }
0xd0: {  	[hbm4b:s5+s2] =	stream.indirect_vreg.scatter [tilespmem:s14], [sflag:$0x3], $0x80, v3, vm0, $0xb8;
	[tilespmem:$0x18400] =	vst v63  }
0xd1: {  	s14 =	simm.s32 $0x9400  }
0xd2: {  	[hbm4b:s6+s2] =	stream.indirect_vreg.scatter [tilespmem:s14], [sflag:$0x3], $0x80, v3, vm0, $0xb8;
	[tilespmem:$0x18400] =	vst v63  }
0xd3: {  	s14 =	simm.s32 $0x9C00  }
0xd4: {  	[hbm4b:s7+s2] =	stream.indirect_vreg.scatter [tilespmem:s14], [sflag:$0x3], $0x80, v3, vm0, $0xb8;
	[tilespmem:$0x18400] =	vst v63  }
0xd5: {  	s14 =	simm.s32 $0xA400  }
0xd6: {  	[hbm4b:s8+s2] =	stream.indirect_vreg.scatter [tilespmem:s14], [sflag:$0x3], $0x80, v3, vm0, $0xb8;
	[tilespmem:$0x18400] =	vst v63  }
0xd7: {  	s14 =	simm.s32 $0xAC00  }
0xd8: {  	[hbm4b:s9+s2] =	stream.indirect_vreg.scatter [tilespmem:s14], [sflag:$0x3], $0x80, v3, vm0, $0xb8;
	[tilespmem:$0x18400] =	vst v63  }
0xd9: {  	s14 =	simm.s32 $0xB400  }
0xda: {  	[hbm4b:s10+s2] =	stream.indirect_vreg.scatter [tilespmem:s14], [sflag:$0x3], $0x80, v3, vm0, $0xb8;
	[tilespmem:$0x18400] =	vst v63  }
0xdb: {  	s17 =	simm.s32 $0xBC00  }
0xdc: {  	[hbm4b:s11+s2] =	stream.indirect_vreg.scatter [tilespmem:s17], [sflag:$0x3], $0x80, v3, vm0, $0xb8;
	[tilespmem:$0x18400] =	vst v63  }
0xdd: {  	_ =	swait.ge [sflag:s22], $0xC000  }
0xde: {  	[sflag:s22] =	ssyncset.done $0x0  }
0xdf: {  	s14 =	rddreg [dreg:$0x6];
	[sflag:s22] =	ssyncadd.s32 $0xFFFF4000  }
0xe0: {  	[tilespmem:s15], [sflag:$0x1] =	stream.linear.gather [hbm4b:s14+s2], $0xC000, $0x38;
	[tilespmem:$0x18400] =	vst v63  }
0xe1: {  	_ =	swait.ge [sflag:s23], $0xC000  }
0xe2: {  	[sflag:s23] =	ssyncset.done $0x0  }
0xe3: {  	[sflag:s23] =	ssyncadd.s32 $0xFFFF4000  }
0xe4: {  	v3 =	vld [tilespmem:$0x180];
	_ =	sdelay $0x4  }
0xe5: {  	v54 =	vshll.u32 v3, $0x4  }
0xe6: {  	v3 =	vand.u32 $0x7, v3;
	v4 =	vand.u32 $0xFFFFFF80, v54  }
0xe7: {  	v3 =	vor.u32 v3, v4  }
0xe8: {  	v4 =	vperm.xlane v3, v0;
	_ =	sdelay $0x1  }
0xe9: {  	v4 =	vadd.s32 v1, v4;
	_ =	sdelay $0x4  }
0xea: {  	[hbm4b:s3+s2] =	stream.indirect_vreg.scatter [tilespmem:s4], [sflag:$0x4], $0x80, v4, vm0, $0xb8;
	[tilespmem:$0x18400] =	vst v63  }
0xeb: {  	s17 =	simm.s32 $0xCC00  }
0xec: {  	[hbm4b:s5+s2] =	stream.indirect_vreg.scatter [tilespmem:s17], [sflag:$0x4], $0x80, v4, vm0, $0xb8;
	[tilespmem:$0x18400] =	vst v63  }
0xed: {  	s14 =	simm.s32 $0xD400  }
0xee: {  	[hbm4b:s6+s2] =	stream.indirect_vreg.scatter [tilespmem:s14], [sflag:$0x4], $0x80, v4, vm0, $0xb8;
	[tilespmem:$0x18400] =	vst v63  }
0xef: {  	s17 =	simm.s32 $0xDC00  }
0xf0: {  	[hbm4b:s7+s2] =	stream.indirect_vreg.scatter [tilespmem:s17], [sflag:$0x4], $0x80, v4, vm0, $0xb8;
	[tilespmem:$0x18400] =	vst v63  }
0xf1: {  	s18 =	simm.s32 $0xE400  }
0xf2: {  	[hbm4b:s8+s2] =	stream.indirect_vreg.scatter [tilespmem:s18], [sflag:$0x4], $0x80, v4, vm0, $0xb8;
	[tilespmem:$0x18400] =	vst v63  }
0xf3: {  	s19 =	simm.s32 $0xEC00;
	v3 =	vperm.xlane v3, v2  }
0xf4: {  	[hbm4b:s9+s2] =	stream.indirect_vreg.scatter [tilespmem:s19], [sflag:$0x4], $0x80, v4, vm0, $0xb8;
	[tilespmem:$0x18400] =	vst v63  }
0xf5: {  	v3 =	vadd.s32 v1, v3;
	s19 =	simm.s32 $0xF400  }
0xf6: {  	[hbm4b:s10+s2] =	stream.indirect_vreg.scatter [tilespmem:s19], [sflag:$0x4], $0x80, v4, vm0, $0xb8;
	[tilespmem:$0x18400] =	vst v63  }
0xf7: {  	s14 =	simm.s32 $0xFC00  }
0xf8: {  	[hbm4b:s11+s2] =	stream.indirect_vreg.scatter [tilespmem:s14], [sflag:$0x4], $0x80, v4, vm0, $0xb8;
	[tilespmem:$0x18400] =	vst v63  }
0xf9: {  	s19 =	simm.s32 $0x10400  }
0xfa: {  	[hbm4b:s3+s2] =	stream.indirect_vreg.scatter [tilespmem:s19], [sflag:$0x4], $0x80, v3, vm0, $0xb8;
	[tilespmem:$0x18400] =	vst v63  }
0xfb: {  	s14 =	simm.s32 $0x10C00  }
0xfc: {  	[hbm4b:s5+s2] =	stream.indirect_vreg.scatter [tilespmem:s14], [sflag:$0x4], $0x80, v3, vm0, $0xb8;
	[tilespmem:$0x18400] =	vst v63  }
0xfd: {  	s19 =	simm.s32 $0x11400  }
0xfe: {  	[hbm4b:s6+s2] =	stream.indirect_vreg.scatter [tilespmem:s19], [sflag:$0x4], $0x80, v3, vm0, $0xb8;
	[tilespmem:$0x18400] =	vst v63  }
0xff: {  	s14 =	simm.s32 $0x11C00  }
0x100: {  	[hbm4b:s7+s2] =	stream.indirect_vreg.scatter [tilespmem:s14], [sflag:$0x4], $0x80, v3, vm0, $0xb8;
	[tilespmem:$0x18400] =	vst v63  }
0x101: {  	s19 =	simm.s32 $0x12400  }
0x102: {  	[hbm4b:s8+s2] =	stream.indirect_vreg.scatter [tilespmem:s19], [sflag:$0x4], $0x80, v3, vm0, $0xb8;
	[tilespmem:$0x18400] =	vst v63  }
0x103: {  	s14 =	simm.s32 $0x12C00  }
0x104: {  	[hbm4b:s9+s2] =	stream.indirect_vreg.scatter [tilespmem:s14], [sflag:$0x4], $0x80, v3, vm0, $0xb8;
	[tilespmem:$0x18400] =	vst v63  }
0x105: {  	s19 =	simm.s32 $0x13400  }
0x106: {  	[hbm4b:s10+s2] =	stream.indirect_vreg.scatter [tilespmem:s19], [sflag:$0x4], $0x80, v3, vm0, $0xb8;
	[tilespmem:$0x18400] =	vst v63  }
0x107: {  	s20 =	simm.s32 $0x13C00  }
0x108: {  	[hbm4b:s11+s2] =	stream.indirect_vreg.scatter [tilespmem:s20], [sflag:$0x4], $0x80, v3, vm0, $0xb8;
	[tilespmem:$0x18400] =	vst v63  }
0x109: {  	v3 =	vld.msk [tilespmem:$0x190], $0xff;
	_ =	sdelay $0x4  }
0x10a: {  	v55 =	vshll.u32 v3, $0x4  }
0x10b: {  	v3 =	vand.u32 $0x7, v3;
	v4 =	vand.u32 $0xFFFFFF80, v55  }
0x10c: {  	v3 =	vor.u32 v3, v4  }
0x10d: {  	v3 =	vperm.xlane v3, v0;
	_ =	sdelay $0x1  }
0x10e: {  	v3 =	vadd.s32 v1, v3;
	_ =	sdelay $0x3  }
0x10f: {  	s20 =	simm.s32 $0x14400  }
0x110: {  	[hbm4b:s3+s2] =	stream.indirect_vreg.scatter [tilespmem:s20], [sflag:$0x4], $0x80, v3, vm0, $0xb8;
	[tilespmem:$0x18400] =	vst v63  }
0x111: {  	s14 =	simm.s32 $0x14C00  }
0x112: {  	[hbm4b:s5+s2] =	stream.indirect_vreg.scatter [tilespmem:s14], [sflag:$0x4], $0x80, v3, vm0, $0xb8;
	[tilespmem:$0x18400] =	vst v63  }
0x113: {  	s19 =	simm.s32 $0x15400  }
0x114: {  	[hbm4b:s6+s2] =	stream.indirect_vreg.scatter [tilespmem:s19], [sflag:$0x4], $0x80, v3, vm0, $0xb8;
	[tilespmem:$0x18400] =	vst v63  }
0x115: {  	s20 =	simm.s32 $0x15C00  }
0x116: {  	[hbm4b:s7+s2] =	stream.indirect_vreg.scatter [tilespmem:s20], [sflag:$0x4], $0x80, v3, vm0, $0xb8;
	[tilespmem:$0x18400] =	vst v63  }
0x117: {  	s14 =	simm.s32 $0x16400  }
0x118: {  	[hbm4b:s8+s2] =	stream.indirect_vreg.scatter [tilespmem:s14], [sflag:$0x4], $0x80, v3, vm0, $0xb8;
	[tilespmem:$0x18400] =	vst v63  }
0x119: {  	s19 =	simm.s32 $0x16C00  }
0x11a: {  	[hbm4b:s9+s2] =	stream.indirect_vreg.scatter [tilespmem:s19], [sflag:$0x4], $0x80, v3, vm0, $0xb8;
	[tilespmem:$0x18400] =	vst v63  }
0x11b: {  	s20 =	simm.s32 $0x17400  }
0x11c: {  	[hbm4b:s10+s2] =	stream.indirect_vreg.scatter [tilespmem:s20], [sflag:$0x4], $0x80, v3, vm0, $0xb8;
	[tilespmem:$0x18400] =	vst v63  }
0x11d: {  	s21 =	simm.s32 $0x17C00  }
0x11e: {  	[hbm4b:s11+s2] =	stream.indirect_vreg.scatter [tilespmem:s21], [sflag:$0x4], $0x80, v3, vm0, $0xb8;
	[tilespmem:$0x18400] =	vst v63  }
0x11f: {  	_ =	swait.ge [sflag:s0], $0xC000  }
0x120: {  	[sflag:s0] =	ssyncset.done $0x0  }
0x121: {  	s21 =	rddreg [dreg:$0x7];
	[sflag:s0] =	ssyncadd.s32 $0xFFFF4000  }
0x122: {  	[tilespmem:s4], [sflag:$0x2] =	stream.linear.gather [hbm4b:s21+s2], $0xC000, $0x38;
	[tilespmem:$0x18400] =	vst v63  }
0x123: {  	_ =	swait.ge [sflag:s16], $0xC000  }
0x124: {  	[sflag:s16] =	ssyncset.done $0x0  }
0x125: {  	[sflag:s16] =	ssyncadd.s32 $0xFFFF4000  }
0x126: {  	v3 =	vld [tilespmem:$0x200];
	_ =	sdelay $0x4  }
0x127: {  	v56 =	vshll.u32 v3, $0x4  }
0x128: {  	v3 =	vand.u32 $0x7, v3;
	v4 =	vand.u32 $0xFFFFFF80, v56  }
0x129: {  	v3 =	vor.u32 v3, v4  }
0x12a: {  	v4 =	vperm.xlane v3, v0;
	_ =	sdelay $0x1  }
0x12b: {  	v4 =	vadd.s32 v1, v4;
	_ =	sdelay $0x4  }
0x12c: {  	[hbm4b:s3+s2] =	stream.indirect_vreg.scatter [tilespmem:s15], [sflag:$0x3], $0x80, v4, vm0, $0xb8;
	[tilespmem:$0x18400] =	vst v63  }
0x12d: {  	s24 =	simm.s32 $0xC00  }
0x12e: {  	[hbm4b:s5+s2] =	stream.indirect_vreg.scatter [tilespmem:s24], [sflag:$0x3], $0x80, v4, vm0, $0xb8;
	[tilespmem:$0x18400] =	vst v63  }
0x12f: {  	s25 =	simm.s32 $0x1400  }
0x130: {  	[hbm4b:s6+s2] =	stream.indirect_vreg.scatter [tilespmem:s25], [sflag:$0x3], $0x80, v4, vm0, $0xb8;
	[tilespmem:$0x18400] =	vst v63  }
0x131: {  	s26 =	simm.s32 $0x1C00  }
0x132: {  	[hbm4b:s7+s2] =	stream.indirect_vreg.scatter [tilespmem:s26], [sflag:$0x3], $0x80, v4, vm0, $0xb8;
	[tilespmem:$0x18400] =	vst v63  }
0x133: {  	s25 =	simm.s32 $0x2400  }
0x134: {  	[hbm4b:s8+s2] =	stream.indirect_vreg.scatter [tilespmem:s25], [sflag:$0x3], $0x80, v4, vm0, $0xb8;
	[tilespmem:$0x18400] =	vst v63  }
0x135: {  	v3 =	vperm.xlane v3, v2;
	s26 =	simm.s32 $0x2C00  }
0x136: {  	[hbm4b:s9+s2] =	stream.indirect_vreg.scatter [tilespmem:s26], [sflag:$0x3], $0x80, v4, vm0, $0xb8;
	[tilespmem:$0x18400] =	vst v63  }
0x137: {  	s31 =	simm.s32 $0x3400;
	v3 =	vadd.s32 v1, v3  }
0x138: {  	[hbm4b:s10+s2] =	stream.indirect_vreg.scatter [tilespmem:s31], [sflag:$0x3], $0x80, v4, vm0, $0xb8;
	[tilespmem:$0x18400] =	vst v63  }
0x139: {  	s13 =	simm.s32 $0x3C00  }
0x13a: {  	[hbm4b:s11+s2] =	stream.indirect_vreg.scatter [tilespmem:s13], [sflag:$0x3], $0x80, v4, vm0, $0xb8;
	[tilespmem:$0x18400] =	vst v63  }
0x13b: {  	s28 =	simm.s32 $0x4400  }
0x13c: {  	[hbm4b:s3+s2] =	stream.indirect_vreg.scatter [tilespmem:s28], [sflag:$0x3], $0x80, v3, vm0, $0xb8;
	[tilespmem:$0x18400] =	vst v63  }
0x13d: {  	s29 =	simm.s32 $0x4C00  }
0x13e: {  	[hbm4b:s5+s2] =	stream.indirect_vreg.scatter [tilespmem:s29], [sflag:$0x3], $0x80, v3, vm0, $0xb8;
	[tilespmem:$0x18400] =	vst v63  }
0x13f: {  	s30 =	simm.s32 $0x5400  }
0x140: {  	[hbm4b:s6+s2] =	stream.indirect_vreg.scatter [tilespmem:s30], [sflag:$0x3], $0x80, v3, vm0, $0xb8;
	[tilespmem:$0x18400] =	vst v63  }
0x141: {  	s29 =	simm.s32 $0x5C00  }
0x142: {  	[hbm4b:s7+s2] =	stream.indirect_vreg.scatter [tilespmem:s29], [sflag:$0x3], $0x80, v3, vm0, $0xb8;
	[tilespmem:$0x18400] =	vst v63  }
0x143: {  	s30 =	simm.s32 $0x6400  }
0x144: {  	[hbm4b:s8+s2] =	stream.indirect_vreg.scatter [tilespmem:s30], [sflag:$0x3], $0x80, v3, vm0, $0xb8;
	[tilespmem:$0x18400] =	vst v63  }
0x145: {  	s31 =	simm.s32 $0x6C00  }
0x146: {  	[hbm4b:s9+s2] =	stream.indirect_vreg.scatter [tilespmem:s31], [sflag:$0x3], $0x80, v3, vm0, $0xb8;
	[tilespmem:$0x18400] =	vst v63  }
0x147: {  	s13 =	simm.s32 $0x7400  }
0x148: {  	[hbm4b:s10+s2] =	stream.indirect_vreg.scatter [tilespmem:s13], [sflag:$0x3], $0x80, v3, vm0, $0xb8;
	[tilespmem:$0x18400] =	vst v63  }
0x149: {  	s14 =	simm.s32 $0x7C00  }
0x14a: {  	[hbm4b:s11+s2] =	stream.indirect_vreg.scatter [tilespmem:s14], [sflag:$0x3], $0x80, v3, vm0, $0xb8;
	[tilespmem:$0x18400] =	vst v63  }
0x14b: {  	v3 =	vld.msk [tilespmem:$0x210], $0xff;
	_ =	sdelay $0x4  }
0x14c: {  	v57 =	vshll.u32 v3, $0x4  }
0x14d: {  	v3 =	vand.u32 $0x7, v3;
	v4 =	vand.u32 $0xFFFFFF80, v57  }
0x14e: {  	v3 =	vor.u32 v3, v4  }
0x14f: {  	v3 =	vperm.xlane v3, v0;
	_ =	sdelay $0x1  }
0x150: {  	v3 =	vadd.s32 v1, v3;
	_ =	sdelay $0x3  }
0x151: {  	s19 =	simm.s32 $0x8400  }
0x152: {  	[hbm4b:s3+s2] =	stream.indirect_vreg.scatter [tilespmem:s19], [sflag:$0x3], $0x80, v3, vm0, $0xb8;
	[tilespmem:$0x18400] =	vst v63  }
0x153: {  	s20 =	simm.s32 $0x8C00  }
0x154: {  	[hbm4b:s5+s2] =	stream.indirect_vreg.scatter [tilespmem:s20], [sflag:$0x3], $0x80, v3, vm0, $0xb8;
	[tilespmem:$0x18400] =	vst v63  }
0x155: {  	s21 =	simm.s32 $0x9400  }
0x156: {  	[hbm4b:s6+s2] =	stream.indirect_vreg.scatter [tilespmem:s21], [sflag:$0x3], $0x80, v3, vm0, $0xb8;
	[tilespmem:$0x18400] =	vst v63  }
0x157: {  	s24 =	simm.s32 $0x9C00  }
0x158: {  	[hbm4b:s7+s2] =	stream.indirect_vreg.scatter [tilespmem:s24], [sflag:$0x3], $0x80, v3, vm0, $0xb8;
	[tilespmem:$0x18400] =	vst v63  }
0x159: {  	s25 =	simm.s32 $0xA400  }
0x15a: {  	[hbm4b:s8+s2] =	stream.indirect_vreg.scatter [tilespmem:s25], [sflag:$0x3], $0x80, v3, vm0, $0xb8;
	[tilespmem:$0x18400] =	vst v63  }
0x15b: {  	s26 =	simm.s32 $0xAC00  }
0x15c: {  	[hbm4b:s9+s2] =	stream.indirect_vreg.scatter [tilespmem:s26], [sflag:$0x3], $0x80, v3, vm0, $0xb8;
	[tilespmem:$0x18400] =	vst v63  }
0x15d: {  	s28 =	simm.s32 $0xB400  }
0x15e: {  	[hbm4b:s10+s2] =	stream.indirect_vreg.scatter [tilespmem:s28], [sflag:$0x3], $0x80, v3, vm0, $0xb8;
	[tilespmem:$0x18400] =	vst v63  }
0x15f: {  	s29 =	simm.s32 $0xBC00  }
0x160: {  	[hbm4b:s11+s2] =	stream.indirect_vreg.scatter [tilespmem:s29], [sflag:$0x3], $0x80, v3, vm0, $0xb8;
	[tilespmem:$0x18400] =	vst v63  }
0x161: {  	_ =	swait.ge [sflag:s22], $0xC000  }
0x162: {  	[sflag:s22] =	ssyncset.done $0x0  }
0x163: {  	s30 =	rddreg [dreg:$0x8];
	[sflag:s22] =	ssyncadd.s32 $0xFFFF4000  }
0x164: {  	[tilespmem:s15], [sflag:$0x1] =	stream.linear.gather [hbm4b:s30+s2], $0xC000, $0x38;
	[tilespmem:$0x18400] =	vst v63  }
0x165: {  	_ =	swait.ge [sflag:s23], $0xC000  }
0x166: {  	[sflag:s23] =	ssyncset.done $0x0  }
0x167: {  	[sflag:s23] =	ssyncadd.s32 $0xFFFF4000  }
0x168: {  	v3 =	vld [tilespmem:$0x280];
	_ =	sdelay $0x4  }
0x169: {  	v58 =	vshll.u32 v3, $0x4  }
0x16a: {  	v3 =	vand.u32 $0x7, v3;
	v4 =	vand.u32 $0xFFFFFF80, v58  }
0x16b: {  	v3 =	vor.u32 v3, v4  }
0x16c: {  	v4 =	vperm.xlane v3, v0;
	_ =	sdelay $0x1  }
0x16d: {  	v4 =	vadd.s32 v1, v4;
	_ =	sdelay $0x4  }
0x16e: {  	[hbm4b:s3+s2] =	stream.indirect_vreg.scatter [tilespmem:s4], [sflag:$0x4], $0x80, v4, vm0, $0xb8;
	[tilespmem:$0x18400] =	vst v63  }
0x16f: {  	s31 =	simm.s32 $0xCC00  }
0x170: {  	[hbm4b:s5+s2] =	stream.indirect_vreg.scatter [tilespmem:s31], [sflag:$0x4], $0x80, v4, vm0, $0xb8;
	[tilespmem:$0x18400] =	vst v63  }
0x171: {  	s13 =	simm.s32 $0xD400  }
0x172: {  	[hbm4b:s6+s2] =	stream.indirect_vreg.scatter [tilespmem:s13], [sflag:$0x4], $0x80, v4, vm0, $0xb8;
	[tilespmem:$0x18400] =	vst v63  }
0x173: {  	s14 =	simm.s32 $0xDC00  }
0x174: {  	[hbm4b:s7+s2] =	stream.indirect_vreg.scatter [tilespmem:s14], [sflag:$0x4], $0x80, v4, vm0, $0xb8;
	[tilespmem:$0x18400] =	vst v63  }
0x175: {  	s17 =	simm.s32 $0xE400  }
0x176: {  	[hbm4b:s8+s2] =	stream.indirect_vreg.scatter [tilespmem:s17], [sflag:$0x4], $0x80, v4, vm0, $0xb8;
	[tilespmem:$0x18400] =	vst v63  }
0x177: {  	s18 =	simm.s32 $0xEC00;
	v3 =	vperm.xlane v3, v2  }
0x178: {  	[hbm4b:s9+s2] =	stream.indirect_vreg.scatter [tilespmem:s18], [sflag:$0x4], $0x80, v4, vm0, $0xb8;
	[tilespmem:$0x18400] =	vst v63  }
0x179: {  	s19 =	simm.s32 $0xF400;
	v3 =	vadd.s32 v1, v3  }
0x17a: {  	[hbm4b:s10+s2] =	stream.indirect_vreg.scatter [tilespmem:s19], [sflag:$0x4], $0x80, v4, vm0, $0xb8;
	[tilespmem:$0x18400] =	vst v63  }
0x17b: {  	s20 =	simm.s32 $0xFC00  }
0x17c: {  	[hbm4b:s11+s2] =	stream.indirect_vreg.scatter [tilespmem:s20], [sflag:$0x4], $0x80, v4, vm0, $0xb8;
	[tilespmem:$0x18400] =	vst v63  }
0x17d: {  	s21 =	simm.s32 $0x10400  }
0x17e: {  	[hbm4b:s3+s2] =	stream.indirect_vreg.scatter [tilespmem:s21], [sflag:$0x4], $0x80, v3, vm0, $0xb8;
	[tilespmem:$0x18400] =	vst v63  }
0x17f: {  	s24 =	simm.s32 $0x10C00  }
0x180: {  	[hbm4b:s5+s2] =	stream.indirect_vreg.scatter [tilespmem:s24], [sflag:$0x4], $0x80, v3, vm0, $0xb8;
	[tilespmem:$0x18400] =	vst v63  }
0x181: {  	s25 =	simm.s32 $0x11400  }
0x182: {  	[hbm4b:s6+s2] =	stream.indirect_vreg.scatter [tilespmem:s25], [sflag:$0x4], $0x80, v3, vm0, $0xb8;
	[tilespmem:$0x18400] =	vst v63  }
0x183: {  	s26 =	simm.s32 $0x11C00  }
0x184: {  	[hbm4b:s7+s2] =	stream.indirect_vreg.scatter [tilespmem:s26], [sflag:$0x4], $0x80, v3, vm0, $0xb8;
	[tilespmem:$0x18400] =	vst v63  }
0x185: {  	s28 =	simm.s32 $0x12400  }
0x186: {  	[hbm4b:s8+s2] =	stream.indirect_vreg.scatter [tilespmem:s28], [sflag:$0x4], $0x80, v3, vm0, $0xb8;
	[tilespmem:$0x18400] =	vst v63  }
0x187: {  	s29 =	simm.s32 $0x12C00  }
0x188: {  	[hbm4b:s9+s2] =	stream.indirect_vreg.scatter [tilespmem:s29], [sflag:$0x4], $0x80, v3, vm0, $0xb8;
	[tilespmem:$0x18400] =	vst v63  }
0x189: {  	s30 =	simm.s32 $0x13400  }
0x18a: {  	[hbm4b:s10+s2] =	stream.indirect_vreg.scatter [tilespmem:s30], [sflag:$0x4], $0x80, v3, vm0, $0xb8;
	[tilespmem:$0x18400] =	vst v63  }
0x18b: {  	s31 =	simm.s32 $0x13C00  }
0x18c: {  	[hbm4b:s11+s2] =	stream.indirect_vreg.scatter [tilespmem:s31], [sflag:$0x4], $0x80, v3, vm0, $0xb8;
	[tilespmem:$0x18400] =	vst v63  }
0x18d: {  	v3 =	vld.msk [tilespmem:$0x290], $0xff;
	_ =	sdelay $0x4  }
0x18e: {  	v59 =	vshll.u32 v3, $0x4  }
0x18f: {  	v3 =	vand.u32 $0x7, v3;
	v4 =	vand.u32 $0xFFFFFF80, v59  }
0x190: {  	v3 =	vor.u32 v3, v4  }
0x191: {  	v3 =	vperm.xlane v3, v0;
	_ =	sdelay $0x1  }
0x192: {  	v3 =	vadd.s32 v1, v3;
	_ =	sdelay $0x3  }
0x193: {  	s29 =	simm.s32 $0x14400  }
0x194: {  	[hbm4b:s3+s2] =	stream.indirect_vreg.scatter [tilespmem:s29], [sflag:$0x4], $0x80, v3, vm0, $0xb8;
	[tilespmem:$0x18400] =	vst v63  }
0x195: {  	s30 =	simm.s32 $0x14C00  }
0x196: {  	[hbm4b:s5+s2] =	stream.indirect_vreg.scatter [tilespmem:s30], [sflag:$0x4], $0x80, v3, vm0, $0xb8;
	[tilespmem:$0x18400] =	vst v63  }
0x197: {  	s31 =	simm.s32 $0x15400  }
0x198: {  	[hbm4b:s6+s2] =	stream.indirect_vreg.scatter [tilespmem:s31], [sflag:$0x4], $0x80, v3, vm0, $0xb8;
	[tilespmem:$0x18400] =	vst v63  }
0x199: {  	s1 =	simm.s32 $0x15C00  }
0x19a: {  	[hbm4b:s7+s2] =	stream.indirect_vreg.scatter [tilespmem:s1], [sflag:$0x4], $0x80, v3, vm0, $0xb8;
	[tilespmem:$0x18400] =	vst v63  }
0x19b: {  	s1 =	simm.s32 $0x16400  }
0x19c: {  	[hbm4b:s8+s2] =	stream.indirect_vreg.scatter [tilespmem:s1], [sflag:$0x4], $0x80, v3, vm0, $0xb8;
	[tilespmem:$0x18400] =	vst v63  }
0x19d: {  	s1 =	simm.s32 $0x16C00  }
0x19e: {  	[hbm4b:s9+s2] =	stream.indirect_vreg.scatter [tilespmem:s1], [sflag:$0x4], $0x80, v3, vm0, $0xb8;
	[tilespmem:$0x18400] =	vst v63  }
0x19f: {  	s1 =	simm.s32 $0x17400  }
0x1a0: {  	[hbm4b:s10+s2] =	stream.indirect_vreg.scatter [tilespmem:s1], [sflag:$0x4], $0x80, v3, vm0, $0xb8;
	[tilespmem:$0x18400] =	vst v63  }
0x1a1: {  	s1 =	simm.s32 $0x17C00  }
0x1a2: {  	[hbm4b:s11+s2] =	stream.indirect_vreg.scatter [tilespmem:s1], [sflag:$0x4], $0x80, v3, vm0, $0xb8;
	[tilespmem:$0x18400] =	vst v63  }
0x1a3: {  	_ =	swait.ge [sflag:s0], $0xC000  }
0x1a4: {  	[sflag:s0] =	ssyncset.done $0x0  }
0x1a5: {  	s1 =	rddreg [dreg:$0x9];
	[sflag:s0] =	ssyncadd.s32 $0xFFFF4000  }
0x1a6: {  	[tilespmem:s4], [sflag:$0x2] =	stream.linear.gather [hbm4b:s1+s2], $0xC000, $0x38;
	[tilespmem:$0x18400] =	vst v63  }
0x1a7: {  	_ =	swait.ge [sflag:s16], $0xC000  }
0x1a8: {  	[sflag:s16] =	ssyncset.done $0x0  }
0x1a9: {  	[sflag:s16] =	ssyncadd.s32 $0xFFFF4000  }
0x1aa: {  	v3 =	vld [tilespmem:$0x300];
	_ =	sdelay $0x4  }
0x1ab: {  	v60 =	vshll.u32 v3, $0x4  }
0x1ac: {  	v3 =	vand.u32 $0x7, v3;
	v4 =	vand.u32 $0xFFFFFF80, v60  }
0x1ad: {  	v3 =	vor.u32 v3, v4  }
0x1ae: {  	v4 =	vperm.xlane v3, v0;
	_ =	sdelay $0x1  }
0x1af: {  	v4 =	vadd.s32 v1, v4;
	_ =	sdelay $0x4  }
0x1b0: {  	[hbm4b:s3+s2] =	stream.indirect_vreg.scatter [tilespmem:s15], [sflag:$0x3], $0x80, v4, vm0, $0xb8;
	[tilespmem:$0x18400] =	vst v63  }
0x1b1: {  	s1 =	simm.s32 $0xC00  }
0x1b2: {  	[hbm4b:s5+s2] =	stream.indirect_vreg.scatter [tilespmem:s1], [sflag:$0x3], $0x80, v4, vm0, $0xb8;
	[tilespmem:$0x18400] =	vst v63  }
0x1b3: {  	s1 =	simm.s32 $0x1400  }
0x1b4: {  	[hbm4b:s6+s2] =	stream.indirect_vreg.scatter [tilespmem:s1], [sflag:$0x3], $0x80, v4, vm0, $0xb8;
	[tilespmem:$0x18400] =	vst v63  }
0x1b5: {  	s1 =	simm.s32 $0x1C00  }
0x1b6: {  	[hbm4b:s7+s2] =	stream.indirect_vreg.scatter [tilespmem:s1], [sflag:$0x3], $0x80, v4, vm0, $0xb8;
	[tilespmem:$0x18400] =	vst v63  }
0x1b7: {  	s1 =	simm.s32 $0x2400  }
0x1b8: {  	[hbm4b:s8+s2] =	stream.indirect_vreg.scatter [tilespmem:s1], [sflag:$0x3], $0x80, v4, vm0, $0xb8;
	[tilespmem:$0x18400] =	vst v63  }
0x1b9: {  	v3 =	vperm.xlane v3, v2;
	s1 =	simm.s32 $0x2C00  }
0x1ba: {  	[hbm4b:s9+s2] =	stream.indirect_vreg.scatter [tilespmem:s1], [sflag:$0x3], $0x80, v4, vm0, $0xb8;
	[tilespmem:$0x18400] =	vst v63  }
0x1bb: {  	v3 =	vadd.s32 v1, v3;
	s1 =	simm.s32 $0x3400  }
0x1bc: {  	[hbm4b:s10+s2] =	stream.indirect_vreg.scatter [tilespmem:s1], [sflag:$0x3], $0x80, v4, vm0, $0xb8;
	[tilespmem:$0x18400] =	vst v63  }
0x1bd: {  	s1 =	simm.s32 $0x3C00  }
0x1be: {  	[hbm4b:s11+s2] =	stream.indirect_vreg.scatter [tilespmem:s1], [sflag:$0x3], $0x80, v4, vm0, $0xb8;
	[tilespmem:$0x18400] =	vst v63  }
0x1bf: {  	s1 =	simm.s32 $0x4400  }
0x1c0: {  	[hbm4b:s3+s2] =	stream.indirect_vreg.scatter [tilespmem:s1], [sflag:$0x3], $0x80, v3, vm0, $0xb8;
	[tilespmem:$0x18400] =	vst v63  }
0x1c1: {  	s1 =	simm.s32 $0x4C00  }
0x1c2: {  	[hbm4b:s5+s2] =	stream.indirect_vreg.scatter [tilespmem:s1], [sflag:$0x3], $0x80, v3, vm0, $0xb8;
	[tilespmem:$0x18400] =	vst v63  }
0x1c3: {  	s1 =	simm.s32 $0x5400  }
0x1c4: {  	[hbm4b:s6+s2] =	stream.indirect_vreg.scatter [tilespmem:s1], [sflag:$0x3], $0x80, v3, vm0, $0xb8;
	[tilespmem:$0x18400] =	vst v63  }
0x1c5: {  	s1 =	simm.s32 $0x5C00  }
0x1c6: {  	[hbm4b:s7+s2] =	stream.indirect_vreg.scatter [tilespmem:s1], [sflag:$0x3], $0x80, v3, vm0, $0xb8;
	[tilespmem:$0x18400] =	vst v63  }
0x1c7: {  	s1 =	simm.s32 $0x6400  }
0x1c8: {  	[hbm4b:s8+s2] =	stream.indirect_vreg.scatter [tilespmem:s1], [sflag:$0x3], $0x80, v3, vm0, $0xb8;
	[tilespmem:$0x18400] =	vst v63  }
0x1c9: {  	s1 =	simm.s32 $0x6C00  }
0x1ca: {  	[hbm4b:s9+s2] =	stream.indirect_vreg.scatter [tilespmem:s1], [sflag:$0x3], $0x80, v3, vm0, $0xb8;
	[tilespmem:$0x18400] =	vst v63  }
0x1cb: {  	s1 =	simm.s32 $0x7400  }
0x1cc: {  	[hbm4b:s10+s2] =	stream.indirect_vreg.scatter [tilespmem:s1], [sflag:$0x3], $0x80, v3, vm0, $0xb8;
	[tilespmem:$0x18400] =	vst v63  }
0x1cd: {  	s1 =	simm.s32 $0x7C00  }
0x1ce: {  	[hbm4b:s11+s2] =	stream.indirect_vreg.scatter [tilespmem:s1], [sflag:$0x3], $0x80, v3, vm0, $0xb8;
	[tilespmem:$0x18400] =	vst v63  }
0x1cf: {  	v3 =	vld.msk [tilespmem:$0x310], $0xff;
	_ =	sdelay $0x4  }
0x1d0: {  	v61 =	vshll.u32 v3, $0x4  }
0x1d1: {  	v3 =	vand.u32 $0x7, v3;
	v4 =	vand.u32 $0xFFFFFF80, v61  }
0x1d2: {  	v3 =	vor.u32 v3, v4  }
0x1d3: {  	v3 =	vperm.xlane v3, v0;
	_ =	sdelay $0x1  }
0x1d4: {  	v3 =	vadd.s32 v1, v3;
	_ =	sdelay $0x3  }
0x1d5: {  	s1 =	simm.s32 $0x8400  }
0x1d6: {  	[hbm4b:s3+s2] =	stream.indirect_vreg.scatter [tilespmem:s1], [sflag:$0x3], $0x80, v3, vm0, $0xb8;
	[tilespmem:$0x18400] =	vst v63  }
0x1d7: {  	s1 =	simm.s32 $0x8C00  }
0x1d8: {  	[hbm4b:s5+s2] =	stream.indirect_vreg.scatter [tilespmem:s1], [sflag:$0x3], $0x80, v3, vm0, $0xb8;
	[tilespmem:$0x18400] =	vst v63  }
0x1d9: {  	s1 =	simm.s32 $0x9400  }
0x1da: {  	[hbm4b:s6+s2] =	stream.indirect_vreg.scatter [tilespmem:s1], [sflag:$0x3], $0x80, v3, vm0, $0xb8;
	[tilespmem:$0x18400] =	vst v63  }
0x1db: {  	s1 =	simm.s32 $0x9C00  }
0x1dc: {  	[hbm4b:s7+s2] =	stream.indirect_vreg.scatter [tilespmem:s1], [sflag:$0x3], $0x80, v3, vm0, $0xb8;
	[tilespmem:$0x18400] =	vst v63  }
0x1dd: {  	s1 =	simm.s32 $0xA400  }
0x1de: {  	[hbm4b:s8+s2] =	stream.indirect_vreg.scatter [tilespmem:s1], [sflag:$0x3], $0x80, v3, vm0, $0xb8;
	[tilespmem:$0x18400] =	vst v63  }
0x1df: {  	s1 =	simm.s32 $0xAC00  }
0x1e0: {  	[hbm4b:s9+s2] =	stream.indirect_vreg.scatter [tilespmem:s1], [sflag:$0x3], $0x80, v3, vm0, $0xb8;
	[tilespmem:$0x18400] =	vst v63  }
0x1e1: {  	s1 =	simm.s32 $0xB400  }
0x1e2: {  	[hbm4b:s10+s2] =	stream.indirect_vreg.scatter [tilespmem:s1], [sflag:$0x3], $0x80, v3, vm0, $0xb8;
	[tilespmem:$0x18400] =	vst v63  }
0x1e3: {  	s1 =	simm.s32 $0xBC00  }
0x1e4: {  	[hbm4b:s11+s2] =	stream.indirect_vreg.scatter [tilespmem:s1], [sflag:$0x3], $0x80, v3, vm0, $0xb8;
	[tilespmem:$0x18400] =	vst v63  }
0x1e5: {  	_ =	swait.ge [sflag:s23], $0xC000  }
0x1e6: {  	[sflag:s23] =	ssyncset.done $0x0  }
0x1e7: {  	[sflag:s23] =	ssyncadd.s32 $0xFFFF4000  }
0x1e8: {  	v3 =	vld [tilespmem:$0x380];
	_ =	sdelay $0x4  }
0x1e9: {  	v62 =	vshll.u32 v3, $0x4  }
0x1ea: {  	v3 =	vand.u32 $0x7, v3;
	v4 =	vand.u32 $0xFFFFFF80, v62  }
0x1eb: {  	v3 =	vor.u32 v3, v4  }
0x1ec: {  	v4 =	vperm.xlane v3, v0;
	_ =	sdelay $0x1  }
0x1ed: {  	v4 =	vadd.s32 v1, v4;
	_ =	sdelay $0x4  }
0x1ee: {  	[hbm4b:s3+s2] =	stream.indirect_vreg.scatter [tilespmem:s4], [sflag:$0x4], $0x80, v4, vm0, $0xb8;
	[tilespmem:$0x18400] =	vst v63  }
0x1ef: {  	s4 =	simm.s32 $0xCC00  }
0x1f0: {  	[hbm4b:s5+s2] =	stream.indirect_vreg.scatter [tilespmem:s4], [sflag:$0x4], $0x80, v4, vm0, $0xb8;
	[tilespmem:$0x18400] =	vst v63  }
0x1f1: {  	s13 =	simm.s32 $0xD400  }
0x1f2: {  	[hbm4b:s6+s2] =	stream.indirect_vreg.scatter [tilespmem:s13], [sflag:$0x4], $0x80, v4, vm0, $0xb8;
	[tilespmem:$0x18400] =	vst v63  }
0x1f3: {  	s14 =	simm.s32 $0xDC00  }
0x1f4: {  	[hbm4b:s7+s2] =	stream.indirect_vreg.scatter [tilespmem:s14], [sflag:$0x4], $0x80, v4, vm0, $0xb8;
	[tilespmem:$0x18400] =	vst v63  }
0x1f5: {  	s13 =	simm.s32 $0xE400  }
0x1f6: {  	[hbm4b:s8+s2] =	stream.indirect_vreg.scatter [tilespmem:s13], [sflag:$0x4], $0x80, v4, vm0, $0xb8;
	[tilespmem:$0x18400] =	vst v63  }
0x1f7: {  	v3 =	vperm.xlane v3, v2;
	s14 =	simm.s32 $0xEC00  }
0x1f8: {  	[hbm4b:s9+s2] =	stream.indirect_vreg.scatter [tilespmem:s14], [sflag:$0x4], $0x80, v4, vm0, $0xb8;
	[tilespmem:$0x18400] =	vst v63  }
0x1f9: {  	s17 =	simm.s32 $0xF400;
	v3 =	vadd.s32 v1, v3  }
0x1fa: {  	[hbm4b:s10+s2] =	stream.indirect_vreg.scatter [tilespmem:s17], [sflag:$0x4], $0x80, v4, vm0, $0xb8;
	[tilespmem:$0x18400] =	vst v63  }
0x1fb: {  	s18 =	simm.s32 $0xFC00  }
0x1fc: {  	[hbm4b:s11+s2] =	stream.indirect_vreg.scatter [tilespmem:s18], [sflag:$0x4], $0x80, v4, vm0, $0xb8;
	[tilespmem:$0x18400] =	vst v63  }
0x1fd: {  	s19 =	simm.s32 $0x10400  }
0x1fe: {  	[hbm4b:s3+s2] =	stream.indirect_vreg.scatter [tilespmem:s19], [sflag:$0x4], $0x80, v3, vm0, $0xb8;
	[tilespmem:$0x18400] =	vst v63  }
0x1ff: {  	s20 =	simm.s32 $0x10C00  }
0x200: {  	[hbm4b:s5+s2] =	stream.indirect_vreg.scatter [tilespmem:s20], [sflag:$0x4], $0x80, v3, vm0, $0xb8;
	[tilespmem:$0x18400] =	vst v63  }
0x201: {  	s21 =	simm.s32 $0x11400  }
0x202: {  	[hbm4b:s6+s2] =	stream.indirect_vreg.scatter [tilespmem:s21], [sflag:$0x4], $0x80, v3, vm0, $0xb8;
	[tilespmem:$0x18400] =	vst v63  }
0x203: {  	s24 =	simm.s32 $0x11C00  }
0x204: {  	[hbm4b:s7+s2] =	stream.indirect_vreg.scatter [tilespmem:s24], [sflag:$0x4], $0x80, v3, vm0, $0xb8;
	[tilespmem:$0x18400] =	vst v63  }
0x205: {  	s25 =	simm.s32 $0x12400  }
0x206: {  	[hbm4b:s8+s2] =	stream.indirect_vreg.scatter [tilespmem:s25], [sflag:$0x4], $0x80, v3, vm0, $0xb8;
	[tilespmem:$0x18400] =	vst v63  }
0x207: {  	s26 =	simm.s32 $0x12C00  }
0x208: {  	[hbm4b:s9+s2] =	stream.indirect_vreg.scatter [tilespmem:s26], [sflag:$0x4], $0x80, v3, vm0, $0xb8;
	[tilespmem:$0x18400] =	vst v63  }
0x209: {  	s28 =	simm.s32 $0x13400  }
0x20a: {  	[hbm4b:s10+s2] =	stream.indirect_vreg.scatter [tilespmem:s28], [sflag:$0x4], $0x80, v3, vm0, $0xb8;
	[tilespmem:$0x18400] =	vst v63  }
0x20b: {  	s25 =	simm.s32 $0x13C00  }
0x20c: {  	[hbm4b:s11+s2] =	stream.indirect_vreg.scatter [tilespmem:s25], [sflag:$0x4], $0x80, v3, vm0, $0xb8;
	[tilespmem:$0x18400] =	vst v63  }
0x20d: {  	v3 =	vld.msk [tilespmem:$0x390], $0xff;
	_ =	sdelay $0x4  }
0x20e: {  	v63 =	vshll.u32 v3, $0x4  }
0x20f: {  	v3 =	vand.u32 $0x7, v3;
	v4 =	vand.u32 $0xFFFFFF80, v63  }
0x210: {  	v3 =	vor.u32 v3, v4  }
0x211: {  	v3 =	vperm.xlane v3, v0;
	_ =	sdelay $0x1  }
0x212: {  	v3 =	vadd.s32 v1, v3;
	_ =	sdelay $0x3  }
0x213: {  	s29 =	simm.s32 $0x14400  }
0x214: {  	[hbm4b:s3+s2] =	stream.indirect_vreg.scatter [tilespmem:s29], [sflag:$0x4], $0x80, v3, vm0, $0xb8;
	[tilespmem:$0x18400] =	vst v63  }
0x215: {  	s30 =	simm.s32 $0x14C00  }
0x216: {  	[hbm4b:s5+s2] =	stream.indirect_vreg.scatter [tilespmem:s30], [sflag:$0x4], $0x80, v3, vm0, $0xb8;
	[tilespmem:$0x18400] =	vst v63  }
0x217: {  	s31 =	simm.s32 $0x15400  }
0x218: {  	[hbm4b:s6+s2] =	stream.indirect_vreg.scatter [tilespmem:s31], [sflag:$0x4], $0x80, v3, vm0, $0xb8;
	[tilespmem:$0x18400] =	vst v63  }
0x219: {  	s26 =	simm.s32 $0x15C00  }
0x21a: {  	[hbm4b:s7+s2] =	stream.indirect_vreg.scatter [tilespmem:s26], [sflag:$0x4], $0x80, v3, vm0, $0xb8;
	[tilespmem:$0x18400] =	vst v63  }
0x21b: {  	s28 =	simm.s32 $0x16400  }
0x21c: {  	[hbm4b:s8+s2] =	stream.indirect_vreg.scatter [tilespmem:s28], [sflag:$0x4], $0x80, v3, vm0, $0xb8;
	[tilespmem:$0x18400] =	vst v63  }
0x21d: {  	s29 =	simm.s32 $0x16C00  }
0x21e: {  	[hbm4b:s9+s2] =	stream.indirect_vreg.scatter [tilespmem:s29], [sflag:$0x4], $0x80, v3, vm0, $0xb8;
	[tilespmem:$0x18400] =	vst v63  }
0x21f: {  	s30 =	simm.s32 $0x17400  }
0x220: {  	[hbm4b:s10+s2] =	stream.indirect_vreg.scatter [tilespmem:s30], [sflag:$0x4], $0x80, v3, vm0, $0xb8;
	[tilespmem:$0x18400] =	vst v63  }
0x221: {  	s31 =	simm.s32 $0x17C00  }
0x222: {  	[hbm4b:s11+s2] =	stream.indirect_vreg.scatter [tilespmem:s31], [sflag:$0x4], $0x80, v3, vm0, $0xb8;
	[tilespmem:$0x18400] =	vst v63  }
0x223: {  	p0 =	sne.s32 s12, $0x1;
	_ =	swait.ge [sflag:s22], $0xC000  }
.Ltmp0:
0x224: {  	[sflag:s22] =	ssyncset.done $0x0;
	(pc) =	sbr.rel @p0 .LBB2_1-.Ltmp0, $4  }
0x225: {  	[sflag:s22] =	ssyncadd.s32 $0xFFFF4000  }
0x226: {  	_ =	swait.ge [sflag:s0], $0xC000  }
0x227: {  	[sflag:s0] =	ssyncset.done $0x0  }
0x228: {  	s12 =	sadd.s32 $0xFFFFFFFF, s12;
	[sflag:s0] =	ssyncadd.s32 $0xFFFF4000  }
0x229: {  	_ =	sfence.sel $0x180000  }
0x22a: {  	[bflag:$0x0] =	sbarrier.arrive $0xFFFF  }
0x22b: {  	_ =	strace $0x9000004A  }
0x22c: {  	s0 =	stileid.u32;
	[bflag:$0x2] =	sbarrier.arrive $0xFFFF  }
0x22d: {  	p0 =	sne.s32 s0, $0x0;
	s0 =	rddreg [dreg:$0x1]  }
0x22e: {  	s0 =	sadd.s32 @!p0 $0x100000, s0  }
0x22f: {  	[sflag:s0] =	ssyncadd.tile.s32 @!p0 $0x1;
	_ =	shalt  }
.Lfunc_end2:
_tile_overlayer_lowered:
.L_overlay_start_2:
0x230: {  	(tag) =	ssettag $0x2  }
0x231: {  	s0 =	rddreg [dreg:$0x0];
	s2 =	stileid.u32  }
0x232: {  	s1 =	rddreg [dreg:$0x1];
	p0 =	sne.s32 s2, $0x0  }
0x233: {  	s3 =	rddreg [dreg:$0x2];
	[bflag:$0x3] =	sbarrier.arrive $0xFFFF;
	s2 =	simm.s32 @!p0 $0x1C05  }
0x234: {  	[timem:s3], [sflag:s2] =	dma.local @!p0 [hbm:s0], s1  }
0x235: {  	s0 =	simm.s32 @!p0 $0x5  }
0x236: {  	_ =	swait.ge @!p0 [sflag:s0], s1  }
0x237: {  	s1 =	ssub.s32 @!p0 $0x0, s1;
	[sflag:s0] =	ssyncset.done @!p0 $0x0  }
0x238: {  	[sflag:s0] =	ssyncadd.s32 @!p0 s1  }
0x239: {  	[bflag:$0x3] =	sbarrier.arrive $0xFFFF  }
0x23a: {  	_ =	shalt  }

// kernel: kernel.9.cloned.1.call-start
scs
__scs_entry_jumppad:
0x0: {  	(pc) =	sbr.rel $0x88, $3  }
0x1: {  	(tag) =	ssettag $0x0;
	lr =	simm.s32 $0x1  }
0x2: {  	[smem:$0x3F93] =	sst lr;
	_ =	strace $0xD0000000  }
0x3: {  	_ = 	snop  }
0x4: {  	_ = 	snop  }
0x5: {  	_ = 	snop  }
0x6: {  	_ = 	snop  }
0x7: {  	_ = 	snop  }
__scs_overlays_trampoline_lowered:
0x8: {  	[smem:$0x3FA2] =	sst s0  }
0x9: {  	[smem:$0x3FA3] =	sst s1  }
0xa: {  	[smem:$0x3FA4] =	sst s2  }
0xb: {  	[smem:$0x3FA5] =	sst s3  }
0xc: {  	[smem:$0x3FA6] =	sst s4  }
0xd: {  	[smem:$0x3FA7] =	sst s5  }
0xe: {  	[smem:$0x3FA8] =	sst s6  }
0xf: {  	[smem:$0x3FA9] =	sst s7  }
0x10: {  	[smem:$0x3FAA] =	sst s8  }
0x11: {  	[smem:$0x3FAB] =	sst s9;
	s0 =	simm.s32 @!p0 $0x0  }
0x12: {  	s1 =	sld [smem:$0x3F91];
	s0 =	simm.s32 @p0 $0x1  }
0x13: {  	[smem:$0x3FAC] =	sst s0;
	s0 =	simm.s32 @!p1 $0x0  }
0x14: {  	s2 =	sld [smem:$0x3F90];
	s0 =	simm.s32 @p1 $0x1  }
0x15: {  	[smem:$0x3FAD] =	sst s0;
	s0 =	simm.s32 @!p2 $0x0  }
0x16: {  	s3 =	sld [smem:$0x3FDB];
	s0 =	simm.s32 @p2 $0x1  }
0x17: {  	s4 =	simm.s32 $0x1BF5;
	[smem:$0x3FAF] =	sst s0  }
0x18: {  	s0 =	sld [smem:$0x3F92];
	_ =	swait.ge [sflag:s4], $0x0  }
0x19: {  	s7 =	sld [smem:$0x3F93]  }
0x1a: {  	s8 =	sadd.s32 $0xFFFFE003, lr  }
0x1b: {  	s9 =	sadd.s32 $0xFFFFFEF7, lr;
	s5 =	simm.s32 $0xFFFFFFFF;
	p2 =	slt.u32 s8, $0xFFFFF086  }
0x1c: {  	p1 =	slt.u32 s9, $0xF7A;
	s5 =	simm.s32 @!p2 $0x0  }
0x1d: {  	s5 =	simm.s32 @p1 $0x1;
	p0 =	seq.s32 s7, s2  }
0x1e: {  	s7 =	smul.u32 @!p0 $0xF7A, s2;
	p2 =	seq.s32 @!p0 s5, $0x0  }
0x1f: {  	s9 =	smul.u32 $0xF7A, s1;
	s8 =	simm.s32 @!p0 $0x1BF5;
	p2 =	por !p2, p0  }
0x20: {  	[sflag:s8] =	ssyncset.s32 @!p0 $0xFFFFF086;
	s6 =	sadd.s32 @!p0 s3, s7;
	s7 =	simm.s32 @!p0 $0x108  }
0x21: {  	s3 =	sadd.s32 s3, s9;
	s6 =	sadd.s32 @!p0 $0x88, s6;
	s7 =	simm.s32 @p2 $0x1082  }
0x22: {  	[simem:s7], [sflag:s8] =	dma.local @!p0 [hbm:s6], $0xF7A  }
0x23: {  	s9 =	sor.u32 $0xD0000000, s2;
	s6 =	simm.s32 $0x108;
	_ =	swait.ge @!p0 [sflag:s8], $0x0  }
0x24: {  	s3 =	sadd.s32 $0x88, s3;
	s6 =	simm.s32 @!p1 $0x1082;
	[sflag:s4] =	ssyncset.s32 $0xFFFFF086  }
0x25: {  	[simem:s6], [sflag:s4] =	dma.local [hbm:s3], $0xF7A  }
0x26: {  	[smem:$0x3F93] =	sst s1;
	(tag) =	ssettag s2;
	_ =	strace s9  }
0x27: {  	s1 =	sld [smem:$0x3FA3]  }
0x28: {  	s2 =	sld [smem:$0x3FA4]  }
0x29: {  	s4 =	sld [smem:$0x3FA6]  }
0x2a: {  	p0 =	seq.s32 s5, $0x0;
	s5 =	sld [smem:$0x3FA7]  }
0x2b: {  	s6 =	sld [smem:$0x3FA8]  }
0x2c: {  	s7 =	sld [smem:$0x3FA9]  }
0x2d: {  	s3 =	simm.s32 $0x108;
	s8 =	sld [smem:$0x3FAA]  }
0x2e: {  	s3 =	simm.s32 @!p0 $0x1082;
	s9 =	sld [smem:$0x3FAB]  }
0x2f: {  	lr =	sadd.s32 s0, s3;
	s0 =	sld [smem:$0x3FA2]  }
0x30: {  	s3 =	sld [smem:$0x3FA5]  }
0x31: {  	[smem:$0x3FAE] =	sst s10  }
0x32: {  	s10 =	sld [smem:$0x3FAC];
	_ =	sdelay $0x3  }
0x33: {  	p0 =	seq.s32 s10, $0x1;
	s10 =	sld [smem:$0x3FAE];
	_ =	sdelay $0x3  }
0x34: {  	[smem:$0x3FAE] =	sst s10  }
0x35: {  	s10 =	sld [smem:$0x3FAD];
	_ =	sdelay $0x3  }
0x36: {  	p1 =	seq.s32 s10, $0x1;
	s10 =	sld [smem:$0x3FAE];
	_ =	sdelay $0x3  }
0x37: {  	[smem:$0x3FAE] =	sst s10  }
0x38: {  	s10 =	sld [smem:$0x3FAF]  }
0x39: {  	_ = 	snop;
	(pc) =	sbr.ind lr, $3  }
0x3a: {  	_ = 	snop  }
0x3b: {  	_ = 	snop  }
0x3c: {  	p2 =	seq.s32 s10, $0x1;
	s10 =	sld [smem:$0x3FAE]  }
0x3d: {  	_ =	shalt  }
0x3e: {  	_ =	shalt  }
0x3f: {  	_ =	shalt  }
0x40: {  	_ =	shalt  }
0x41: {  	_ =	shalt  }
0x42: {  	_ =	shalt  }
0x43: {  	_ =	shalt  }
0x44: {  	_ =	shalt  }
0x45: {  	_ =	shalt  }
0x46: {  	_ =	shalt  }
0x47: {  	_ =	shalt  }
0x48: {  	_ =	shalt  }
0x49: {  	_ =	shalt  }
0x4a: {  	_ =	shalt  }
0x4b: {  	_ =	shalt  }
0x4c: {  	_ =	shalt  }
0x4d: {  	_ =	shalt  }
0x4e: {  	_ =	shalt  }
0x4f: {  	_ =	shalt  }
0x50: {  	_ =	shalt  }
0x51: {  	_ =	shalt  }
0x52: {  	_ =	shalt  }
0x53: {  	_ =	shalt  }
0x54: {  	_ =	shalt  }
0x55: {  	_ =	shalt  }
0x56: {  	_ =	shalt  }
0x57: {  	_ =	shalt  }
0x58: {  	_ =	shalt  }
0x59: {  	_ =	shalt  }
0x5a: {  	_ =	shalt  }
0x5b: {  	_ =	shalt  }
0x5c: {  	_ =	shalt  }
0x5d: {  	_ =	shalt  }
0x5e: {  	_ =	shalt  }
0x5f: {  	_ =	shalt  }
0x60: {  	_ =	shalt  }
0x61: {  	_ =	shalt  }
0x62: {  	_ =	shalt  }
0x63: {  	_ =	shalt  }
0x64: {  	_ =	shalt  }
0x65: {  	_ =	shalt  }
0x66: {  	_ =	shalt  }
0x67: {  	_ =	shalt  }
0x68: {  	_ =	shalt  }
0x69: {  	_ =	shalt  }
0x6a: {  	_ =	shalt  }
0x6b: {  	_ =	shalt  }
0x6c: {  	_ =	shalt  }
0x6d: {  	_ =	shalt  }
0x6e: {  	_ =	shalt  }
0x6f: {  	_ =	shalt  }
0x70: {  	_ =	shalt  }
0x71: {  	_ =	shalt  }
0x72: {  	_ =	shalt  }
0x73: {  	_ =	shalt  }
0x74: {  	_ =	shalt  }
0x75: {  	_ =	shalt  }
0x76: {  	_ =	shalt  }
0x77: {  	_ =	shalt  }
0x78: {  	_ =	shalt  }
0x79: {  	_ =	shalt  }
0x7a: {  	_ =	shalt  }
0x7b: {  	_ =	shalt  }
0x7c: {  	_ =	shalt  }
0x7d: {  	_ =	shalt  }
0x7e: {  	_ =	shalt  }
0x7f: {  	_ =	shalt  }
0x80: {  	_ =	shalt  }
0x81: {  	_ =	shalt  }
0x82: {  	_ =	shalt  }
0x83: {  	_ =	shalt  }
0x84: {  	_ =	shalt  }
0x85: {  	_ =	shalt  }
0x86: {  	_ =	shalt  }
0x87: {  	_ =	shalt  }
.Lfunc_end0:
.L_simem_size_0:
called_computation_lowered:
.L_overlay_start_0:
0x88: {  	s2 =	sld [smem:$0x3FD9]  }
0x89: {  	s3 =	sld [smem:$0x3FFE];
	_ =	sdelay $0x1  }
0x8a: {  	s1 =	srdreg.scid  }
0x8b: {  	s0 =	sand.u32 $0x1, s1  }
0x8c: {  	s16 =	sshll.u32 s0, $0xA;
	s2 =	sadd.s32 s3, s2  }
0x8d: {  	s2 =	sadd.s32 s2, s16  }
0x8e: {  	[smem:$0x3FBA] =	sst s2  }
0x8f: {  	_ = 	snop  }
0x90: {  	(tm) =	ssettm $0x1  }
0x91: {  	s17 =	sld [smem:$0x3FFB];
	_ =	sdelay $0x3  }
0x92: {  	_ =	strace s17  }
0x93: {  	s2 =	sld [smem:$0x3FFC];
	_ =	sdelay $0x3  }
0x94: {  	_ =	strace s2  }
0x95: {  	s2 =	sld [smem:$0x3FFD];
	_ =	sdelay $0x3  }
0x96: {  	_ =	strace s2  }
0x97: {  	_ =	strace $0x8FFFFFFF  }
0x98: {  	s18 =	sld [smem:$0x3FDB];
	_ =	sdelay $0x1  }
0x99: {  	s19 =	simm.s32 $_scs_section_size  }
0x9a: {  	s4 =	simm.s32 $_size__tile_overlayer_lowered;
	s5 =	simm.s32 $_tile_overlayer_lowered  }
0x9b: {  	s22 =	simm.s32 $0x1BFF;
	s21 =	sshll.u32 s5, $0x1;
	s2 =	sadd.s32 s19, s18  }
0x9c: {  	s6 =	simm.s32 $0x0;
	s20 =	sshll.u32 s4, $0x1;
	s4 =	sadd.s32 s21, s2  }
0x9d: {  	[timem:s6], [sflag:s22] =	dma.local [hbm:s4], s20  }
0x9e: {  	_ =	swait.ge [sflag:s22], s20  }
0x9f: {  	s3 =	ssub.s32 $0x0, s20;
	[sflag:s22] =	ssyncset.done $0x0  }
0xa0: {  	[sflag:s22] =	ssyncadd.s32 s3;
	_ =	sdelay $0x1  }
0xa1: {  	s23 =	simm.s32 $0x1B8B  }
0xa2: {  	_ =	swait.ge [sflag:s23], $0x1  }
0xa3: {  	[sflag:s23] =	ssyncset.done $0x0  }
0xa4: {  	s25 =	simm.s32 $0x1B8E;
	s24 =	sld [smem:$0x3FFE];
	[sflag:s23] =	ssyncadd.s32 $0xFFFFFFFF  }
0xa5: {  	s26 =	simm.s32 $execute0_lowered;
	[smem:$0x3FD2] =	sst s25  }
0xa6: {  	s4 =	sshll.u32 s26, $0x1;
	_ =	strace $0x80000046;
	[dreg:$0x1] =	wrdreg $0xFFFFFFFF  }
0xa7: {  	s28 =	simm.s32 $_size_execute0_lowered;
	s2 =	sadd.s32 s2, s4;
	[dreg:$0x0] =	wrdreg $0x0  }
0xa8: {  	s4 =	sshll.u32 s28, $0x1;
	[dreg:$0x2] =	wrdreg s2  }
0xa9: {  	[dreg:$0x3] =	wrdreg s4  }
0xaa: {  	[dreg:$0x4] =	wrdreg $0xC0  }
0xab: {  	_ =	task [dreg:s6], $0x5FFFF  }
0xac: {  	[dreg:$0x1] =	wrdreg $0xFFFFFFFF  }
0xad: {  	[dreg:$0x0] =	wrdreg $0x60  }
0xae: {  	[dreg:$0x2] =	wrdreg s24  }
0xaf: {  	[dreg:$0x3] =	wrdreg $0x9  }
0xb0: {  	_ =	task.clear_ibuf [dreg:s6], $0x4FFFF;
	_ =	strace $0x90000046  }
0xb1: {  	s29 =	simm.s32 $0x9;
	_ =	strace $0x80000048  }
0xb2: {  	_ =	swait.ge [sflag:s29], $0x1  }
0xb3: {  	[sflag:s29] =	ssyncadd.s32 $0xFFFFFFFF  }
0xb4: {  	_ =	strace $0x90000048  }
0xb5: {  	_ =	sfence  }
0xb6: {  	s30 =	sld [smem:$0x0];
	_ =	sdelay $0x2  }
0xb7: {  	s31 =	sshll.u32 s1, $0xD;
	s1 =	sshrl.u32 s1, $0x2  }
0xb8: {  	s3 =	sand.u32 $0x4000, s31;
	s1 =	sadd.s32 s1, s30  }
0xb9: {  	s0 =	sor.u32 s3, s0;
	s1 =	sshll.u32 s1, $0x11  }
0xba: {  	s0 =	sor.u32 s1, s0  }
0xbb: {  	s0 =	sadd.s32 $0x8F2B, s0  }
0xbc: {  	[sflag:s0] =	ssyncadd.remote.s32 $0x1  }
0xbd: {  	_ =	sfence.sel $0xFFFF  }
0xbe: {  	[dreg:$0x0] =	wrdreg $0xFFFFFFFF;
	(pc) =	sbr.abs _section_cstart, $3  }
0xbf: {  	[dreg:$0x1] =	wrdreg $0xFFFFFFFF  }
0xc0: {  	_ =	task.clear_ibuf [dreg:s6], $0x2FFFF;
	_ =	strace $0x9FFFFFFF  }
0xc1: {  	(tm) =	ssettm $0x7FFFFFFF  }
tec
execute0_lowered:
.L_overlay_start_1:
0x0: {  	(tag) =	ssettag $0x1  }
0x1: {  	s0 =	rddreg [dreg:$0x0];
	s1 =	srdreg.scid  }
0x2: {  	s2 =	simm.s32 $0x0;
	s5 =	stileid.u32;
	s31 =	simm.s32 $0x200  }
0x3: {  	s28 =	simm.s32 $0x4;
	[smem:$0x7FF] =	sst s2;
	s3 =	sshll.u32 s5, $0xF  }
0x4: {  	s1 =	sand.u32 $0x1, s1;
	s8 =	sadd.s32 $0x208400, s0;
	s10 =	sadd.s32 $0x208600, s0  }
0x5: {  	s5 =	sshll.u32 s5, $0x7;
	s4 =	sshll.u32 s1, $0xE;
	_ =	strace $0x80000047  }
0x6: {  	s26 =	ssub.s32 $0x2, s1;
	s1 =	sshll.u32 s1, $0x6;
	[dreg:$0x7] =	wrdreg s31  }
0x7: {  	s3 =	sor.u32 s4, s3;
	s6 =	sshrl.u32 s26, $0x1;
	s1 =	sor.u32 s1, s5  }
0x8: {  	s5 =	sadd.s32 $0x208100, s0;
	s11 =	sadd.s32 s3, s0;
	s1 =	sadd.s32 s0, s1  }
0x9: {  	s3 =	sadd.s32 $0x208000, s0;
	[dreg:$0x8] =	wrdreg s1;
	s1 =	sadd.s32 $0x800, s1  }
0xa: {  	s4 =	ssub.s32 s26, s6;
	s7 =	sadd.s32 $0x108000, s11;
	[dreg:$0x2] =	wrdreg s1  }
0xb: {  	s6 =	sadd.s32 $0x208200, s0;
	s9 =	sadd.s32 $0x109000, s11;
	[dreg:$0x3] =	wrdreg s7  }
0xc: {  	v2 =	vlaneseq.u32;
	s29 =	sadd.s32 $0x10A000, s11;
	s30 =	sadd.s32 $0x10B000, s11;
	[dreg:$0x4] =	wrdreg s9  }
0xd: {  	vm0 =	vmmov $0xffff;
	v1 =	vshrl.u32 v2, $0x3;
	s11 =	sadd.s32 $0x208700, s0;
	s12 =	smax.u32 s4, $0x1;
	[dreg:$0x5] =	wrdreg s29  }
0xe: {  	v0 =	vand.u32 $0x7, v2;
	v2 =	vor.u32 $0x8, v2;
	v1 =	vmul.u32 $0x8, v1;
	s7 =	sadd.s32 $0x208300, s0;
	s9 =	sadd.s32 $0x208500, s0;
	[dreg:$0x6] =	wrdreg s30  }
.LBB2_1:
0xf: {  	s18 =	rddreg [dreg:$0x2];
	s0 =	simm.s32 $0x5  }
0x10: {  	[tilespmem:s2], [sflag:$0x5] =	stream.linear.gather [hbm4b:s18+s2], $0x200, $0x38;
	[tilespmem:$0x10400] =	vst v63  }
0x11: {  	_ =	swait.ge [sflag:s0], $0x200  }
0x12: {  	s17 =	rddreg [dreg:$0x7];
	[sflag:s0] =	ssyncset.done $0x0  }
0x13: {  	s19 =	rddreg [dreg:$0x8];
	[sflag:s0] =	ssyncadd.s32 $0xFFFFFE00  }
0x14: {  	[tilespmem:s17], [sflag:$0x5] =	stream.linear.gather [hbm4b:s19+s2], $0x200, $0x38;
	[tilespmem:$0x10400] =	vst v63  }
0x15: {  	_ =	swait.ge [sflag:s0], $0x200  }
0x16: {  	[sflag:s0] =	ssyncset.done $0x0  }
0x17: {  	s21 =	simm.s32 $0x400;
	s19 =	rddreg [dreg:$0x3];
	[sflag:s0] =	ssyncadd.s32 $0xFFFFFE00  }
0x18: {  	[tilespmem:s21], [sflag:$0x1] =	stream.linear.gather [hbm4b:s19+s2], $0x8000, $0x38;
	[tilespmem:$0x10400] =	vst v63  }
0x19: {  	s22 =	simm.s32 $0x8400;
	s4 =	simm.s32 $0x1;
	s20 =	rddreg [dreg:$0x4]  }
0x1a: {  	[tilespmem:s22], [sflag:$0x2] =	stream.linear.gather [hbm4b:s20+s2], $0x8000, $0x38;
	[tilespmem:$0x10400] =	vst v63  }
0x1b: {  	_ =	swait.ge [sflag:s4], $0x8000  }
0x1c: {  	[sflag:s4] =	ssyncset.done $0x0  }
0x1d: {  	[sflag:s4] =	ssyncadd.s32 $0xFFFF8000  }
0x1e: {  	v3 =	vld [tilespmem:$0x0];
	_ =	sdelay $0x4  }
0x1f: {  	v4 =	vshll.u32 v3, $0x4  }
0x20: {  	v3 =	vand.u32 $0x7, v3;
	v4 =	vand.u32 $0xFFFFFF80, v4  }
0x21: {  	v3 =	vor.u32 v3, v4  }
0x22: {  	v4 =	vperm.xlane v3, v0;
	_ =	sdelay $0x1  }
0x23: {  	v4 =	vadd.s32 v1, v4;
	_ =	sdelay $0x3  }
0x24: {  	s1 =	simm.s32 $0x400  }
0x25: {  	[hbm4b:s3+s2] =	stream.indirect_vreg.scatter [tilespmem:s1], [sflag:$0x3], $0x80, v4, vm0, $0xb8;
	[tilespmem:$0x10400] =	vst v63  }
0x26: {  	s23 =	simm.s32 $0xC00  }
0x27: {  	[hbm4b:s5+s2] =	stream.indirect_vreg.scatter [tilespmem:s23], [sflag:$0x3], $0x80, v4, vm0, $0xb8;
	[tilespmem:$0x10400] =	vst v63  }
0x28: {  	s24 =	simm.s32 $0x1400  }
0x29: {  	[hbm4b:s6+s2] =	stream.indirect_vreg.scatter [tilespmem:s24], [sflag:$0x3], $0x80, v4, vm0, $0xb8;
	[tilespmem:$0x10400] =	vst v63  }
0x2a: {  	s25 =	simm.s32 $0x1C00  }
0x2b: {  	[hbm4b:s7+s2] =	stream.indirect_vreg.scatter [tilespmem:s25], [sflag:$0x3], $0x80, v4, vm0, $0xb8;
	[tilespmem:$0x10400] =	vst v63  }
0x2c: {  	s26 =	simm.s32 $0x2400  }
0x2d: {  	[hbm4b:s8+s2] =	stream.indirect_vreg.scatter [tilespmem:s26], [sflag:$0x3], $0x80, v4, vm0, $0xb8;
	[tilespmem:$0x10400] =	vst v63  }
0x2e: {  	s29 =	simm.s32 $0x2C00;
	v3 =	vperm.xlane v3, v2  }
0x2f: {  	[hbm4b:s9+s2] =	stream.indirect_vreg.scatter [tilespmem:s29], [sflag:$0x3], $0x80, v4, vm0, $0xb8;
	[tilespmem:$0x10400] =	vst v63  }
0x30: {  	s30 =	simm.s32 $0x3400;
	v3 =	vadd.s32 v1, v3  }
0x31: {  	[hbm4b:s10+s2] =	stream.indirect_vreg.scatter [tilespmem:s30], [sflag:$0x3], $0x80, v4, vm0, $0xb8;
	[tilespmem:$0x10400] =	vst v63  }
0x32: {  	s31 =	simm.s32 $0x3C00  }
0x33: {  	[hbm4b:s11+s2] =	stream.indirect_vreg.scatter [tilespmem:s31], [sflag:$0x3], $0x80, v4, vm0, $0xb8;
	[tilespmem:$0x10400] =	vst v63  }
0x34: {  	s16 =	simm.s32 $0x4400  }
0x35: {  	[hbm4b:s3+s2] =	stream.indirect_vreg.scatter [tilespmem:s16], [sflag:$0x3], $0x80, v3, vm0, $0xb8;
	[tilespmem:$0x10400] =	vst v63  }
0x36: {  	s17 =	simm.s32 $0x4C00  }
0x37: {  	[hbm4b:s5+s2] =	stream.indirect_vreg.scatter [tilespmem:s17], [sflag:$0x3], $0x80, v3, vm0, $0xb8;
	[tilespmem:$0x10400] =	vst v63  }
0x38: {  	s20 =	simm.s32 $0x5400  }
0x39: {  	[hbm4b:s6+s2] =	stream.indirect_vreg.scatter [tilespmem:s20], [sflag:$0x3], $0x80, v3, vm0, $0xb8;
	[tilespmem:$0x10400] =	vst v63  }
0x3a: {  	s21 =	simm.s32 $0x5C00  }
0x3b: {  	[hbm4b:s7+s2] =	stream.indirect_vreg.scatter [tilespmem:s21], [sflag:$0x3], $0x80, v3, vm0, $0xb8;
	[tilespmem:$0x10400] =	vst v63  }
0x3c: {  	s22 =	simm.s32 $0x6400  }
0x3d: {  	[hbm4b:s8+s2] =	stream.indirect_vreg.scatter [tilespmem:s22], [sflag:$0x3], $0x80, v3, vm0, $0xb8;
	[tilespmem:$0x10400] =	vst v63  }
0x3e: {  	s23 =	simm.s32 $0x6C00  }
0x3f: {  	[hbm4b:s9+s2] =	stream.indirect_vreg.scatter [tilespmem:s23], [sflag:$0x3], $0x80, v3, vm0, $0xb8;
	[tilespmem:$0x10400] =	vst v63  }
0x40: {  	s24 =	simm.s32 $0x7400  }
0x41: {  	[hbm4b:s10+s2] =	stream.indirect_vreg.scatter [tilespmem:s24], [sflag:$0x3], $0x80, v3, vm0, $0xb8;
	[tilespmem:$0x10400] =	vst v63  }
0x42: {  	s26 =	simm.s32 $0x7C00  }
0x43: {  	[hbm4b:s11+s2] =	stream.indirect_vreg.scatter [tilespmem:s26], [sflag:$0x3], $0x80, v3, vm0, $0xb8;
	[tilespmem:$0x10400] =	vst v63  }
0x44: {  	v3 =	vld [tilespmem:$0x200];
	_ =	sdelay $0x4  }
0x45: {  	v57 =	vshll.u32 v3, $0x4  }
0x46: {  	v3 =	vand.u32 $0x7, v3;
	v4 =	vand.u32 $0xFFFFFF80, v57  }
0x47: {  	v3 =	vor.u32 v3, v4  }
0x48: {  	v4 =	vperm.xlane v3, v0;
	_ =	sdelay $0x1  }
0x49: {  	v4 =	vadd.s32 v1, v4;
	_ =	sdelay $0x3  }
0x4a: {  	s1 =	simm.s32 $0x400  }
0x4b: {  	[hbm4b:s3+s2] =	stream.indirect_vreg.scatter [tilespmem:s1], [sflag:$0x3], $0x80, v4, vm0, $0xb8;
	[tilespmem:$0x10400] =	vst v63  }
0x4c: {  	s15 =	simm.s32 $0xC00  }
0x4d: {  	[hbm4b:s5+s2] =	stream.indirect_vreg.scatter [tilespmem:s15], [sflag:$0x3], $0x80, v4, vm0, $0xb8;
	[tilespmem:$0x10400] =	vst v63  }
0x4e: {  	s13 =	simm.s32 $0x1400  }
0x4f: {  	[hbm4b:s6+s2] =	stream.indirect_vreg.scatter [tilespmem:s13], [sflag:$0x3], $0x80, v4, vm0, $0xb8;
	[tilespmem:$0x10400] =	vst v63  }
0x50: {  	s14 =	simm.s32 $0x1C00  }
0x51: {  	[hbm4b:s7+s2] =	stream.indirect_vreg.scatter [tilespmem:s14], [sflag:$0x3], $0x80, v4, vm0, $0xb8;
	[tilespmem:$0x10400] =	vst v63  }
0x52: {  	s25 =	simm.s32 $0x2400  }
0x53: {  	[hbm4b:s8+s2] =	stream.indirect_vreg.scatter [tilespmem:s25], [sflag:$0x3], $0x80, v4, vm0, $0xb8;
	[tilespmem:$0x10400] =	vst v63  }
0x54: {  	s29 =	simm.s32 $0x2C00;
	v3 =	vperm.xlane v3, v2  }
0x55: {  	[hbm4b:s9+s2] =	stream.indirect_vreg.scatter [tilespmem:s29], [sflag:$0x3], $0x80, v4, vm0, $0xb8;
	[tilespmem:$0x10400] =	vst v63  }
0x56: {  	s18 =	simm.s32 $0x3400;
	v3 =	vadd.s32 v1, v3  }
0x57: {  	[hbm4b:s10+s2] =	stream.indirect_vreg.scatter [tilespmem:s18], [sflag:$0x3], $0x80, v4, vm0, $0xb8;
	[tilespmem:$0x10400] =	vst v63  }
0x58: {  	s19 =	simm.s32 $0x3C00  }
0x59: {  	[hbm4b:s11+s2] =	stream.indirect_vreg.scatter [tilespmem:s19], [sflag:$0x3], $0x80, v4, vm0, $0xb8;
	[tilespmem:$0x10400] =	vst v63  }
0x5a: {  	s16 =	simm.s32 $0x4400  }
0x5b: {  	[hbm4b:s3+s2] =	stream.indirect_vreg.scatter [tilespmem:s16], [sflag:$0x3], $0x80, v3, vm0, $0xb8;
	[tilespmem:$0x10400] =	vst v63  }
0x5c: {  	s17 =	simm.s32 $0x4C00  }
0x5d: {  	[hbm4b:s5+s2] =	stream.indirect_vreg.scatter [tilespmem:s17], [sflag:$0x3], $0x80, v3, vm0, $0xb8;
	[tilespmem:$0x10400] =	vst v63  }
0x5e: {  	s20 =	simm.s32 $0x5400  }
0x5f: {  	[hbm4b:s6+s2] =	stream.indirect_vreg.scatter [tilespmem:s20], [sflag:$0x3], $0x80, v3, vm0, $0xb8;
	[tilespmem:$0x10400] =	vst v63  }
0x60: {  	s21 =	simm.s32 $0x5C00  }
0x61: {  	[hbm4b:s7+s2] =	stream.indirect_vreg.scatter [tilespmem:s21], [sflag:$0x3], $0x80, v3, vm0, $0xb8;
	[tilespmem:$0x10400] =	vst v63  }
0x62: {  	s22 =	simm.s32 $0x6400  }
0x63: {  	[hbm4b:s8+s2] =	stream.indirect_vreg.scatter [tilespmem:s22], [sflag:$0x3], $0x80, v3, vm0, $0xb8;
	[tilespmem:$0x10400] =	vst v63  }
0x64: {  	s23 =	simm.s32 $0x6C00  }
0x65: {  	[hbm4b:s9+s2] =	stream.indirect_vreg.scatter [tilespmem:s23], [sflag:$0x3], $0x80, v3, vm0, $0xb8;
	[tilespmem:$0x10400] =	vst v63  }
0x66: {  	s24 =	simm.s32 $0x7400  }
0x67: {  	[hbm4b:s10+s2] =	stream.indirect_vreg.scatter [tilespmem:s24], [sflag:$0x3], $0x80, v3, vm0, $0xb8;
	[tilespmem:$0x10400] =	vst v63  }
0x68: {  	s30 =	simm.s32 $0x7C00;
	s17 =	simm.s32 $0x3  }
0x69: {  	[hbm4b:s11+s2] =	stream.indirect_vreg.scatter [tilespmem:s30], [sflag:$0x3], $0x80, v3, vm0, $0xb8;
	[tilespmem:$0x10400] =	vst v63  }
0x6a: {  	_ =	swait.ge [sflag:s17], $0x8000  }
0x6b: {  	[sflag:s17] =	ssyncset.done $0x0  }
0x6c: {  	[sflag:s17] =	ssyncadd.s32 $0xFFFF8000  }
0x6d: {  	_ =	swait.ge [sflag:s17], $0x8000  }
0x6e: {  	s0 =	simm.s32 $0x2;
	[sflag:s17] =	ssyncset.done $0x0  }
0x6f: {  	s31 =	simm.s32 $0x400;
	s15 =	rddreg [dreg:$0x5];
	[sflag:s17] =	ssyncadd.s32 $0xFFFF8000  }
0x70: {  	[tilespmem:s31], [sflag:$0x1] =	stream.linear.gather [hbm4b:s15+s2], $0x8000, $0x38;
	[tilespmem:$0x10400] =	vst v63  }
0x71: {  	_ =	swait.ge [sflag:s0], $0x8000  }
0x72: {  	[sflag:s0] =	ssyncset.done $0x0  }
0x73: {  	[sflag:s0] =	ssyncadd.s32 $0xFFFF8000  }
0x74: {  	v3 =	vld [tilespmem:$0x80];
	_ =	sdelay $0x4  }
0x75: {  	v58 =	vshll.u32 v3, $0x4  }
0x76: {  	v3 =	vand.u32 $0x7, v3;
	v4 =	vand.u32 $0xFFFFFF80, v58  }
0x77: {  	v3 =	vor.u32 v3, v4  }
0x78: {  	v4 =	vperm.xlane v3, v0;
	_ =	sdelay $0x1  }
0x79: {  	v4 =	vadd.s32 v1, v4;
	_ =	sdelay $0x3  }
0x7a: {  	s18 =	simm.s32 $0x8400  }
0x7b: {  	[hbm4b:s3+s2] =	stream.indirect_vreg.scatter [tilespmem:s18], [sflag:$0x4], $0x80, v4, vm0, $0xb8;
	[tilespmem:$0x10400] =	vst v63  }
0x7c: {  	s16 =	simm.s32 $0x8C00  }
0x7d: {  	[hbm4b:s5+s2] =	stream.indirect_vreg.scatter [tilespmem:s16], [sflag:$0x4], $0x80, v4, vm0, $0xb8;
	[tilespmem:$0x10400] =	vst v63  }
0x7e: {  	s19 =	simm.s32 $0x9400  }
0x7f: {  	[hbm4b:s6+s2] =	stream.indirect_vreg.scatter [tilespmem:s19], [sflag:$0x4], $0x80, v4, vm0, $0xb8;
	[tilespmem:$0x10400] =	vst v63  }
0x80: {  	s20 =	simm.s32 $0x9C00  }
0x81: {  	[hbm4b:s7+s2] =	stream.indirect_vreg.scatter [tilespmem:s20], [sflag:$0x4], $0x80, v4, vm0, $0xb8;
	[tilespmem:$0x10400] =	vst v63  }
0x82: {  	s19 =	simm.s32 $0xA400  }
0x83: {  	[hbm4b:s8+s2] =	stream.indirect_vreg.scatter [tilespmem:s19], [sflag:$0x4], $0x80, v4, vm0, $0xb8;
	[tilespmem:$0x10400] =	vst v63  }
0x84: {  	s21 =	simm.s32 $0xAC00;
	v3 =	vperm.xlane v3, v2  }
0x85: {  	[hbm4b:s9+s2] =	stream.indirect_vreg.scatter [tilespmem:s21], [sflag:$0x4], $0x80, v4, vm0, $0xb8;
	[tilespmem:$0x10400] =	vst v63  }
0x86: {  	s22 =	simm.s32 $0xB400;
	v3 =	vadd.s32 v1, v3  }
0x87: {  	[hbm4b:s10+s2] =	stream.indirect_vreg.scatter [tilespmem:s22], [sflag:$0x4], $0x80, v4, vm0, $0xb8;
	[tilespmem:$0x10400] =	vst v63  }
0x88: {  	s23 =	simm.s32 $0xBC00  }
0x89: {  	[hbm4b:s11+s2] =	stream.indirect_vreg.scatter [tilespmem:s23], [sflag:$0x4], $0x80, v4, vm0, $0xb8;
	[tilespmem:$0x10400] =	vst v63  }
0x8a: {  	s24 =	simm.s32 $0xC400  }
0x8b: {  	[hbm4b:s3+s2] =	stream.indirect_vreg.scatter [tilespmem:s24], [sflag:$0x4], $0x80, v3, vm0, $0xb8;
	[tilespmem:$0x10400] =	vst v63  }
0x8c: {  	s25 =	simm.s32 $0xCC00  }
0x8d: {  	[hbm4b:s5+s2] =	stream.indirect_vreg.scatter [tilespmem:s25], [sflag:$0x4], $0x80, v3, vm0, $0xb8;
	[tilespmem:$0x10400] =	vst v63  }
0x8e: {  	s26 =	simm.s32 $0xD400  }
0x8f: {  	[hbm4b:s6+s2] =	stream.indirect_vreg.scatter [tilespmem:s26], [sflag:$0x4], $0x80, v3, vm0, $0xb8;
	[tilespmem:$0x10400] =	vst v63  }
0x90: {  	s29 =	simm.s32 $0xDC00  }
0x91: {  	[hbm4b:s7+s2] =	stream.indirect_vreg.scatter [tilespmem:s29], [sflag:$0x4], $0x80, v3, vm0, $0xb8;
	[tilespmem:$0x10400] =	vst v63  }
0x92: {  	s30 =	simm.s32 $0xE400  }
0x93: {  	[hbm4b:s8+s2] =	stream.indirect_vreg.scatter [tilespmem:s30], [sflag:$0x4], $0x80, v3, vm0, $0xb8;
	[tilespmem:$0x10400] =	vst v63  }
0x94: {  	s29 =	simm.s32 $0xEC00  }
0x95: {  	[hbm4b:s9+s2] =	stream.indirect_vreg.scatter [tilespmem:s29], [sflag:$0x4], $0x80, v3, vm0, $0xb8;
	[tilespmem:$0x10400] =	vst v63  }
0x96: {  	s31 =	simm.s32 $0xF400  }
0x97: {  	[hbm4b:s10+s2] =	stream.indirect_vreg.scatter [tilespmem:s31], [sflag:$0x4], $0x80, v3, vm0, $0xb8;
	[tilespmem:$0x10400] =	vst v63  }
0x98: {  	s30 =	simm.s32 $0xFC00  }
0x99: {  	[hbm4b:s11+s2] =	stream.indirect_vreg.scatter [tilespmem:s30], [sflag:$0x4], $0x80, v3, vm0, $0xb8;
	[tilespmem:$0x10400] =	vst v63  }
0x9a: {  	v3 =	vld [tilespmem:$0x280];
	_ =	sdelay $0x4  }
0x9b: {  	v59 =	vshll.u32 v3, $0x4  }
0x9c: {  	v3 =	vand.u32 $0x7, v3;
	v4 =	vand.u32 $0xFFFFFF80, v59  }
0x9d: {  	v3 =	vor.u32 v3, v4  }
0x9e: {  	v4 =	vperm.xlane v3, v0;
	_ =	sdelay $0x1  }
0x9f: {  	v4 =	vadd.s32 v1, v4;
	_ =	sdelay $0x4  }
0xa0: {  	[hbm4b:s3+s2] =	stream.indirect_vreg.scatter [tilespmem:s18], [sflag:$0x4], $0x80, v4, vm0, $0xb8;
	[tilespmem:$0x10400] =	vst v63  }
0xa1: {  	s15 =	simm.s32 $0x8C00  }
0xa2: {  	[hbm4b:s5+s2] =	stream.indirect_vreg.scatter [tilespmem:s15], [sflag:$0x4], $0x80, v4, vm0, $0xb8;
	[tilespmem:$0x10400] =	vst v63  }
0xa3: {  	s13 =	simm.s32 $0x9400  }
0xa4: {  	[hbm4b:s6+s2] =	stream.indirect_vreg.scatter [tilespmem:s13], [sflag:$0x4], $0x80, v4, vm0, $0xb8;
	[tilespmem:$0x10400] =	vst v63  }
0xa5: {  	s14 =	simm.s32 $0x9C00  }
0xa6: {  	[hbm4b:s7+s2] =	stream.indirect_vreg.scatter [tilespmem:s14], [sflag:$0x4], $0x80, v4, vm0, $0xb8;
	[tilespmem:$0x10400] =	vst v63  }
0xa7: {  	_ = 	snop  }
0xa8: {  	[hbm4b:s8+s2] =	stream.indirect_vreg.scatter [tilespmem:s19], [sflag:$0x4], $0x80, v4, vm0, $0xb8;
	[tilespmem:$0x10400] =	vst v63  }
0xa9: {  	s16 =	simm.s32 $0xAC00;
	v3 =	vperm.xlane v3, v2  }
0xaa: {  	[hbm4b:s9+s2] =	stream.indirect_vreg.scatter [tilespmem:s16], [sflag:$0x4], $0x80, v4, vm0, $0xb8;
	[tilespmem:$0x10400] =	vst v63  }
0xab: {  	s20 =	simm.s32 $0xB400;
	v3 =	vadd.s32 v1, v3  }
0xac: {  	[hbm4b:s10+s2] =	stream.indirect_vreg.scatter [tilespmem:s20], [sflag:$0x4], $0x80, v4, vm0, $0xb8;
	[tilespmem:$0x10400] =	vst v63  }
0xad: {  	s21 =	simm.s32 $0xBC00  }
0xae: {  	[hbm4b:s11+s2] =	stream.indirect_vreg.scatter [tilespmem:s21], [sflag:$0x4], $0x80, v4, vm0, $0xb8;
	[tilespmem:$0x10400] =	vst v63  }
0xaf: {  	s22 =	simm.s32 $0xC400  }
0xb0: {  	[hbm4b:s3+s2] =	stream.indirect_vreg.scatter [tilespmem:s22], [sflag:$0x4], $0x80, v3, vm0, $0xb8;
	[tilespmem:$0x10400] =	vst v63  }
0xb1: {  	s23 =	simm.s32 $0xCC00  }
0xb2: {  	[hbm4b:s5+s2] =	stream.indirect_vreg.scatter [tilespmem:s23], [sflag:$0x4], $0x80, v3, vm0, $0xb8;
	[tilespmem:$0x10400] =	vst v63  }
0xb3: {  	s24 =	simm.s32 $0xD400  }
0xb4: {  	[hbm4b:s6+s2] =	stream.indirect_vreg.scatter [tilespmem:s24], [sflag:$0x4], $0x80, v3, vm0, $0xb8;
	[tilespmem:$0x10400] =	vst v63  }
0xb5: {  	s25 =	simm.s32 $0xDC00  }
0xb6: {  	[hbm4b:s7+s2] =	stream.indirect_vreg.scatter [tilespmem:s25], [sflag:$0x4], $0x80, v3, vm0, $0xb8;
	[tilespmem:$0x10400] =	vst v63  }
0xb7: {  	s26 =	simm.s32 $0xE400  }
0xb8: {  	[hbm4b:s8+s2] =	stream.indirect_vreg.scatter [tilespmem:s26], [sflag:$0x4], $0x80, v3, vm0, $0xb8;
	[tilespmem:$0x10400] =	vst v63  }
0xb9: {  	_ = 	snop  }
0xba: {  	[hbm4b:s9+s2] =	stream.indirect_vreg.scatter [tilespmem:s29], [sflag:$0x4], $0x80, v3, vm0, $0xb8;
	[tilespmem:$0x10400] =	vst v63  }
0xbb: {  	s1 =	simm.s32 $0xF400  }
0xbc: {  	[hbm4b:s10+s2] =	stream.indirect_vreg.scatter [tilespmem:s1], [sflag:$0x4], $0x80, v3, vm0, $0xb8;
	[tilespmem:$0x10400] =	vst v63  }
0xbd: {  	s30 =	simm.s32 $0xFC00  }
0xbe: {  	[hbm4b:s11+s2] =	stream.indirect_vreg.scatter [tilespmem:s30], [sflag:$0x4], $0x80, v3, vm0, $0xb8;
	[tilespmem:$0x10400] =	vst v63  }
0xbf: {  	_ =	swait.ge [sflag:s28], $0x8000  }
0xc0: {  	[sflag:s28] =	ssyncset.done $0x0  }
0xc1: {  	[sflag:s28] =	ssyncadd.s32 $0xFFFF8000  }
0xc2: {  	_ =	swait.ge [sflag:s28], $0x8000  }
0xc3: {  	[sflag:s28] =	ssyncset.done $0x0  }
0xc4: {  	s31 =	simm.s32 $0x8400;
	s30 =	rddreg [dreg:$0x6];
	[sflag:s28] =	ssyncadd.s32 $0xFFFF8000  }
0xc5: {  	[tilespmem:s31], [sflag:$0x2] =	stream.linear.gather [hbm4b:s30+s2], $0x8000, $0x38;
	[tilespmem:$0x10400] =	vst v63  }
0xc6: {  	_ =	swait.ge [sflag:s4], $0x8000  }
0xc7: {  	[sflag:s4] =	ssyncset.done $0x0  }
0xc8: {  	[sflag:s4] =	ssyncadd.s32 $0xFFFF8000  }
0xc9: {  	v3 =	vld [tilespmem:$0x100];
	_ =	sdelay $0x4  }
0xca: {  	v60 =	vshll.u32 v3, $0x4  }
0xcb: {  	v3 =	vand.u32 $0x7, v3;
	v4 =	vand.u32 $0xFFFFFF80, v60  }
0xcc: {  	v3 =	vor.u32 v3, v4  }
0xcd: {  	v4 =	vperm.xlane v3, v0;
	_ =	sdelay $0x1  }
0xce: {  	v4 =	vadd.s32 v1, v4;
	_ =	sdelay $0x3  }
0xcf: {  	s26 =	simm.s32 $0x400  }
0xd0: {  	[hbm4b:s3+s2] =	stream.indirect_vreg.scatter [tilespmem:s26], [sflag:$0x3], $0x80, v4, vm0, $0xb8;
	[tilespmem:$0x10400] =	vst v63  }
0xd1: {  	s4 =	simm.s32 $0xC00  }
0xd2: {  	[hbm4b:s5+s2] =	stream.indirect_vreg.scatter [tilespmem:s4], [sflag:$0x3], $0x80, v4, vm0, $0xb8;
	[tilespmem:$0x10400] =	vst v63  }
0xd3: {  	s18 =	simm.s32 $0x1400  }
0xd4: {  	[hbm4b:s6+s2] =	stream.indirect_vreg.scatter [tilespmem:s18], [sflag:$0x3], $0x80, v4, vm0, $0xb8;
	[tilespmem:$0x10400] =	vst v63  }
0xd5: {  	s1 =	simm.s32 $0x1C00  }
0xd6: {  	[hbm4b:s7+s2] =	stream.indirect_vreg.scatter [tilespmem:s1], [sflag:$0x3], $0x80, v4, vm0, $0xb8;
	[tilespmem:$0x10400] =	vst v63  }
0xd7: {  	s23 =	simm.s32 $0x2400  }
0xd8: {  	[hbm4b:s8+s2] =	stream.indirect_vreg.scatter [tilespmem:s23], [sflag:$0x3], $0x80, v4, vm0, $0xb8;
	[tilespmem:$0x10400] =	vst v63  }
0xd9: {  	s24 =	simm.s32 $0x2C00;
	v3 =	vperm.xlane v3, v2  }
0xda: {  	[hbm4b:s9+s2] =	stream.indirect_vreg.scatter [tilespmem:s24], [sflag:$0x3], $0x80, v4, vm0, $0xb8;
	[tilespmem:$0x10400] =	vst v63  }
0xdb: {  	s30 =	simm.s32 $0x3400;
	v3 =	vadd.s32 v1, v3  }
0xdc: {  	[hbm4b:s10+s2] =	stream.indirect_vreg.scatter [tilespmem:s30], [sflag:$0x3], $0x80, v4, vm0, $0xb8;
	[tilespmem:$0x10400] =	vst v63  }
0xdd: {  	s31 =	simm.s32 $0x3C00  }
0xde: {  	[hbm4b:s11+s2] =	stream.indirect_vreg.scatter [tilespmem:s31], [sflag:$0x3], $0x80, v4, vm0, $0xb8;
	[tilespmem:$0x10400] =	vst v63  }
0xdf: {  	s15 =	simm.s32 $0x4400  }
0xe0: {  	[hbm4b:s3+s2] =	stream.indirect_vreg.scatter [tilespmem:s15], [sflag:$0x3], $0x80, v3, vm0, $0xb8;
	[tilespmem:$0x10400] =	vst v63  }
0xe1: {  	s13 =	simm.s32 $0x4C00  }
0xe2: {  	[hbm4b:s5+s2] =	stream.indirect_vreg.scatter [tilespmem:s13], [sflag:$0x3], $0x80, v3, vm0, $0xb8;
	[tilespmem:$0x10400] =	vst v63  }
0xe3: {  	s14 =	simm.s32 $0x5400  }
0xe4: {  	[hbm4b:s6+s2] =	stream.indirect_vreg.scatter [tilespmem:s14], [sflag:$0x3], $0x80, v3, vm0, $0xb8;
	[tilespmem:$0x10400] =	vst v63  }
0xe5: {  	s16 =	simm.s32 $0x5C00  }
0xe6: {  	[hbm4b:s7+s2] =	stream.indirect_vreg.scatter [tilespmem:s16], [sflag:$0x3], $0x80, v3, vm0, $0xb8;
	[tilespmem:$0x10400] =	vst v63  }
0xe7: {  	s20 =	simm.s32 $0x6400  }
0xe8: {  	[hbm4b:s8+s2] =	stream.indirect_vreg.scatter [tilespmem:s20], [sflag:$0x3], $0x80, v3, vm0, $0xb8;
	[tilespmem:$0x10400] =	vst v63  }
0xe9: {  	s21 =	simm.s32 $0x6C00  }
0xea: {  	[hbm4b:s9+s2] =	stream.indirect_vreg.scatter [tilespmem:s21], [sflag:$0x3], $0x80, v3, vm0, $0xb8;
	[tilespmem:$0x10400] =	vst v63  }
0xeb: {  	s22 =	simm.s32 $0x7400  }
0xec: {  	[hbm4b:s10+s2] =	stream.indirect_vreg.scatter [tilespmem:s22], [sflag:$0x3], $0x80, v3, vm0, $0xb8;
	[tilespmem:$0x10400] =	vst v63  }
0xed: {  	s25 =	simm.s32 $0x7C00  }
0xee: {  	[hbm4b:s11+s2] =	stream.indirect_vreg.scatter [tilespmem:s25], [sflag:$0x3], $0x80, v3, vm0, $0xb8;
	[tilespmem:$0x10400] =	vst v63  }
0xef: {  	v3 =	vld [tilespmem:$0x300];
	_ =	sdelay $0x4  }
0xf0: {  	v61 =	vshll.u32 v3, $0x4  }
0xf1: {  	v3 =	vand.u32 $0x7, v3;
	v4 =	vand.u32 $0xFFFFFF80, v61  }
0xf2: {  	v3 =	vor.u32 v3, v4  }
0xf3: {  	v4 =	vperm.xlane v3, v0;
	_ =	sdelay $0x1  }
0xf4: {  	v4 =	vadd.s32 v1, v4;
	_ =	sdelay $0x4  }
0xf5: {  	[hbm4b:s3+s2] =	stream.indirect_vreg.scatter [tilespmem:s26], [sflag:$0x3], $0x80, v4, vm0, $0xb8;
	[tilespmem:$0x10400] =	vst v63  }
0xf6: {  	_ = 	snop  }
0xf7: {  	[hbm4b:s5+s2] =	stream.indirect_vreg.scatter [tilespmem:s4], [sflag:$0x3], $0x80, v4, vm0, $0xb8;
	[tilespmem:$0x10400] =	vst v63  }
0xf8: {  	_ = 	snop  }
0xf9: {  	[hbm4b:s6+s2] =	stream.indirect_vreg.scatter [tilespmem:s18], [sflag:$0x3], $0x80, v4, vm0, $0xb8;
	[tilespmem:$0x10400] =	vst v63  }
0xfa: {  	_ = 	snop  }
0xfb: {  	[hbm4b:s7+s2] =	stream.indirect_vreg.scatter [tilespmem:s1], [sflag:$0x3], $0x80, v4, vm0, $0xb8;
	[tilespmem:$0x10400] =	vst v63  }
0xfc: {  	_ = 	snop  }
0xfd: {  	[hbm4b:s8+s2] =	stream.indirect_vreg.scatter [tilespmem:s23], [sflag:$0x3], $0x80, v4, vm0, $0xb8;
	[tilespmem:$0x10400] =	vst v63  }
0xfe: {  	v3 =	vperm.xlane v3, v2  }
0xff: {  	[hbm4b:s9+s2] =	stream.indirect_vreg.scatter [tilespmem:s24], [sflag:$0x3], $0x80, v4, vm0, $0xb8;
	[tilespmem:$0x10400] =	vst v63  }
0x100: {  	v3 =	vadd.s32 v1, v3  }
0x101: {  	[hbm4b:s10+s2] =	stream.indirect_vreg.scatter [tilespmem:s30], [sflag:$0x3], $0x80, v4, vm0, $0xb8;
	[tilespmem:$0x10400] =	vst v63  }
0x102: {  	_ = 	snop  }
0x103: {  	[hbm4b:s11+s2] =	stream.indirect_vreg.scatter [tilespmem:s31], [sflag:$0x3], $0x80, v4, vm0, $0xb8;
	[tilespmem:$0x10400] =	vst v63  }
0x104: {  	_ = 	snop  }
0x105: {  	[hbm4b:s3+s2] =	stream.indirect_vreg.scatter [tilespmem:s15], [sflag:$0x3], $0x80, v3, vm0, $0xb8;
	[tilespmem:$0x10400] =	vst v63  }
0x106: {  	_ = 	snop  }
0x107: {  	[hbm4b:s5+s2] =	stream.indirect_vreg.scatter [tilespmem:s13], [sflag:$0x3], $0x80, v3, vm0, $0xb8;
	[tilespmem:$0x10400] =	vst v63  }
0x108: {  	_ = 	snop  }
0x109: {  	[hbm4b:s6+s2] =	stream.indirect_vreg.scatter [tilespmem:s14], [sflag:$0x3], $0x80, v3, vm0, $0xb8;
	[tilespmem:$0x10400] =	vst v63  }
0x10a: {  	_ = 	snop  }
0x10b: {  	[hbm4b:s7+s2] =	stream.indirect_vreg.scatter [tilespmem:s16], [sflag:$0x3], $0x80, v3, vm0, $0xb8;
	[tilespmem:$0x10400] =	vst v63  }
0x10c: {  	_ = 	snop  }
0x10d: {  	[hbm4b:s8+s2] =	stream.indirect_vreg.scatter [tilespmem:s20], [sflag:$0x3], $0x80, v3, vm0, $0xb8;
	[tilespmem:$0x10400] =	vst v63  }
0x10e: {  	_ = 	snop  }
0x10f: {  	[hbm4b:s9+s2] =	stream.indirect_vreg.scatter [tilespmem:s21], [sflag:$0x3], $0x80, v3, vm0, $0xb8;
	[tilespmem:$0x10400] =	vst v63  }
0x110: {  	_ = 	snop  }
0x111: {  	[hbm4b:s10+s2] =	stream.indirect_vreg.scatter [tilespmem:s22], [sflag:$0x3], $0x80, v3, vm0, $0xb8;
	[tilespmem:$0x10400] =	vst v63  }
0x112: {  	_ = 	snop  }
0x113: {  	[hbm4b:s11+s2] =	stream.indirect_vreg.scatter [tilespmem:s25], [sflag:$0x3], $0x80, v3, vm0, $0xb8;
	[tilespmem:$0x10400] =	vst v63  }
0x114: {  	_ =	swait.ge [sflag:s0], $0x8000  }
0x115: {  	[sflag:s0] =	ssyncset.done $0x0  }
0x116: {  	[sflag:s0] =	ssyncadd.s32 $0xFFFF8000  }
0x117: {  	v3 =	vld [tilespmem:$0x180];
	_ =	sdelay $0x4  }
0x118: {  	v62 =	vshll.u32 v3, $0x4  }
0x119: {  	v3 =	vand.u32 $0x7, v3;
	v4 =	vand.u32 $0xFFFFFF80, v62  }
0x11a: {  	v3 =	vor.u32 v3, v4  }
0x11b: {  	v4 =	vperm.xlane v3, v0;
	_ =	sdelay $0x1  }
0x11c: {  	v4 =	vadd.s32 v1, v4;
	_ =	sdelay $0x3  }
0x11d: {  	s1 =	simm.s32 $0x8400  }
0x11e: {  	[hbm4b:s3+s2] =	stream.indirect_vreg.scatter [tilespmem:s1], [sflag:$0x4], $0x80, v4, vm0, $0xb8;
	[tilespmem:$0x10400] =	vst v63  }
0x11f: {  	s13 =	simm.s32 $0x8C00  }
0x120: {  	[hbm4b:s5+s2] =	stream.indirect_vreg.scatter [tilespmem:s13], [sflag:$0x4], $0x80, v4, vm0, $0xb8;
	[tilespmem:$0x10400] =	vst v63  }
0x121: {  	s14 =	simm.s32 $0x9400  }
0x122: {  	[hbm4b:s6+s2] =	stream.indirect_vreg.scatter [tilespmem:s14], [sflag:$0x4], $0x80, v4, vm0, $0xb8;
	[tilespmem:$0x10400] =	vst v63  }
0x123: {  	s15 =	simm.s32 $0x9C00  }
0x124: {  	[hbm4b:s7+s2] =	stream.indirect_vreg.scatter [tilespmem:s15], [sflag:$0x4], $0x80, v4, vm0, $0xb8;
	[tilespmem:$0x10400] =	vst v63  }
0x125: {  	_ = 	snop  }
0x126: {  	[hbm4b:s8+s2] =	stream.indirect_vreg.scatter [tilespmem:s19], [sflag:$0x4], $0x80, v4, vm0, $0xb8;
	[tilespmem:$0x10400] =	vst v63  }
0x127: {  	s16 =	simm.s32 $0xAC00;
	v3 =	vperm.xlane v3, v2  }
0x128: {  	[hbm4b:s9+s2] =	stream.indirect_vreg.scatter [tilespmem:s16], [sflag:$0x4], $0x80, v4, vm0, $0xb8;
	[tilespmem:$0x10400] =	vst v63  }
0x129: {  	s18 =	simm.s32 $0xB400;
	v3 =	vadd.s32 v1, v3  }
0x12a: {  	[hbm4b:s10+s2] =	stream.indirect_vreg.scatter [tilespmem:s18], [sflag:$0x4], $0x80, v4, vm0, $0xb8;
	[tilespmem:$0x10400] =	vst v63  }
0x12b: {  	s20 =	simm.s32 $0xBC00  }
0x12c: {  	[hbm4b:s11+s2] =	stream.indirect_vreg.scatter [tilespmem:s20], [sflag:$0x4], $0x80, v4, vm0, $0xb8;
	[tilespmem:$0x10400] =	vst v63  }
0x12d: {  	s21 =	simm.s32 $0xC400  }
0x12e: {  	[hbm4b:s3+s2] =	stream.indirect_vreg.scatter [tilespmem:s21], [sflag:$0x4], $0x80, v3, vm0, $0xb8;
	[tilespmem:$0x10400] =	vst v63  }
0x12f: {  	s22 =	simm.s32 $0xCC00  }
0x130: {  	[hbm4b:s5+s2] =	stream.indirect_vreg.scatter [tilespmem:s22], [sflag:$0x4], $0x80, v3, vm0, $0xb8;
	[tilespmem:$0x10400] =	vst v63  }
0x131: {  	s23 =	simm.s32 $0xD400  }
0x132: {  	[hbm4b:s6+s2] =	stream.indirect_vreg.scatter [tilespmem:s23], [sflag:$0x4], $0x80, v3, vm0, $0xb8;
	[tilespmem:$0x10400] =	vst v63  }
0x133: {  	s24 =	simm.s32 $0xDC00  }
0x134: {  	[hbm4b:s7+s2] =	stream.indirect_vreg.scatter [tilespmem:s24], [sflag:$0x4], $0x80, v3, vm0, $0xb8;
	[tilespmem:$0x10400] =	vst v63  }
0x135: {  	s26 =	simm.s32 $0xE400  }
0x136: {  	[hbm4b:s8+s2] =	stream.indirect_vreg.scatter [tilespmem:s26], [sflag:$0x4], $0x80, v3, vm0, $0xb8;
	[tilespmem:$0x10400] =	vst v63  }
0x137: {  	_ = 	snop  }
0x138: {  	[hbm4b:s9+s2] =	stream.indirect_vreg.scatter [tilespmem:s29], [sflag:$0x4], $0x80, v3, vm0, $0xb8;
	[tilespmem:$0x10400] =	vst v63  }
0x139: {  	s30 =	simm.s32 $0xF400  }
0x13a: {  	[hbm4b:s10+s2] =	stream.indirect_vreg.scatter [tilespmem:s30], [sflag:$0x4], $0x80, v3, vm0, $0xb8;
	[tilespmem:$0x10400] =	vst v63  }
0x13b: {  	s31 =	simm.s32 $0xFC00  }
0x13c: {  	[hbm4b:s11+s2] =	stream.indirect_vreg.scatter [tilespmem:s31], [sflag:$0x4], $0x80, v3, vm0, $0xb8;
	[tilespmem:$0x10400] =	vst v63  }
0x13d: {  	v3 =	vld [tilespmem:$0x380];
	_ =	sdelay $0x4  }
0x13e: {  	v63 =	vshll.u32 v3, $0x4  }
0x13f: {  	v3 =	vand.u32 $0x7, v3;
	v4 =	vand.u32 $0xFFFFFF80, v63  }
0x140: {  	v3 =	vor.u32 v3, v4  }
0x141: {  	v4 =	vperm.xlane v3, v0;
	_ =	sdelay $0x1  }
0x142: {  	v4 =	vadd.s32 v1, v4;
	_ =	sdelay $0x3  }
0x143: {  	s4 =	simm.s32 $0x8400  }
0x144: {  	[hbm4b:s3+s2] =	stream.indirect_vreg.scatter [tilespmem:s4], [sflag:$0x4], $0x80, v4, vm0, $0xb8;
	[tilespmem:$0x10400] =	vst v63  }
0x145: {  	_ = 	snop  }
0x146: {  	[hbm4b:s5+s2] =	stream.indirect_vreg.scatter [tilespmem:s13], [sflag:$0x4], $0x80, v4, vm0, $0xb8;
	[tilespmem:$0x10400] =	vst v63  }
0x147: {  	_ = 	snop  }
0x148: {  	[hbm4b:s6+s2] =	stream.indirect_vreg.scatter [tilespmem:s14], [sflag:$0x4], $0x80, v4, vm0, $0xb8;
	[tilespmem:$0x10400] =	vst v63  }
0x149: {  	_ = 	snop  }
0x14a: {  	[hbm4b:s7+s2] =	stream.indirect_vreg.scatter [tilespmem:s15], [sflag:$0x4], $0x80, v4, vm0, $0xb8;
	[tilespmem:$0x10400] =	vst v63  }
0x14b: {  	_ = 	snop  }
0x14c: {  	[hbm4b:s8+s2] =	stream.indirect_vreg.scatter [tilespmem:s19], [sflag:$0x4], $0x80, v4, vm0, $0xb8;
	[tilespmem:$0x10400] =	vst v63  }
0x14d: {  	v3 =	vperm.xlane v3, v2  }
0x14e: {  	[hbm4b:s9+s2] =	stream.indirect_vreg.scatter [tilespmem:s16], [sflag:$0x4], $0x80, v4, vm0, $0xb8;
	[tilespmem:$0x10400] =	vst v63  }
0x14f: {  	v3 =	vadd.s32 v1, v3  }
0x150: {  	[hbm4b:s10+s2] =	stream.indirect_vreg.scatter [tilespmem:s18], [sflag:$0x4], $0x80, v4, vm0, $0xb8;
	[tilespmem:$0x10400] =	vst v63  }
0x151: {  	_ = 	snop  }
0x152: {  	[hbm4b:s11+s2] =	stream.indirect_vreg.scatter [tilespmem:s20], [sflag:$0x4], $0x80, v4, vm0, $0xb8;
	[tilespmem:$0x10400] =	vst v63  }
0x153: {  	_ = 	snop  }
0x154: {  	[hbm4b:s3+s2] =	stream.indirect_vreg.scatter [tilespmem:s21], [sflag:$0x4], $0x80, v3, vm0, $0xb8;
	[tilespmem:$0x10400] =	vst v63  }
0x155: {  	_ = 	snop  }
0x156: {  	[hbm4b:s5+s2] =	stream.indirect_vreg.scatter [tilespmem:s22], [sflag:$0x4], $0x80, v3, vm0, $0xb8;
	[tilespmem:$0x10400] =	vst v63  }
0x157: {  	_ = 	snop  }
0x158: {  	[hbm4b:s6+s2] =	stream.indirect_vreg.scatter [tilespmem:s23], [sflag:$0x4], $0x80, v3, vm0, $0xb8;
	[tilespmem:$0x10400] =	vst v63  }
0x159: {  	_ = 	snop  }
0x15a: {  	[hbm4b:s7+s2] =	stream.indirect_vreg.scatter [tilespmem:s24], [sflag:$0x4], $0x80, v3, vm0, $0xb8;
	[tilespmem:$0x10400] =	vst v63  }
0x15b: {  	_ = 	snop  }
0x15c: {  	[hbm4b:s8+s2] =	stream.indirect_vreg.scatter [tilespmem:s26], [sflag:$0x4], $0x80, v3, vm0, $0xb8;
	[tilespmem:$0x10400] =	vst v63  }
0x15d: {  	_ = 	snop  }
0x15e: {  	[hbm4b:s9+s2] =	stream.indirect_vreg.scatter [tilespmem:s29], [sflag:$0x4], $0x80, v3, vm0, $0xb8;
	[tilespmem:$0x10400] =	vst v63  }
0x15f: {  	_ = 	snop  }
0x160: {  	[hbm4b:s10+s2] =	stream.indirect_vreg.scatter [tilespmem:s30], [sflag:$0x4], $0x80, v3, vm0, $0xb8;
	[tilespmem:$0x10400] =	vst v63  }
0x161: {  	_ = 	snop  }
0x162: {  	[hbm4b:s11+s2] =	stream.indirect_vreg.scatter [tilespmem:s31], [sflag:$0x4], $0x80, v3, vm0, $0xb8;
	[tilespmem:$0x10400] =	vst v63  }
0x163: {  	_ =	swait.ge [sflag:s17], $0x8000  }
0x164: {  	[sflag:s17] =	ssyncset.done $0x0  }
0x165: {  	[sflag:s17] =	ssyncadd.s32 $0xFFFF8000  }
0x166: {  	_ =	swait.ge [sflag:s17], $0x8000  }
0x167: {  	[sflag:s17] =	ssyncset.done $0x0  }
0x168: {  	[sflag:s17] =	ssyncadd.s32 $0xFFFF8000  }
0x169: {  	p0 =	sne.s32 s12, $0x1;
	_ =	swait.ge [sflag:s28], $0x8000  }
.Ltmp0:
0x16a: {  	[sflag:s28] =	ssyncset.done $0x0;
	(pc) =	sbr.rel @p0 .LBB2_1-.Ltmp0, $4  }
0x16b: {  	[sflag:s28] =	ssyncadd.s32 $0xFFFF8000  }
0x16c: {  	_ =	swait.ge [sflag:s28], $0x8000  }
0x16d: {  	[sflag:s28] =	ssyncset.done $0x0  }
0x16e: {  	s12 =	sadd.s32 $0xFFFFFFFF, s12;
	[sflag:s28] =	ssyncadd.s32 $0xFFFF8000  }
0x16f: {  	_ =	sfence.sel $0x180000  }
0x170: {  	[bflag:$0x0] =	sbarrier.arrive $0xFFFF  }
0x171: {  	_ =	strace $0x90000047  }
0x172: {  	s0 =	stileid.u32;
	[bflag:$0x2] =	sbarrier.arrive $0xFFFF  }
0x173: {  	p0 =	sne.s32 s0, $0x0;
	s0 =	rddreg [dreg:$0x1]  }
0x174: {  	s0 =	sadd.s32 @!p0 $0x100000, s0  }
0x175: {  	[sflag:s0] =	ssyncadd.tile.s32 @!p0 $0x1;
	_ =	shalt  }
.Lfunc_end2:
_tile_overlayer_lowered:
.L_overlay_start_2:
0x176: {  	(tag) =	ssettag $0x2  }
0x177: {  	s0 =	rddreg [dreg:$0x0];
	s2 =	stileid.u32  }
0x178: {  	s1 =	rddreg [dreg:$0x1];
	p0 =	sne.s32 s2, $0x0  }
0x179: {  	s3 =	rddreg [dreg:$0x2];
	[bflag:$0x3] =	sbarrier.arrive $0xFFFF;
	s2 =	simm.s32 @!p0 $0x1C05  }
0x17a: {  	[timem:s3], [sflag:s2] =	dma.local @!p0 [hbm:s0], s1  }
0x17b: {  	s0 =	simm.s32 @!p0 $0x5  }
0x17c: {  	_ =	swait.ge @!p0 [sflag:s0], s1  }
0x17d: {  	s1 =	ssub.s32 @!p0 $0x0, s1;
	[sflag:s0] =	ssyncset.done @!p0 $0x0  }
0x17e: {  	[sflag:s0] =	ssyncadd.s32 @!p0 s1  }
0x17f: {  	[bflag:$0x3] =	sbarrier.arrive $0xFFFF  }
0x180: {  	_ =	shalt  }

</sc_bundles>
